<compile_context>
chip_gen: v7x
topology: tpu7x:2x2x1
jax: 0.10.2.dev20260603
libtpu: 0.0.44.dev20260713+nightly
codegen_flags: <defaults>
</compile_context>

<pallas_src>
import functools
import jax
import jax.numpy as jnp
import numpy as np
from jax import lax
from jax.experimental import pallas as pl
from jax.experimental.pallas import tpu as pltpu
from jax.experimental.pallas import tpu_sc as plsc

N = 10000
NP = 10240
E = 160000
EP = 163840
EROWS = EP // 128
D0, D1, D2 = 256, 256, 128
NC, NS = 2, 16
RT = NP // NS
K = 128
CH1 = EP // NS // K
CH2 = EP // (NC * NS) // K

_MESH = plsc.VectorSubcoreMesh(core_axis_name="c", subcore_axis_name="s",
                               num_cores=NC, num_subcores=NS)


def _deg_body(dst2d, zeros_k, ones_k, p0, p1, stage_d, ones_v, acc):
  cid = lax.axis_index("c")
  sid = lax.axis_index("s")
  r0 = sid * RT

  pltpu.sync_copy(zeros_k, ones_v)

  def init_chunk(j, carry):
    pltpu.sync_copy(ones_v, acc.at[pl.ds(r0 + j * K, K)])
    return carry

  lax.fori_loop(0, RT // K, init_chunk, 0)
  pltpu.sync_copy(ones_k, ones_v)
  pltpu.sync_copy(dst2d.at[pl.ds((cid * NS + sid) * CH2, CH2)], stage_d)
  plsc.subcore_barrier()

  def chunk(j, carry):
    pltpu.sync_copy(ones_v, acc.at[stage_d.at[j]], add=True)
    return carry

  lax.fori_loop(0, CH2, chunk, 0)
  plsc.subcore_barrier()

  def out_chunk(j, carry):
    sl = pl.ds(r0 + j * K, K)
    pltpu.sync_copy(acc.at[sl], ones_v)

    @pl.when(cid == 0)
    def _():
      pltpu.sync_copy(ones_v, p0.at[sl])

    @pl.when(cid == 1)
    def _():
      pltpu.sync_copy(ones_v, p1.at[sl])

    return carry

  lax.fori_loop(0, RT // K, out_chunk, 0)


def _deg_counts(dst2d):
  zeros_k = jnp.zeros((K, 128), jnp.float32)
  ones_k = jnp.ones((K, 128), jnp.float32)
  f = pl.kernel(
      _deg_body,
      out_type=(jax.ShapeDtypeStruct((NP, 128), jnp.float32),
                jax.ShapeDtypeStruct((NP, 128), jnp.float32)),
      mesh=_MESH,
      scratch_types=[
          pltpu.VMEM((CH2, 128), jnp.int32),
          pltpu.VMEM((K, 128), jnp.float32),
          pltpu.VMEM_SHARED((NP, 128), jnp.float32),
      ],
  )
  return f(dst2d, zeros_k, ones_k)


def _msg1_body(ya, yb, srcp, dstp, oa, ob, sv0, sv1, dv0, dv1, buf0, buf1,
               acc, sem0, sem1):
  cid = lax.axis_index("c")
  sid = lax.axis_index("s")
  r0 = sid * RT
  svs = (sv0, sv1)
  dvs = (dv0, dv1)
  bufs = (buf0, buf1)
  sems = (sem0, sem1)

  def init_chunk(j, carry):
    sl = pl.ds(r0 + j * K, K)

    @pl.when(cid == 0)
    def _():
      pltpu.sync_copy(ya.at[sl], buf0)

    @pl.when(cid == 1)
    def _():
      pltpu.sync_copy(yb.at[sl], buf0)

    pltpu.sync_copy(buf0, acc.at[sl])
    return carry

  lax.fori_loop(0, RT // K, init_chunk, 0)
  plsc.subcore_barrier()

  def gather(tab, b):
    pltpu.async_copy(tab.at[svs[b].at[pl.ds(0, K // 2)]],
                     bufs[b].at[pl.ds(0, K // 2)], sems[b])
    pltpu.async_copy(tab.at[svs[b].at[pl.ds(K // 2, K // 2)]],
                     bufs[b].at[pl.ds(K // 2, K // 2)], sems[b])

  def gather_wait(b):
    pltpu.make_async_copy(ya.at[svs[b].at[pl.ds(0, K // 2)]],
                          bufs[b].at[pl.ds(0, K // 2)], sems[b]).wait()
    pltpu.make_async_copy(ya.at[svs[b].at[pl.ds(K // 2, K // 2)]],
                          bufs[b].at[pl.ds(K // 2, K // 2)], sems[b]).wait()

  e0 = sid * (EP // NS)
  for b in range(2):
    pltpu.sync_copy(srcp.at[pl.ds(e0 + b * K, K)], svs[b])
    pltpu.sync_copy(dstp.at[pl.ds(e0 + b * K, K)], dvs[b])

    @pl.when(cid == 0)
    def _():
      gather(ya, b)

    @pl.when(cid == 1)
    def _():
      gather(yb, b)

  def chunk(i, carry):
    j = i * 2
    for b in range(2):
      jb = j + b
      gather_wait(b)
      pltpu.sync_copy(bufs[b], acc.at[dvs[b]], add=True)

      @pl.when(jb + 2 < CH1)
      def _():
        pltpu.sync_copy(srcp.at[pl.ds(e0 + (jb + 2) * K, K)], svs[b])
        pltpu.sync_copy(dstp.at[pl.ds(e0 + (jb + 2) * K, K)], dvs[b])

        @pl.when(cid == 0)
        def _():
          gather(ya, b)

        @pl.when(cid == 1)
        def _():
          gather(yb, b)

    return carry

  lax.fori_loop(0, CH1 // 2, chunk, 0)
  plsc.subcore_barrier()

  def out_chunk(j, carry):
    sl = pl.ds(r0 + j * K, K)
    pltpu.sync_copy(acc.at[sl], buf0)

    @pl.when(cid == 0)
    def _():
      pltpu.sync_copy(buf0, oa.at[sl])

    @pl.when(cid == 1)
    def _():
      pltpu.sync_copy(buf0, ob.at[sl])

    return carry

  lax.fori_loop(0, RT // K, out_chunk, 0)


def _message_pass1(ya, yb, srcp, dstp):
  f = pl.kernel(
      _msg1_body,
      out_type=(jax.ShapeDtypeStruct((NP, 128), jnp.float32),
                jax.ShapeDtypeStruct((NP, 128), jnp.float32)),
      mesh=_MESH,
      scratch_types=[
          pltpu.VMEM((K,), jnp.int32),
          pltpu.VMEM((K,), jnp.int32),
          pltpu.VMEM((K,), jnp.int32),
          pltpu.VMEM((K,), jnp.int32),
          pltpu.VMEM((K, 128), jnp.float32),
          pltpu.VMEM((K, 128), jnp.float32),
          pltpu.VMEM_SHARED((NP, 128), jnp.float32),
          pltpu.SemaphoreType.DMA,
          pltpu.SemaphoreType.DMA,
      ],
  )
  return f(ya, yb, srcp, dstp)


def _msg2_body(y2, y2c, srcp, dstp, zeros_k, p0, p1, sv0, sv1, dv0, dv1,
               buf0, buf1, acc, sem0, sem1):
  cid = lax.axis_index("c")
  sid = lax.axis_index("s")
  r0 = sid * RT
  svs = (sv0, sv1)
  dvs = (dv0, dv1)
  bufs = (buf0, buf1)
  sems = (sem0, sem1)

  @pl.when(cid == 1)
  def _():
    pltpu.sync_copy(zeros_k, buf0)

  def init_chunk(j, carry):
    sl = pl.ds(r0 + j * K, K)

    @pl.when(cid == 0)
    def _():
      pltpu.sync_copy(y2.at[sl], buf0)

    pltpu.sync_copy(buf0, acc.at[sl])
    return carry

  lax.fori_loop(0, RT // K, init_chunk, 0)
  plsc.subcore_barrier()

  def gather(b):
    @pl.when(cid == 0)
    def _():
      pltpu.async_copy(y2.at[svs[b]], bufs[b], sems[b])

    @pl.when(cid == 1)
    def _():
      pltpu.async_copy(y2c.at[svs[b]], bufs[b], sems[b])

  e0 = (cid * NS + sid) * (EP // (NC * NS))
  for b in range(2):
    pltpu.sync_copy(srcp.at[pl.ds(e0 + b * K, K)], svs[b])
    pltpu.sync_copy(dstp.at[pl.ds(e0 + b * K, K)], dvs[b])
    gather(b)

  def chunk(i, carry):
    j = i * 2
    for b in range(2):
      jb = j + b
      pltpu.make_async_copy(y2.at[svs[b]], bufs[b], sems[b]).wait()
      pltpu.sync_copy(bufs[b], acc.at[dvs[b]], add=True)

      @pl.when(jb + 2 < CH2)
      def _():
        pltpu.sync_copy(srcp.at[pl.ds(e0 + (jb + 2) * K, K)], svs[b])
        pltpu.sync_copy(dstp.at[pl.ds(e0 + (jb + 2) * K, K)], dvs[b])
        gather(b)

    return carry

  lax.fori_loop(0, CH2 // 2, chunk, 0)
  plsc.subcore_barrier()

  def out_chunk(j, carry):
    sl = pl.ds(r0 + j * K, K)
    pltpu.sync_copy(acc.at[sl], buf0)

    @pl.when(cid == 0)
    def _():
      pltpu.sync_copy(buf0, p0.at[sl])

    @pl.when(cid == 1)
    def _():
      pltpu.sync_copy(buf0, p1.at[sl])

    return carry

  lax.fori_loop(0, RT // K, out_chunk, 0)


def _message_pass2(y2, y2c, srcp, dstp):
  zeros_k = jnp.zeros((K, 128), jnp.float32)
  f = pl.kernel(
      _msg2_body,
      out_type=(jax.ShapeDtypeStruct((NP, 128), jnp.float32),
                jax.ShapeDtypeStruct((NP, 128), jnp.float32)),
      mesh=_MESH,
      scratch_types=[
          pltpu.VMEM((K,), jnp.int32),
          pltpu.VMEM((K,), jnp.int32),
          pltpu.VMEM((K,), jnp.int32),
          pltpu.VMEM((K,), jnp.int32),
          pltpu.VMEM((K, 128), jnp.float32),
          pltpu.VMEM((K, 128), jnp.float32),
          pltpu.VMEM_SHARED((NP, 128), jnp.float32),
          pltpu.SemaphoreType.DMA,
          pltpu.SemaphoreType.DMA,
      ],
  )
  return f(y2, y2c, srcp, dstp, zeros_k)


_RB = 1000


def _mm1_body(d0, d1, x_ref, w_ref, ya, yb):
  dinv = lax.rsqrt(d0[...] + d1[...] + 1.0)
  y = jnp.dot(x_ref[...], w_ref[...],
              preferred_element_type=jnp.float32) * dinv
  ya[...] = y[:, :D1 // 2]
  yb[...] = y[:, D1 // 2:]


def _layer1_matmul(deg0, deg1, x, W1):
  grid = (N // _RB,)
  return pl.pallas_call(
      _mm1_body,
      grid=grid,
      in_specs=[
          pl.BlockSpec((_RB, 1), lambda i: (i, 0)),
          pl.BlockSpec((_RB, 1), lambda i: (i, 0)),
          pl.BlockSpec((_RB, D0), lambda i: (i, 0)),
          pl.BlockSpec((D0, D1), lambda i: (0, 0)),
      ],
      out_specs=(
          pl.BlockSpec((_RB, D1 // 2), lambda i: (i, 0)),
          pl.BlockSpec((_RB, D1 // 2), lambda i: (i, 0)),
      ),
      out_shape=(
          jax.ShapeDtypeStruct((NP, D1 // 2), jnp.float32),
          jax.ShapeDtypeStruct((NP, D1 // 2), jnp.float32),
      ),
  )(deg0, deg1, x, W1)


def _mm2_body(aa, ab, d0, d1, b1, w_ref, y2, y2c):
  dinv = lax.rsqrt(d0[...] + d1[...] + 1.0)
  h = jnp.concatenate([aa[...], ab[...]], axis=1)
  h = jnp.maximum(h * dinv + b1[...], 0.0)
  y = jnp.dot(h, w_ref[...], preferred_element_type=jnp.float32) * dinv
  y2[...] = y
  y2c[...] = y


def _layer2_matmul(acc1a, acc1b, deg0, deg1, b1, W2):
  grid = (N // _RB,)
  return pl.pallas_call(
      _mm2_body,
      grid=grid,
      in_specs=[
          pl.BlockSpec((_RB, D1 // 2), lambda i: (i, 0)),
          pl.BlockSpec((_RB, D1 // 2), lambda i: (i, 0)),
          pl.BlockSpec((_RB, 1), lambda i: (i, 0)),
          pl.BlockSpec((_RB, 1), lambda i: (i, 0)),
          pl.BlockSpec((1, D1), lambda i: (0, 0)),
          pl.BlockSpec((D1, D2), lambda i: (0, 0)),
      ],
      out_specs=(
          pl.BlockSpec((_RB, D2), lambda i: (i, 0)),
          pl.BlockSpec((_RB, D2), lambda i: (i, 0)),
      ),
      out_shape=(
          jax.ShapeDtypeStruct((NP, D2), jnp.float32),
          jax.ShapeDtypeStruct((NP, D2), jnp.float32),
      ),
  )(acc1a, acc1b, deg0, deg1, b1, W2)


def _epi_body(p0, p1, d0, d1, b2, z_ref):
  dinv = lax.rsqrt(d0[...] + d1[...] + 1.0)
  z_ref[...] = (p0[...] + p1[...]) * dinv + b2[...]


def _epilogue(p0, p1, deg0, deg1, b2):
  grid = (N // _RB,)
  return pl.pallas_call(
      _epi_body,
      grid=grid,
      in_specs=[
          pl.BlockSpec((_RB, D2), lambda i: (i, 0)),
          pl.BlockSpec((_RB, D2), lambda i: (i, 0)),
          pl.BlockSpec((_RB, 1), lambda i: (i, 0)),
          pl.BlockSpec((_RB, 1), lambda i: (i, 0)),
          pl.BlockSpec((1, D2), lambda i: (0, 0)),
      ],
      out_specs=pl.BlockSpec((_RB, D2), lambda i: (i, 0)),
      out_shape=jax.ShapeDtypeStruct((N, D2), jnp.float32),
  )(p0, p1, deg0, deg1, b2)


@jax.jit
def kernel(x, edge_index, W1, b1, W2, b2):
  pad = jnp.full((EP - E,), N, jnp.int32)
  srcp = jnp.concatenate([edge_index[0].astype(jnp.int32), pad])
  dstp = jnp.concatenate([edge_index[1].astype(jnp.int32), pad])
  dst2d = dstp.reshape(EROWS, 128)

  h0, h1 = _deg_counts(dst2d)
  deg0 = h0[:, :1]
  deg1 = h1[:, :1]
  y1a, y1b = _layer1_matmul(deg0, deg1, x, W1)
  acc1a, acc1b = _message_pass1(y1a, y1b, srcp, dstp)
  y2, y2c = _layer2_matmul(acc1a, acc1b, deg0, deg1, b1.reshape(1, D1), W2)
  p0, p1 = _message_pass2(y2, y2c, srcp, dstp)
  return _epilogue(p0, p1, deg0, deg1, b2.reshape(1, D2))

# --- scband reference (transcript-rebuilt; emitter-appended) ---
"""Pipeline reference for scband-gcnauto-encoder-24867860643949 (READ-ONLY COPY).

The authoritative reference and input builder live on the scoring server;
editing this copy changes nothing except your own understanding.
"""

import jax, jax.numpy as jnp
import numpy as np

N_NODES = 10000
N_EDGES = 160000
DIMS = [256, 256, 128]


def gcn_conv(x, edge_index, W, b, n_nodes):
    # PyG GCNConv: x' = D^{-1/2} (A + I) D^{-1/2} X W + b
    xw = x @ W
    loop = jnp.arange(n_nodes, dtype=edge_index.dtype)
    src = jnp.concatenate([edge_index[0], loop])
    dst = jnp.concatenate([edge_index[1], loop])
    deg = jnp.zeros((n_nodes,), dtype=xw.dtype).at[dst].add(1.0)
    deg_inv_sqrt = jnp.where(deg > 0, deg ** -0.5, 0.0)
    norm = deg_inv_sqrt[src] * deg_inv_sqrt[dst]
    msg = xw[src] * norm[:, None]
    out = jnp.zeros((n_nodes, W.shape[1]), dtype=xw.dtype).at[dst].add(msg)
    return out + b


def setup_inputs(seed: int = 0) -> dict:
    key = jax.random.key(seed)
    k_x, k_e, k_w1, k_w2 = jax.random.split(key, 4)
    x = jax.random.normal(k_x, (N_NODES, DIMS[0]), dtype=jnp.float32)
    edge_index = jax.random.randint(k_e, (2, N_EDGES), 0, N_NODES, dtype=jnp.int64)
    s1 = 1.0 / np.sqrt(DIMS[0])
    s2 = 1.0 / np.sqrt(DIMS[1])
    W1 = jax.random.uniform(k_w1, (DIMS[0], DIMS[1]), dtype=jnp.float32, minval=-s1, maxval=s1)
    b1 = jnp.zeros((DIMS[1],), dtype=jnp.float32)
    W2 = jax.random.uniform(k_w2, (DIMS[1], DIMS[2]), dtype=jnp.float32, minval=-s2, maxval=s2)
    b2 = jnp.zeros((DIMS[2],), dtype=jnp.float32)
    return {"x": x, "edge_index": edge_index, "W1": W1, "b1": b1, "W2": W2, "b2": b2}


def reference(x, edge_index, W1, b1, W2, b2):
    # encode(): GCNConv -> ReLU -> (dropout=identity in eval) -> GCNConv
    h = gcn_conv(x, edge_index, W1, b1, N_NODES)
    h = jax.nn.relu(h)
    z = gcn_conv(h, edge_index, W2, b2, N_NODES)
    return z

if __name__ == "__main__":
    import jax
    _d = setup_inputs()
    print(jax.jit(kernel)(*tuple(_d.values())))

</pallas_src>

<mosaic_0001>
#map = affine_map<(d0, d1) -> (0, 0)>
module attributes {stable_mosaic.version = 14 : i64} {
  func.func @_deg_body(%arg0: i32, %arg1: i32, %arg2: memref<1280x128xi32, #tpu.memory_space<hbm>>, %arg3: memref<128x128xf32, #tpu.memory_space<hbm>>, %arg4: memref<128x128xf32, #tpu.memory_space<hbm>>, %arg5: memref<10240x128xf32, #tpu.memory_space<hbm>>, %arg6: memref<10240x128xf32, #tpu.memory_space<hbm>>, %arg7: memref<40x128xi32, #tpu.memory_space<vmem>>, %arg8: memref<128x128xf32, #tpu.memory_space<vmem>>, %arg9: memref<10240x128xf32, #tpu.memory_space<vmem_shared>>) attributes {dimension_semantics = [#tpu.dimension_semantics<core_parallel>, #tpu.dimension_semantics<subcore_parallel>], iteration_bounds = array<i64: 2, 16>, scalar_prefetch = 0 : i64, scratch_operands = 3 : i64, tpu.core_type = #tpu.core_type<sc_vector_subcore>, window_params = [{transform_indices = #map}, {transform_indices = #map}, {transform_indices = #map}, {transform_indices = #map}, {transform_indices = #map}]} {
    %mul3A = arith.constant 640 : i32
    %mul3A_0 = arith.muli %arg1, %mul3A : i32
    "tpu.region"() ({
      %run_scoped3A = tpu.sem_alloc : memref<!tpu.dma_semaphore, #tpu.memory_space<semaphore_mem>>
      tpu.enqueue_dma source(%arg3 : memref<128x128xf32, #tpu.memory_space<hbm>>) target(%arg8 : memref<128x128xf32, #tpu.memory_space<vmem>>) target_semaphore(%run_scoped3A : memref<!tpu.dma_semaphore, #tpu.memory_space<semaphore_mem>>)
      tpu.wait_dma2 semaphore(%run_scoped3A : memref<!tpu.dma_semaphore, #tpu.memory_space<semaphore_mem>>) src(%arg3 : memref<128x128xf32, #tpu.memory_space<hbm>>) dst(%arg8 : memref<128x128xf32, #tpu.memory_space<vmem>>)
      tpu.yield
    }) : () -> ()
    %scan3A = arith.constant 0 : i32
    %scan3A_1 = arith.constant 0 : i32
    %scan3A_2 = arith.constant 5 : i32
    %scan3A_3 = arith.addi %scan3A_1, %scan3A_2 : i32
    %scan3A_4 = arith.constant 1 : i32
    scf.for %scan3A_23 = %scan3A_1 to %scan3A_3 step %scan3A_4  : i32 {
      %mul3A_24 = arith.constant 128 : i32
      %mul3A_25 = arith.muli %scan3A_23, %mul3A_24 : i32
      %add3A_26 = arith.addi %mul3A_0, %mul3A_25 : i32
      "tpu.region"() ({
        %run_scoped3A = tpu.sem_alloc : memref<!tpu.dma_semaphore, #tpu.memory_space<semaphore_mem>>
        %dma_start3A = arith.constant 0 : i32
        %dma_start3A_27 = tpu.memref_slice %arg9[%add3A_26, %dma_start3A] : memref<10240x128xf32, #tpu.memory_space<vmem_shared>> -> memref<128x128xf32, #tpu.memory_space<vmem_shared>>
        %dma_start3A_28 = arith.constant 0 : i32
        %dma_start3A_29 = tpu.memref_slice %arg9[%add3A_26, %dma_start3A_28] : memref<10240x128xf32, #tpu.memory_space<vmem_shared>> -> memref<128x128xf32, #tpu.memory_space<vmem_shared>>
        tpu.enqueue_dma source(%arg8 : memref<128x128xf32, #tpu.memory_space<vmem>>) target(%dma_start3A_29 : memref<128x128xf32, #tpu.memory_space<vmem_shared>>) target_semaphore(%run_scoped3A : memref<!tpu.dma_semaphore, #tpu.memory_space<semaphore_mem>>)
        %dma_wait3A = arith.constant 0 : i32
        %dma_wait3A_30 = tpu.memref_slice %arg9[%add3A_26, %dma_wait3A] : memref<10240x128xf32, #tpu.memory_space<vmem_shared>> -> memref<128x128xf32, #tpu.memory_space<vmem_shared>>
        %dma_wait3A_31 = arith.constant 0 : i32
        %dma_wait3A_32 = tpu.memref_slice %arg9[%add3A_26, %dma_wait3A_31] : memref<10240x128xf32, #tpu.memory_space<vmem_shared>> -> memref<128x128xf32, #tpu.memory_space<vmem_shared>>
        tpu.wait_dma2 semaphore(%run_scoped3A : memref<!tpu.dma_semaphore, #tpu.memory_space<semaphore_mem>>) src(%arg8 : memref<128x128xf32, #tpu.memory_space<vmem>>) dst(%dma_wait3A_32 : memref<128x128xf32, #tpu.memory_space<vmem_shared>>)
        tpu.yield
      }) : () -> ()
    }
    %scan3A_5 = arith.constant 5 : i32
    "tpu.region"() ({
      %run_scoped3A = tpu.sem_alloc : memref<!tpu.dma_semaphore, #tpu.memory_space<semaphore_mem>>
      tpu.enqueue_dma source(%arg4 : memref<128x128xf32, #tpu.memory_space<hbm>>) target(%arg8 : memref<128x128xf32, #tpu.memory_space<vmem>>) target_semaphore(%run_scoped3A : memref<!tpu.dma_semaphore, #tpu.memory_space<semaphore_mem>>)
      tpu.wait_dma2 semaphore(%run_scoped3A : memref<!tpu.dma_semaphore, #tpu.memory_space<semaphore_mem>>) src(%arg4 : memref<128x128xf32, #tpu.memory_space<hbm>>) dst(%arg8 : memref<128x128xf32, #tpu.memory_space<vmem>>)
      tpu.yield
    }) : () -> ()
    %mul3A_6 = arith.constant 16 : i32
    %mul3A_7 = arith.muli %arg0, %mul3A_6 : i32
    %add3A = arith.addi %mul3A_7, %arg1 : i32
    %mul3A_8 = arith.constant 40 : i32
    %mul3A_9 = arith.muli %add3A, %mul3A_8 : i32
    "tpu.region"() ({
      %run_scoped3A = tpu.sem_alloc : memref<!tpu.dma_semaphore, #tpu.memory_space<semaphore_mem>>
      %dma_start3A = arith.constant 0 : i32
      %dma_start3A_23 = tpu.memref_slice %arg2[%mul3A_9, %dma_start3A] : memref<1280x128xi32, #tpu.memory_space<hbm>> -> memref<40x128xi32, #tpu.memory_space<hbm>>
      %dma_start3A_24 = arith.constant 0 : i32
      %dma_start3A_25 = tpu.memref_slice %arg2[%mul3A_9, %dma_start3A_24] : memref<1280x128xi32, #tpu.memory_space<hbm>> -> memref<40x128xi32, #tpu.memory_space<hbm>>
      tpu.enqueue_dma source(%dma_start3A_25 : memref<40x128xi32, #tpu.memory_space<hbm>>) target(%arg7 : memref<40x128xi32, #tpu.memory_space<vmem>>) target_semaphore(%run_scoped3A : memref<!tpu.dma_semaphore, #tpu.memory_space<semaphore_mem>>)
      %dma_wait3A = arith.constant 0 : i32
      %dma_wait3A_26 = tpu.memref_slice %arg2[%mul3A_9, %dma_wait3A] : memref<1280x128xi32, #tpu.memory_space<hbm>> -> memref<40x128xi32, #tpu.memory_space<hbm>>
      %dma_wait3A_27 = arith.constant 0 : i32
      %dma_wait3A_28 = tpu.memref_slice %arg2[%mul3A_9, %dma_wait3A_27] : memref<1280x128xi32, #tpu.memory_space<hbm>> -> memref<40x128xi32, #tpu.memory_space<hbm>>
      tpu.wait_dma2 semaphore(%run_scoped3A : memref<!tpu.dma_semaphore, #tpu.memory_space<semaphore_mem>>) src(%dma_wait3A_28 : memref<40x128xi32, #tpu.memory_space<hbm>>) dst(%arg7 : memref<40x128xi32, #tpu.memory_space<vmem>>)
      tpu.yield
    }) : () -> ()
    %barrier3A = arith.constant 0 : index
    tpu.barrier barrier_id(%barrier3A)
    %scan3A_10 = arith.constant 0 : i32
    %scan3A_11 = arith.constant 0 : i32
    %scan3A_12 = arith.constant 40 : i32
    %scan3A_13 = arith.addi %scan3A_11, %scan3A_12 : i32
    %scan3A_14 = arith.constant 1 : i32
    scf.for %scan3A_23 = %scan3A_11 to %scan3A_13 step %scan3A_14  : i32 {
      "tpu.region"() ({
        %run_scoped3A = tpu.sem_alloc : memref<!tpu.dma_semaphore, #tpu.memory_space<semaphore_mem>>
        %dma_start3A = arith.constant 0 : i32
        %dma_start3A_24 = tpu.memref_slice %arg7[%scan3A_23, %dma_start3A] : memref<40x128xi32, #tpu.memory_space<vmem>> -> memref<1x128xi32, #tpu.memory_space<vmem>>
        %dma_start3A_25 = tpu.memref_squeeze %dma_start3A_24 : memref<1x128xi32, #tpu.memory_space<vmem>> -> memref<128xi32, #tpu.memory_space<vmem>>
        %dma_start3A_26 = arith.constant 0 : i32
        %dma_start3A_27 = arith.constant 0 : i32
        %dma_start3A_28 = tpu.memref_slice %arg9[%dma_start3A_26, %dma_start3A_27] : memref<10240x128xf32, #tpu.memory_space<vmem_shared>> -> memref<10240x128xf32, #tpu.memory_space<vmem_shared>>
        tpu.enqueue_indirect_dma source(%arg8 : memref<128x128xf32, #tpu.memory_space<vmem>>) target(%dma_start3A_28 : memref<10240x128xf32, #tpu.memory_space<vmem_shared>>) offsets(%dma_start3A_25 : memref<128xi32, #tpu.memory_space<vmem>>) semaphore(%run_scoped3A : memref<!tpu.dma_semaphore, #tpu.memory_space<semaphore_mem>>) {add = true}
        %dma_wait3A = arith.constant 0 : i32
        %dma_wait3A_29 = tpu.memref_slice %arg7[%scan3A_23, %dma_wait3A] : memref<40x128xi32, #tpu.memory_space<vmem>> -> memref<1x128xi32, #tpu.memory_space<vmem>>
        %dma_wait3A_30 = tpu.memref_squeeze %dma_wait3A_29 : memref<1x128xi32, #tpu.memory_space<vmem>> -> memref<128xi32, #tpu.memory_space<vmem>>
        %dma_wait3A_31 = arith.constant 0 : i32
        %dma_wait3A_32 = arith.constant 0 : i32
        %dma_wait3A_33 = tpu.memref_slice %arg9[%dma_wait3A_31, %dma_wait3A_32] : memref<10240x128xf32, #tpu.memory_space<vmem_shared>> -> memref<10240x128xf32, #tpu.memory_space<vmem_shared>>
        tpu.wait_indirect_dma semaphore(%run_scoped3A : memref<!tpu.dma_semaphore, #tpu.memory_space<semaphore_mem>>) src(%arg8 : memref<128x128xf32, #tpu.memory_space<vmem>>) dst(%dma_wait3A_33 : memref<10240x128xf32, #tpu.memory_space<vmem_shared>>)
        tpu.yield
      }) : () -> ()
    }
    %scan3A_15 = arith.constant 40 : i32
    %barrier3A_16 = arith.constant 0 : index
    tpu.barrier barrier_id(%barrier3A_16)
    %scan3A_17 = arith.constant 0 : i32
    %scan3A_18 = arith.constant 0 : i32
    %scan3A_19 = arith.constant 5 : i32
    %scan3A_20 = arith.addi %scan3A_18, %scan3A_19 : i32
    %scan3A_21 = arith.constant 1 : i32
    scf.for %scan3A_23 = %scan3A_18 to %scan3A_20 step %scan3A_21  : i32 {
      %mul3A_24 = arith.constant 128 : i32
      %mul3A_25 = arith.muli %scan3A_23, %mul3A_24 : i32
      %add3A_26 = arith.addi %mul3A_0, %mul3A_25 : i32
      "tpu.region"() ({
        %run_scoped3A = tpu.sem_alloc : memref<!tpu.dma_semaphore, #tpu.memory_space<semaphore_mem>>
        %dma_start3A = arith.constant 0 : i32
        %dma_start3A_34 = tpu.memref_slice %arg9[%add3A_26, %dma_start3A] : memref<10240x128xf32, #tpu.memory_space<vmem_shared>> -> memref<128x128xf32, #tpu.memory_space<vmem_shared>>
        %dma_start3A_35 = arith.constant 0 : i32
        %dma_start3A_36 = tpu.memref_slice %arg9[%add3A_26, %dma_start3A_35] : memref<10240x128xf32, #tpu.memory_space<vmem_shared>> -> memref<128x128xf32, #tpu.memory_space<vmem_shared>>
        tpu.enqueue_dma source(%dma_start3A_36 : memref<128x128xf32, #tpu.memory_space<vmem_shared>>) target(%arg8 : memref<128x128xf32, #tpu.memory_space<vmem>>) target_semaphore(%run_scoped3A : memref<!tpu.dma_semaphore, #tpu.memory_space<semaphore_mem>>)
        %dma_wait3A = arith.constant 0 : i32
        %dma_wait3A_37 = tpu.memref_slice %arg9[%add3A_26, %dma_wait3A] : memref<10240x128xf32, #tpu.memory_space<vmem_shared>> -> memref<128x128xf32, #tpu.memory_space<vmem_shared>>
        %dma_wait3A_38 = arith.constant 0 : i32
        %dma_wait3A_39 = tpu.memref_slice %arg9[%add3A_26, %dma_wait3A_38] : memref<10240x128xf32, #tpu.memory_space<vmem_shared>> -> memref<128x128xf32, #tpu.memory_space<vmem_shared>>
        tpu.wait_dma2 semaphore(%run_scoped3A : memref<!tpu.dma_semaphore, #tpu.memory_space<semaphore_mem>>) src(%dma_wait3A_39 : memref<128x128xf32, #tpu.memory_space<vmem_shared>>) dst(%arg8 : memref<128x128xf32, #tpu.memory_space<vmem>>)
        tpu.yield
      }) : () -> ()
      %eq3A = arith.constant 0 : i32
      %eq3A_27 = arith.cmpi eq, %arg0, %eq3A : i32
      %convert_element_type3A = arith.extui %eq3A_27 : i1 to i32
      %cond3A = arith.constant 0 : i32
      %cond3A_28 = arith.cmpi ne, %convert_element_type3A, %cond3A : i32
      scf.if %cond3A_28 {
        "tpu.region"() ({
          %run_scoped3A = tpu.sem_alloc : memref<!tpu.dma_semaphore, #tpu.memory_space<semaphore_mem>>
          %dma_start3A = arith.constant 0 : i32
          %dma_start3A_34 = tpu.memref_slice %arg5[%add3A_26, %dma_start3A] : memref<10240x128xf32, #tpu.memory_space<hbm>> -> memref<128x128xf32, #tpu.memory_space<hbm>>
          %dma_start3A_35 = arith.constant 0 : i32
          %dma_start3A_36 = tpu.memref_slice %arg5[%add3A_26, %dma_start3A_35] : memref<10240x128xf32, #tpu.memory_space<hbm>> -> memref<128x128xf32, #tpu.memory_space<hbm>>
          tpu.enqueue_dma source(%arg8 : memref<128x128xf32, #tpu.memory_space<vmem>>) target(%dma_start3A_36 : memref<128x128xf32, #tpu.memory_space<hbm>>) target_semaphore(%run_scoped3A : memref<!tpu.dma_semaphore, #tpu.memory_space<semaphore_mem>>)
          %dma_wait3A = arith.constant 0 : i32
          %dma_wait3A_37 = tpu.memref_slice %arg5[%add3A_26, %dma_wait3A] : memref<10240x128xf32, #tpu.memory_space<hbm>> -> memref<128x128xf32, #tpu.memory_space<hbm>>
          %dma_wait3A_38 = arith.constant 0 : i32
          %dma_wait3A_39 = tpu.memref_slice %arg5[%add3A_26, %dma_wait3A_38] : memref<10240x128xf32, #tpu.memory_space<hbm>> -> memref<128x128xf32, #tpu.memory_space<hbm>>
          tpu.wait_dma2 semaphore(%run_scoped3A : memref<!tpu.dma_semaphore, #tpu.memory_space<semaphore_mem>>) src(%arg8 : memref<128x128xf32, #tpu.memory_space<vmem>>) dst(%dma_wait3A_39 : memref<128x128xf32, #tpu.memory_space<hbm>>)
          tpu.yield
        }) : () -> ()
      } else {
      }
      %eq3A_29 = arith.constant 1 : i32
      %eq3A_30 = arith.cmpi eq, %arg0, %eq3A_29 : i32
      %convert_element_type3A_31 = arith.extui %eq3A_30 : i1 to i32
      %cond3A_32 = arith.constant 0 : i32
      %cond3A_33 = arith.cmpi ne, %convert_element_type3A_31, %cond3A_32 : i32
      scf.if %cond3A_33 {
        "tpu.region"() ({
          %run_scoped3A = tpu.sem_alloc : memref<!tpu.dma_semaphore, #tpu.memory_space<semaphore_mem>>
          %dma_start3A = arith.constant 0 : i32
          %dma_start3A_34 = tpu.memref_slice %arg6[%add3A_26, %dma_start3A] : memref<10240x128xf32, #tpu.memory_space<hbm>> -> memref<128x128xf32, #tpu.memory_space<hbm>>
          %dma_start3A_35 = arith.constant 0 : i32
          %dma_start3A_36 = tpu.memref_slice %arg6[%add3A_26, %dma_start3A_35] : memref<10240x128xf32, #tpu.memory_space<hbm>> -> memref<128x128xf32, #tpu.memory_space<hbm>>
          tpu.enqueue_dma source(%arg8 : memref<128x128xf32, #tpu.memory_space<vmem>>) target(%dma_start3A_36 : memref<128x128xf32, #tpu.memory_space<hbm>>) target_semaphore(%run_scoped3A : memref<!tpu.dma_semaphore, #tpu.memory_space<semaphore_mem>>)
          %dma_wait3A = arith.constant 0 : i32
          %dma_wait3A_37 = tpu.memref_slice %arg6[%add3A_26, %dma_wait3A] : memref<10240x128xf32, #tpu.memory_space<hbm>> -> memref<128x128xf32, #tpu.memory_space<hbm>>
          %dma_wait3A_38 = arith.constant 0 : i32
          %dma_wait3A_39 = tpu.memref_slice %arg6[%add3A_26, %dma_wait3A_38] : memref<10240x128xf32, #tpu.memory_space<hbm>> -> memref<128x128xf32, #tpu.memory_space<hbm>>
          tpu.wait_dma2 semaphore(%run_scoped3A : memref<!tpu.dma_semaphore, #tpu.memory_space<semaphore_mem>>) src(%arg8 : memref<128x128xf32, #tpu.memory_space<vmem>>) dst(%dma_wait3A_39 : memref<128x128xf32, #tpu.memory_space<hbm>>)
          tpu.yield
        }) : () -> ()
      } else {
      }
    }
    %scan3A_22 = arith.constant 5 : i32
    return
  }
}

#map = affine_map<(d0, d1) -> (0, 0)>
#map1 = affine_map<(d0, d1) -> (0)>
module attributes {stable_mosaic.version = 14 : i64} {
  func.func @_msg1_body(%arg0: i32, %arg1: i32, %arg2: memref<10240x128xf32, #tpu.memory_space<hbm>>, %arg3: memref<10240x128xf32, #tpu.memory_space<hbm>>, %arg4: memref<163840xi32, #tpu.memory_space<hbm>>, %arg5: memref<163840xi32, #tpu.memory_space<hbm>>, %arg6: memref<10240x128xf32, #tpu.memory_space<hbm>>, %arg7: memref<10240x128xf32, #tpu.memory_space<hbm>>, %arg8: memref<128xi32, #tpu.memory_space<vmem>>, %arg9: memref<128xi32, #tpu.memory_space<vmem>>, %arg10: memref<128xi32, #tpu.memory_space<vmem>>, %arg11: memref<128xi32, #tpu.memory_space<vmem>>, %arg12: memref<128x128xf32, #tpu.memory_space<vmem>>, %arg13: memref<128x128xf32, #tpu.memory_space<vmem>>, %arg14: memref<10240x128xf32, #tpu.memory_space<vmem_shared>>, %arg15: memref<!tpu.dma_semaphore, #tpu.memory_space<semaphore_mem>>, %arg16: memref<!tpu.dma_semaphore, #tpu.memory_space<semaphore_mem>>) attributes {dimension_semantics = [#tpu.dimension_semantics<core_parallel>, #tpu.dimension_semantics<subcore_parallel>], iteration_bounds = array<i64: 2, 16>, scalar_prefetch = 0 : i64, scratch_operands = 9 : i64, tpu.core_type = #tpu.core_type<sc_vector_subcore>, window_params = [{transform_indices = #map}, {transform_indices = #map}, {transform_indices = #map1}, {transform_indices = #map1}, {transform_indices = #map}, {transform_indices = #map}]} {
    %mul3A = arith.constant 640 : i32
    %mul3A_0 = arith.muli %arg1, %mul3A : i32
    %scan3A = arith.constant 0 : i32
    %scan3A_1 = arith.constant 0 : i32
    %scan3A_2 = arith.constant 5 : i32
    %scan3A_3 = arith.addi %scan3A_1, %scan3A_2 : i32
    %scan3A_4 = arith.constant 1 : i32
    scf.for %scan3A_45 = %scan3A_1 to %scan3A_3 step %scan3A_4  : i32 {
      %mul3A_46 = arith.constant 128 : i32
      %mul3A_47 = arith.muli %scan3A_45, %mul3A_46 : i32
      %add3A_48 = arith.addi %mul3A_0, %mul3A_47 : i32
      %eq3A_49 = arith.constant 0 : i32
      %eq3A_50 = arith.cmpi eq, %arg0, %eq3A_49 : i32
      %convert_element_type3A_51 = arith.extui %eq3A_50 : i1 to i32
      %cond3A_52 = arith.constant 0 : i32
      %cond3A_53 = arith.cmpi ne, %convert_element_type3A_51, %cond3A_52 : i32
      scf.if %cond3A_53 {
        "tpu.region"() ({
          %run_scoped3A = tpu.sem_alloc : memref<!tpu.dma_semaphore, #tpu.memory_space<semaphore_mem>>
          %dma_start3A = arith.constant 0 : i32
          %dma_start3A_59 = tpu.memref_slice %arg2[%add3A_48, %dma_start3A] : memref<10240x128xf32, #tpu.memory_space<hbm>> -> memref<128x128xf32, #tpu.memory_space<hbm>>
          %dma_start3A_60 = arith.constant 0 : i32
          %dma_start3A_61 = tpu.memref_slice %arg2[%add3A_48, %dma_start3A_60] : memref<10240x128xf32, #tpu.memory_space<hbm>> -> memref<128x128xf32, #tpu.memory_space<hbm>>
          tpu.enqueue_dma source(%dma_start3A_61 : memref<128x128xf32, #tpu.memory_space<hbm>>) target(%arg12 : memref<128x128xf32, #tpu.memory_space<vmem>>) target_semaphore(%run_scoped3A : memref<!tpu.dma_semaphore, #tpu.memory_space<semaphore_mem>>)
          %dma_wait3A = arith.constant 0 : i32
          %dma_wait3A_62 = tpu.memref_slice %arg2[%add3A_48, %dma_wait3A] : memref<10240x128xf32, #tpu.memory_space<hbm>> -> memref<128x128xf32, #tpu.memory_space<hbm>>
          %dma_wait3A_63 = arith.constant 0 : i32
          %dma_wait3A_64 = tpu.memref_slice %arg2[%add3A_48, %dma_wait3A_63] : memref<10240x128xf32, #tpu.memory_space<hbm>> -> memref<128x128xf32, #tpu.memory_space<hbm>>
          tpu.wait_dma2 semaphore(%run_scoped3A : memref<!tpu.dma_semaphore, #tpu.memory_space<semaphore_mem>>) src(%dma_wait3A_64 : memref<128x128xf32, #tpu.memory_space<hbm>>) dst(%arg12 : memref<128x128xf32, #tpu.memory_space<vmem>>)
          tpu.yield
        }) : () -> ()
      } else {
      }
      %eq3A_54 = arith.constant 1 : i32
      %eq3A_55 = arith.cmpi eq, %arg0, %eq3A_54 : i32
      %convert_element_type3A_56 = arith.extui %eq3A_55 : i1 to i32
      %cond3A_57 = arith.constant 0 : i32
      %cond3A_58 = arith.cmpi ne, %convert_element_type3A_56, %cond3A_57 : i32
      scf.if %cond3A_58 {
        "tpu.region"() ({
          %run_scoped3A = tpu.sem_alloc : memref<!tpu.dma_semaphore, #tpu.memory_space<semaphore_mem>>
          %dma_start3A = arith.constant 0 : i32
          %dma_start3A_59 = tpu.memref_slice %arg3[%add3A_48, %dma_start3A] : memref<10240x128xf32, #tpu.memory_space<hbm>> -> memref<128x128xf32, #tpu.memory_space<hbm>>
          %dma_start3A_60 = arith.constant 0 : i32
          %dma_start3A_61 = tpu.memref_slice %arg3[%add3A_48, %dma_start3A_60] : memref<10240x128xf32, #tpu.memory_space<hbm>> -> memref<128x128xf32, #tpu.memory_space<hbm>>
          tpu.enqueue_dma source(%dma_start3A_61 : memref<128x128xf32, #tpu.memory_space<hbm>>) target(%arg12 : memref<128x128xf32, #tpu.memory_space<vmem>>) target_semaphore(%run_scoped3A : memref<!tpu.dma_semaphore, #tpu.memory_space<semaphore_mem>>)
          %dma_wait3A = arith.constant 0 : i32
          %dma_wait3A_62 = tpu.memref_slice %arg3[%add3A_48, %dma_wait3A] : memref<10240x128xf32, #tpu.memory_space<hbm>> -> memref<128x128xf32, #tpu.memory_space<hbm>>
          %dma_wait3A_63 = arith.constant 0 : i32
          %dma_wait3A_64 = tpu.memref_slice %arg3[%add3A_48, %dma_wait3A_63] : memref<10240x128xf32, #tpu.memory_space<hbm>> -> memref<128x128xf32, #tpu.memory_space<hbm>>
          tpu.wait_dma2 semaphore(%run_scoped3A : memref<!tpu.dma_semaphore, #tpu.memory_space<semaphore_mem>>) src(%dma_wait3A_64 : memref<128x128xf32, #tpu.memory_space<hbm>>) dst(%arg12 : memref<128x128xf32, #tpu.memory_space<vmem>>)
          tpu.yield
        }) : () -> ()
      } else {
      }
      "tpu.region"() ({
        %run_scoped3A = tpu.sem_alloc : memref<!tpu.dma_semaphore, #tpu.memory_space<semaphore_mem>>
        %dma_start3A = arith.constant 0 : i32
        %dma_start3A_59 = tpu.memref_slice %arg14[%add3A_48, %dma_start3A] : memref<10240x128xf32, #tpu.memory_space<vmem_shared>> -> memref<128x128xf32, #tpu.memory_space<vmem_shared>>
        %dma_start3A_60 = arith.constant 0 : i32
        %dma_start3A_61 = tpu.memref_slice %arg14[%add3A_48, %dma_start3A_60] : memref<10240x128xf32, #tpu.memory_space<vmem_shared>> -> memref<128x128xf32, #tpu.memory_space<vmem_shared>>
        tpu.enqueue_dma source(%arg12 : memref<128x128xf32, #tpu.memory_space<vmem>>) target(%dma_start3A_61 : memref<128x128xf32, #tpu.memory_space<vmem_shared>>) target_semaphore(%run_scoped3A : memref<!tpu.dma_semaphore, #tpu.memory_space<semaphore_mem>>)
        %dma_wait3A = arith.constant 0 : i32
        %dma_wait3A_62 = tpu.memref_slice %arg14[%add3A_48, %dma_wait3A] : memref<10240x128xf32, #tpu.memory_space<vmem_shared>> -> memref<128x128xf32, #tpu.memory_space<vmem_shared>>
        %dma_wait3A_63 = arith.constant 0 : i32
        %dma_wait3A_64 = tpu.memref_slice %arg14[%add3A_48, %dma_wait3A_63] : memref<10240x128xf32, #tpu.memory_space<vmem_shared>> -> memref<128x128xf32, #tpu.memory_space<vmem_shared>>
        tpu.wait_dma2 semaphore(%run_scoped3A : memref<!tpu.dma_semaphore, #tpu.memory_space<semaphore_mem>>) src(%arg12 : memref<128x128xf32, #tpu.memory_space<vmem>>) dst(%dma_wait3A_64 : memref<128x128xf32, #tpu.memory_space<vmem_shared>>)
        tpu.yield
      }) : () -> ()
    }
    %scan3A_5 = arith.constant 5 : i32
    %barrier3A = arith.constant 0 : index
    tpu.barrier barrier_id(%barrier3A)
    %mul3A_6 = arith.constant 10240 : i32
    %mul3A_7 = arith.muli %arg1, %mul3A_6 : i32
    %add3A = arith.constant 0 : i32
    %add3A_8 = arith.addi %mul3A_7, %add3A : i32
    "tpu.region"() ({
      %run_scoped3A = tpu.sem_alloc : memref<!tpu.dma_semaphore, #tpu.memory_space<semaphore_mem>>
      %dma_start3A = tpu.memref_slice %arg4[%add3A_8] : memref<163840xi32, #tpu.memory_space<hbm>> -> memref<128xi32, #tpu.memory_space<hbm>>
      %dma_start3A_45 = tpu.memref_slice %arg4[%add3A_8] : memref<163840xi32, #tpu.memory_space<hbm>> -> memref<128xi32, #tpu.memory_space<hbm>>
      tpu.enqueue_dma source(%dma_start3A_45 : memref<128xi32, #tpu.memory_space<hbm>>) target(%arg8 : memref<128xi32, #tpu.memory_space<vmem>>) target_semaphore(%run_scoped3A : memref<!tpu.dma_semaphore, #tpu.memory_space<semaphore_mem>>)
      %dma_wait3A = tpu.memref_slice %arg4[%add3A_8] : memref<163840xi32, #tpu.memory_space<hbm>> -> memref<128xi32, #tpu.memory_space<hbm>>
      %dma_wait3A_46 = tpu.memref_slice %arg4[%add3A_8] : memref<163840xi32, #tpu.memory_space<hbm>> -> memref<128xi32, #tpu.memory_space<hbm>>
      tpu.wait_dma2 semaphore(%run_scoped3A : memref<!tpu.dma_semaphore, #tpu.memory_space<semaphore_mem>>) src(%dma_wait3A_46 : memref<128xi32, #tpu.memory_space<hbm>>) dst(%arg8 : memref<128xi32, #tpu.memory_space<vmem>>)
      tpu.yield
    }) : () -> ()
    %add3A_9 = arith.constant 0 : i32
    %add3A_10 = arith.addi %mul3A_7, %add3A_9 : i32
    "tpu.region"() ({
      %run_scoped3A = tpu.sem_alloc : memref<!tpu.dma_semaphore, #tpu.memory_space<semaphore_mem>>
      %dma_start3A = tpu.memref_slice %arg5[%add3A_10] : memref<163840xi32, #tpu.memory_space<hbm>> -> memref<128xi32, #tpu.memory_space<hbm>>
      %dma_start3A_45 = tpu.memref_slice %arg5[%add3A_10] : memref<163840xi32, #tpu.memory_space<hbm>> -> memref<128xi32, #tpu.memory_space<hbm>>
      tpu.enqueue_dma source(%dma_start3A_45 : memref<128xi32, #tpu.memory_space<hbm>>) target(%arg10 : memref<128xi32, #tpu.memory_space<vmem>>) target_semaphore(%run_scoped3A : memref<!tpu.dma_semaphore, #tpu.memory_space<semaphore_mem>>)
      %dma_wait3A = tpu.memref_slice %arg5[%add3A_10] : memref<163840xi32, #tpu.memory_space<hbm>> -> memref<128xi32, #tpu.memory_space<hbm>>
      %dma_wait3A_46 = tpu.memref_slice %arg5[%add3A_10] : memref<163840xi32, #tpu.memory_space<hbm>> -> memref<128xi32, #tpu.memory_space<hbm>>
      tpu.wait_dma2 semaphore(%run_scoped3A : memref<!tpu.dma_semaphore, #tpu.memory_space<semaphore_mem>>) src(%dma_wait3A_46 : memref<128xi32, #tpu.memory_space<hbm>>) dst(%arg10 : memref<128xi32, #tpu.memory_space<vmem>>)
      tpu.yield
    }) : () -> ()
    %eq3A = arith.constant 0 : i32
    %eq3A_11 = arith.cmpi eq, %arg0, %eq3A : i32
    %convert_element_type3A = arith.extui %eq3A_11 : i1 to i32
    %cond3A = arith.constant 0 : i32
    %cond3A_12 = arith.cmpi ne, %convert_element_type3A, %cond3A : i32
    scf.if %cond3A_12 {
      %dma_start3A = arith.constant 0 : i32
      %dma_start3A_45 = arith.constant 0 : i32
      %dma_start3A_46 = tpu.memref_slice %arg12[%dma_start3A, %dma_start3A_45] : memref<128x128xf32, #tpu.memory_space<vmem>> -> memref<64x128xf32, #tpu.memory_space<vmem>>
      %dma_start3A_47 = arith.constant 0 : i32
      %dma_start3A_48 = tpu.memref_slice %arg8[%dma_start3A_47] : memref<128xi32, #tpu.memory_space<vmem>> -> memref<64xi32, #tpu.memory_space<vmem>>
      %dma_start3A_49 = arith.constant 0 : i32
      %dma_start3A_50 = arith.constant 0 : i32
      %dma_start3A_51 = tpu.memref_slice %arg2[%dma_start3A_49, %dma_start3A_50] : memref<10240x128xf32, #tpu.memory_space<hbm>> -> memref<10240x128xf32, #tpu.memory_space<hbm>>
      tpu.enqueue_indirect_dma source(%dma_start3A_51 : memref<10240x128xf32, #tpu.memory_space<hbm>>) target(%dma_start3A_46 : memref<64x128xf32, #tpu.memory_space<vmem>>) offsets(%dma_start3A_48 : memref<64xi32, #tpu.memory_space<vmem>>) semaphore(%arg15 : memref<!tpu.dma_semaphore, #tpu.memory_space<semaphore_mem>>)
      %dma_start3A_52 = arith.constant 64 : i32
      %dma_start3A_53 = arith.constant 0 : i32
      %dma_start3A_54 = tpu.memref_slice %arg12[%dma_start3A_52, %dma_start3A_53] : memref<128x128xf32, #tpu.memory_space<vmem>> -> memref<64x128xf32, #tpu.memory_space<vmem>>
      %dma_start3A_55 = arith.constant 64 : i32
      %dma_start3A_56 = tpu.memref_slice %arg8[%dma_start3A_55] : memref<128xi32, #tpu.memory_space<vmem>> -> memref<64xi32, #tpu.memory_space<vmem>>
      %dma_start3A_57 = arith.constant 0 : i32
      %dma_start3A_58 = arith.constant 0 : i32
      %dma_start3A_59 = tpu.memref_slice %arg2[%dma_start3A_57, %dma_start3A_58] : memref<10240x128xf32, #tpu.memory_space<hbm>> -> memref<10240x128xf32, #tpu.memory_space<hbm>>
      tpu.enqueue_indirect_dma source(%dma_start3A_59 : memref<10240x128xf32, #tpu.memory_space<hbm>>) target(%dma_start3A_54 : memref<64x128xf32, #tpu.memory_space<vmem>>) offsets(%dma_start3A_56 : memref<64xi32, #tpu.memory_space<vmem>>) semaphore(%arg15 : memref<!tpu.dma_semaphore, #tpu.memory_space<semaphore_mem>>)
    } else {
    }
    %eq3A_13 = arith.constant 1 : i32
    %eq3A_14 = arith.cmpi eq, %arg0, %eq3A_13 : i32
    %convert_element_type3A_15 = arith.extui %eq3A_14 : i1 to i32
    %cond3A_16 = arith.constant 0 : i32
    %cond3A_17 = arith.cmpi ne, %convert_element_type3A_15, %cond3A_16 : i32
    scf.if %cond3A_17 {
      %dma_start3A = arith.constant 0 : i32
      %dma_start3A_45 = arith.constant 0 : i32
      %dma_start3A_46 = tpu.memref_slice %arg12[%dma_start3A, %dma_start3A_45] : memref<128x128xf32, #tpu.memory_space<vmem>> -> memref<64x128xf32, #tpu.memory_space<vmem>>
      %dma_start3A_47 = arith.constant 0 : i32
      %dma_start3A_48 = tpu.memref_slice %arg8[%dma_start3A_47] : memref<128xi32, #tpu.memory_space<vmem>> -> memref<64xi32, #tpu.memory_space<vmem>>
      %dma_start3A_49 = arith.constant 0 : i32
      %dma_start3A_50 = arith.constant 0 : i32
      %dma_start3A_51 = tpu.memref_slice %arg3[%dma_start3A_49, %dma_start3A_50] : memref<10240x128xf32, #tpu.memory_space<hbm>> -> memref<10240x128xf32, #tpu.memory_space<hbm>>
      tpu.enqueue_indirect_dma source(%dma_start3A_51 : memref<10240x128xf32, #tpu.memory_space<hbm>>) target(%dma_start3A_46 : memref<64x128xf32, #tpu.memory_space<vmem>>) offsets(%dma_start3A_48 : memref<64xi32, #tpu.memory_space<vmem>>) semaphore(%arg15 : memref<!tpu.dma_semaphore, #tpu.memory_space<semaphore_mem>>)
      %dma_start3A_52 = arith.constant 64 : i32
      %dma_start3A_53 = arith.constant 0 : i32
      %dma_start3A_54 = tpu.memref_slice %arg12[%dma_start3A_52, %dma_start3A_53] : memref<128x128xf32, #tpu.memory_space<vmem>> -> memref<64x128xf32, #tpu.memory_space<vmem>>
      %dma_start3A_55 = arith.constant 64 : i32
      %dma_start3A_56 = tpu.memref_slice %arg8[%dma_start3A_55] : memref<128xi32, #tpu.memory_space<vmem>> -> memref<64xi32, #tpu.memory_space<vmem>>
      %dma_start3A_57 = arith.constant 0 : i32
      %dma_start3A_58 = arith.constant 0 : i32
      %dma_start3A_59 = tpu.memref_slice %arg3[%dma_start3A_57, %dma_start3A_58] : memref<10240x128xf32, #tpu.memory_space<hbm>> -> memref<10240x128xf32, #tpu.memory_space<hbm>>
      tpu.enqueue_indirect_dma source(%dma_start3A_59 : memref<10240x128xf32, #tpu.memory_space<hbm>>) target(%dma_start3A_54 : memref<64x128xf32, #tpu.memory_space<vmem>>) offsets(%dma_start3A_56 : memref<64xi32, #tpu.memory_space<vmem>>) semaphore(%arg15 : memref<!tpu.dma_semaphore, #tpu.memory_space<semaphore_mem>>)
    } else {
    }
    %add3A_18 = arith.constant 128 : i32
    %add3A_19 = arith.addi %mul3A_7, %add3A_18 : i32
    "tpu.region"() ({
      %run_scoped3A = tpu.sem_alloc : memref<!tpu.dma_semaphore, #tpu.memory_space<semaphore_mem>>
      %dma_start3A = tpu.memref_slice %arg4[%add3A_19] : memref<163840xi32, #tpu.memory_space<hbm>> -> memref<128xi32, #tpu.memory_space<hbm>>
      %dma_start3A_45 = tpu.memref_slice %arg4[%add3A_19] : memref<163840xi32, #tpu.memory_space<hbm>> -> memref<128xi32, #tpu.memory_space<hbm>>
      tpu.enqueue_dma source(%dma_start3A_45 : memref<128xi32, #tpu.memory_space<hbm>>) target(%arg9 : memref<128xi32, #tpu.memory_space<vmem>>) target_semaphore(%run_scoped3A : memref<!tpu.dma_semaphore, #tpu.memory_space<semaphore_mem>>)
      %dma_wait3A = tpu.memref_slice %arg4[%add3A_19] : memref<163840xi32, #tpu.memory_space<hbm>> -> memref<128xi32, #tpu.memory_space<hbm>>
      %dma_wait3A_46 = tpu.memref_slice %arg4[%add3A_19] : memref<163840xi32, #tpu.memory_space<hbm>> -> memref<128xi32, #tpu.memory_space<hbm>>
      tpu.wait_dma2 semaphore(%run_scoped3A : memref<!tpu.dma_semaphore, #tpu.memory_space<semaphore_mem>>) src(%dma_wait3A_46 : memref<128xi32, #tpu.memory_space<hbm>>) dst(%arg9 : memref<128xi32, #tpu.memory_space<vmem>>)
      tpu.yield
    }) : () -> ()
    %add3A_20 = arith.constant 128 : i32
    %add3A_21 = arith.addi %mul3A_7, %add3A_20 : i32
    "tpu.region"() ({
      %run_scoped3A = tpu.sem_alloc : memref<!tpu.dma_semaphore, #tpu.memory_space<semaphore_mem>>
      %dma_start3A = tpu.memref_slice %arg5[%add3A_21] : memref<163840xi32, #tpu.memory_space<hbm>> -> memref<128xi32, #tpu.memory_space<hbm>>
      %dma_start3A_45 = tpu.memref_slice %arg5[%add3A_21] : memref<163840xi32, #tpu.memory_space<hbm>> -> memref<128xi32, #tpu.memory_space<hbm>>
      tpu.enqueue_dma source(%dma_start3A_45 : memref<128xi32, #tpu.memory_space<hbm>>) target(%arg11 : memref<128xi32, #tpu.memory_space<vmem>>) target_semaphore(%run_scoped3A : memref<!tpu.dma_semaphore, #tpu.memory_space<semaphore_mem>>)
      %dma_wait3A = tpu.memref_slice %arg5[%add3A_21] : memref<163840xi32, #tpu.memory_space<hbm>> -> memref<128xi32, #tpu.memory_space<hbm>>
      %dma_wait3A_46 = tpu.memref_slice %arg5[%add3A_21] : memref<163840xi32, #tpu.memory_space<hbm>> -> memref<128xi32, #tpu.memory_space<hbm>>
      tpu.wait_dma2 semaphore(%run_scoped3A : memref<!tpu.dma_semaphore, #tpu.memory_space<semaphore_mem>>) src(%dma_wait3A_46 : memref<128xi32, #tpu.memory_space<hbm>>) dst(%arg11 : memref<128xi32, #tpu.memory_space<vmem>>)
      tpu.yield
    }) : () -> ()
    %eq3A_22 = arith.constant 0 : i32
    %eq3A_23 = arith.cmpi eq, %arg0, %eq3A_22 : i32
    %convert_element_type3A_24 = arith.extui %eq3A_23 : i1 to i32
    %cond3A_25 = arith.constant 0 : i32
    %cond3A_26 = arith.cmpi ne, %convert_element_type3A_24, %cond3A_25 : i32
    scf.if %cond3A_26 {
      %dma_start3A = arith.constant 0 : i32
      %dma_start3A_45 = arith.constant 0 : i32
      %dma_start3A_46 = tpu.memref_slice %arg13[%dma_start3A, %dma_start3A_45] : memref<128x128xf32, #tpu.memory_space<vmem>> -> memref<64x128xf32, #tpu.memory_space<vmem>>
      %dma_start3A_47 = arith.constant 0 : i32
      %dma_start3A_48 = tpu.memref_slice %arg9[%dma_start3A_47] : memref<128xi32, #tpu.memory_space<vmem>> -> memref<64xi32, #tpu.memory_space<vmem>>
      %dma_start3A_49 = arith.constant 0 : i32
      %dma_start3A_50 = arith.constant 0 : i32
      %dma_start3A_51 = tpu.memref_slice %arg2[%dma_start3A_49, %dma_start3A_50] : memref<10240x128xf32, #tpu.memory_space<hbm>> -> memref<10240x128xf32, #tpu.memory_space<hbm>>
      tpu.enqueue_indirect_dma source(%dma_start3A_51 : memref<10240x128xf32, #tpu.memory_space<hbm>>) target(%dma_start3A_46 : memref<64x128xf32, #tpu.memory_space<vmem>>) offsets(%dma_start3A_48 : memref<64xi32, #tpu.memory_space<vmem>>) semaphore(%arg16 : memref<!tpu.dma_semaphore, #tpu.memory_space<semaphore_mem>>)
      %dma_start3A_52 = arith.constant 64 : i32
      %dma_start3A_53 = arith.constant 0 : i32
      %dma_start3A_54 = tpu.memref_slice %arg13[%dma_start3A_52, %dma_start3A_53] : memref<128x128xf32, #tpu.memory_space<vmem>> -> memref<64x128xf32, #tpu.memory_space<vmem>>
      %dma_start3A_55 = arith.constant 64 : i32
      %dma_start3A_56 = tpu.memref_slice %arg9[%dma_start3A_55] : memref<128xi32, #tpu.memory_space<vmem>> -> memref<64xi32, #tpu.memory_space<vmem>>
      %dma_start3A_57 = arith.constant 0 : i32
      %dma_start3A_58 = arith.constant 0 : i32
      %dma_start3A_59 = tpu.memref_slice %arg2[%dma_start3A_57, %dma_start3A_58] : memref<10240x128xf32, #tpu.memory_space<hbm>> -> memref<10240x128xf32, #tpu.memory_space<hbm>>
      tpu.enqueue_indirect_dma source(%dma_start3A_59 : memref<10240x128xf32, #tpu.memory_space<hbm>>) target(%dma_start3A_54 : memref<64x128xf32, #tpu.memory_space<vmem>>) offsets(%dma_start3A_56 : memref<64xi32, #tpu.memory_space<vmem>>) semaphore(%arg16 : memref<!tpu.dma_semaphore, #tpu.memory_space<semaphore_mem>>)
    } else {
    }
    %eq3A_27 = arith.constant 1 : i32
    %eq3A_28 = arith.cmpi eq, %arg0, %eq3A_27 : i32
    %convert_element_type3A_29 = arith.extui %eq3A_28 : i1 to i32
    %cond3A_30 = arith.constant 0 : i32
    %cond3A_31 = arith.cmpi ne, %convert_element_type3A_29, %cond3A_30 : i32
    scf.if %cond3A_31 {
      %dma_start3A = arith.constant 0 : i32
      %dma_start3A_45 = arith.constant 0 : i32
      %dma_start3A_46 = tpu.memref_slice %arg13[%dma_start3A, %dma_start3A_45] : memref<128x128xf32, #tpu.memory_space<vmem>> -> memref<64x128xf32, #tpu.memory_space<vmem>>
      %dma_start3A_47 = arith.constant 0 : i32
      %dma_start3A_48 = tpu.memref_slice %arg9[%dma_start3A_47] : memref<128xi32, #tpu.memory_space<vmem>> -> memref<64xi32, #tpu.memory_space<vmem>>
      %dma_start3A_49 = arith.constant 0 : i32
      %dma_start3A_50 = arith.constant 0 : i32
      %dma_start3A_51 = tpu.memref_slice %arg3[%dma_start3A_49, %dma_start3A_50] : memref<10240x128xf32, #tpu.memory_space<hbm>> -> memref<10240x128xf32, #tpu.memory_space<hbm>>
      tpu.enqueue_indirect_dma source(%dma_start3A_51 : memref<10240x128xf32, #tpu.memory_space<hbm>>) target(%dma_start3A_46 : memref<64x128xf32, #tpu.memory_space<vmem>>) offsets(%dma_start3A_48 : memref<64xi32, #tpu.memory_space<vmem>>) semaphore(%arg16 : memref<!tpu.dma_semaphore, #tpu.memory_space<semaphore_mem>>)
      %dma_start3A_52 = arith.constant 64 : i32
      %dma_start3A_53 = arith.constant 0 : i32
      %dma_start3A_54 = tpu.memref_slice %arg13[%dma_start3A_52, %dma_start3A_53] : memref<128x128xf32, #tpu.memory_space<vmem>> -> memref<64x128xf32, #tpu.memory_space<vmem>>
      %dma_start3A_55 = arith.constant 64 : i32
      %dma_start3A_56 = tpu.memref_slice %arg9[%dma_start3A_55] : memref<128xi32, #tpu.memory_space<vmem>> -> memref<64xi32, #tpu.memory_space<vmem>>
      %dma_start3A_57 = arith.constant 0 : i32
      %dma_start3A_58 = arith.constant 0 : i32
      %dma_start3A_59 = tpu.memref_slice %arg3[%dma_start3A_57, %dma_start3A_58] : memref<10240x128xf32, #tpu.memory_space<hbm>> -> memref<10240x128xf32, #tpu.memory_space<hbm>>
      tpu.enqueue_indirect_dma source(%dma_start3A_59 : memref<10240x128xf32, #tpu.memory_space<hbm>>) target(%dma_start3A_54 : memref<64x128xf32, #tpu.memory_space<vmem>>) offsets(%dma_start3A_56 : memref<64xi32, #tpu.memory_space<vmem>>) semaphore(%arg16 : memref<!tpu.dma_semaphore, #tpu.memory_space<semaphore_mem>>)
    } else {
    }
    %scan3A_32 = arith.constant 0 : i32
    %scan3A_33 = arith.constant 0 : i32
    %scan3A_34 = arith.constant 40 : i32
    %scan3A_35 = arith.addi %scan3A_33, %scan3A_34 : i32
    %scan3A_36 = arith.constant 1 : i32
    scf.for %scan3A_45 = %scan3A_33 to %scan3A_35 step %scan3A_36  : i32 {
      %mul3A_46 = arith.constant 2 : i32
      %mul3A_47 = arith.muli %scan3A_45, %mul3A_46 : i32
      %add3A_48 = arith.constant 0 : i32
      %add3A_49 = arith.addi %mul3A_47, %add3A_48 : i32
      %dma_wait3A = arith.constant 0 : i32
      %dma_wait3A_50 = arith.constant 0 : i32
      %dma_wait3A_51 = tpu.memref_slice %arg12[%dma_wait3A, %dma_wait3A_50] : memref<128x128xf32, #tpu.memory_space<vmem>> -> memref<64x128xf32, #tpu.memory_space<vmem>>
      %dma_wait3A_52 = arith.constant 0 : i32
      %dma_wait3A_53 = tpu.memref_slice %arg8[%dma_wait3A_52] : memref<128xi32, #tpu.memory_space<vmem>> -> memref<64xi32, #tpu.memory_space<vmem>>
      %dma_wait3A_54 = arith.constant 0 : i32
      %dma_wait3A_55 = arith.constant 0 : i32
      %dma_wait3A_56 = tpu.memref_slice %arg2[%dma_wait3A_54, %dma_wait3A_55] : memref<10240x128xf32, #tpu.memory_space<hbm>> -> memref<10240x128xf32, #tpu.memory_space<hbm>>
      tpu.wait_indirect_dma semaphore(%arg15 : memref<!tpu.dma_semaphore, #tpu.memory_space<semaphore_mem>>) src(%dma_wait3A_56 : memref<10240x128xf32, #tpu.memory_space<hbm>>) dst(%dma_wait3A_51 : memref<64x128xf32, #tpu.memory_space<vmem>>)
      %dma_wait3A_57 = arith.constant 64 : i32
      %dma_wait3A_58 = arith.constant 0 : i32
      %dma_wait3A_59 = tpu.memref_slice %arg12[%dma_wait3A_57, %dma_wait3A_58] : memref<128x128xf32, #tpu.memory_space<vmem>> -> memref<64x128xf32, #tpu.memory_space<vmem>>
      %dma_wait3A_60 = arith.constant 64 : i32
      %dma_wait3A_61 = tpu.memref_slice %arg8[%dma_wait3A_60] : memref<128xi32, #tpu.memory_space<vmem>> -> memref<64xi32, #tpu.memory_space<vmem>>
      %dma_wait3A_62 = arith.constant 0 : i32
      %dma_wait3A_63 = arith.constant 0 : i32
      %dma_wait3A_64 = tpu.memref_slice %arg2[%dma_wait3A_62, %dma_wait3A_63] : memref<10240x128xf32, #tpu.memory_space<hbm>> -> memref<10240x128xf32, #tpu.memory_space<hbm>>
      tpu.wait_indirect_dma semaphore(%arg15 : memref<!tpu.dma_semaphore, #tpu.memory_space<semaphore_mem>>) src(%dma_wait3A_64 : memref<10240x128xf32, #tpu.memory_space<hbm>>) dst(%dma_wait3A_59 : memref<64x128xf32, #tpu.memory_space<vmem>>)
      "tpu.region"() ({
        %run_scoped3A = tpu.sem_alloc : memref<!tpu.dma_semaphore, #tpu.memory_space<semaphore_mem>>
        %dma_start3A = arith.constant 0 : i32
        %dma_start3A_96 = arith.constant 0 : i32
        %dma_start3A_97 = tpu.memref_slice %arg14[%dma_start3A, %dma_start3A_96] : memref<10240x128xf32, #tpu.memory_space<vmem_shared>> -> memref<10240x128xf32, #tpu.memory_space<vmem_shared>>
        tpu.enqueue_indirect_dma source(%arg12 : memref<128x128xf32, #tpu.memory_space<vmem>>) target(%dma_start3A_97 : memref<10240x128xf32, #tpu.memory_space<vmem_shared>>) offsets(%arg10 : memref<128xi32, #tpu.memory_space<vmem>>) semaphore(%run_scoped3A : memref<!tpu.dma_semaphore, #tpu.memory_space<semaphore_mem>>) {add = true}
        %dma_wait3A_98 = arith.constant 0 : i32
        %dma_wait3A_99 = arith.constant 0 : i32
        %dma_wait3A_100 = tpu.memref_slice %arg14[%dma_wait3A_98, %dma_wait3A_99] : memref<10240x128xf32, #tpu.memory_space<vmem_shared>> -> memref<10240x128xf32, #tpu.memory_space<vmem_shared>>
        tpu.wait_indirect_dma semaphore(%run_scoped3A : memref<!tpu.dma_semaphore, #tpu.memory_space<semaphore_mem>>) src(%arg12 : memref<128x128xf32, #tpu.memory_space<vmem>>) dst(%dma_wait3A_100 : memref<10240x128xf32, #tpu.memory_space<vmem_shared>>)
        tpu.yield
      }) : () -> ()
      %add3A_65 = arith.constant 2 : i32
      %add3A_66 = arith.addi %add3A_49, %add3A_65 : i32
      %lt3A = arith.constant 80 : i32
      %lt3A_67 = arith.cmpi slt, %add3A_66, %lt3A : i32
      %convert_element_type3A_68 = arith.extui %lt3A_67 : i1 to i32
      %cond3A_69 = arith.constant 0 : i32
      %cond3A_70 = arith.cmpi ne, %convert_element_type3A_68, %cond3A_69 : i32
      scf.if %cond3A_70 {
        %add3A_96 = arith.constant 2 : i32
        %add3A_97 = arith.addi %add3A_49, %add3A_96 : i32
        %mul3A_98 = arith.constant 128 : i32
        %mul3A_99 = arith.muli %add3A_97, %mul3A_98 : i32
        %add3A_100 = arith.addi %mul3A_7, %mul3A_99 : i32
        "tpu.region"() ({
          %run_scoped3A = tpu.sem_alloc : memref<!tpu.dma_semaphore, #tpu.memory_space<semaphore_mem>>
          %dma_start3A = tpu.memref_slice %arg4[%add3A_100] : memref<163840xi32, #tpu.memory_space<hbm>> -> memref<128xi32, #tpu.memory_space<hbm>>
          %dma_start3A_116 = tpu.memref_slice %arg4[%add3A_100] : memref<163840xi32, #tpu.memory_space<hbm>> -> memref<128xi32, #tpu.memory_space<hbm>>
          tpu.enqueue_dma source(%dma_start3A_116 : memref<128xi32, #tpu.memory_space<hbm>>) target(%arg8 : memref<128xi32, #tpu.memory_space<vmem>>) target_semaphore(%run_scoped3A : memref<!tpu.dma_semaphore, #tpu.memory_space<semaphore_mem>>)
          %dma_wait3A_117 = tpu.memref_slice %arg4[%add3A_100] : memref<163840xi32, #tpu.memory_space<hbm>> -> memref<128xi32, #tpu.memory_space<hbm>>
          %dma_wait3A_118 = tpu.memref_slice %arg4[%add3A_100] : memref<163840xi32, #tpu.memory_space<hbm>> -> memref<128xi32, #tpu.memory_space<hbm>>
          tpu.wait_dma2 semaphore(%run_scoped3A : memref<!tpu.dma_semaphore, #tpu.memory_space<semaphore_mem>>) src(%dma_wait3A_118 : memref<128xi32, #tpu.memory_space<hbm>>) dst(%arg8 : memref<128xi32, #tpu.memory_space<vmem>>)
          tpu.yield
        }) : () -> ()
        %add3A_101 = arith.constant 2 : i32
        %add3A_102 = arith.addi %add3A_49, %add3A_101 : i32
        %mul3A_103 = arith.constant 128 : i32
        %mul3A_104 = arith.muli %add3A_102, %mul3A_103 : i32
        %add3A_105 = arith.addi %mul3A_7, %mul3A_104 : i32
        "tpu.region"() ({
          %run_scoped3A = tpu.sem_alloc : memref<!tpu.dma_semaphore, #tpu.memory_space<semaphore_mem>>
          %dma_start3A = tpu.memref_slice %arg5[%add3A_105] : memref<163840xi32, #tpu.memory_space<hbm>> -> memref<128xi32, #tpu.memory_space<hbm>>
          %dma_start3A_116 = tpu.memref_slice %arg5[%add3A_105] : memref<163840xi32, #tpu.memory_space<hbm>> -> memref<128xi32, #tpu.memory_space<hbm>>
          tpu.enqueue_dma source(%dma_start3A_116 : memref<128xi32, #tpu.memory_space<hbm>>) target(%arg10 : memref<128xi32, #tpu.memory_space<vmem>>) target_semaphore(%run_scoped3A : memref<!tpu.dma_semaphore, #tpu.memory_space<semaphore_mem>>)
          %dma_wait3A_117 = tpu.memref_slice %arg5[%add3A_105] : memref<163840xi32, #tpu.memory_space<hbm>> -> memref<128xi32, #tpu.memory_space<hbm>>
          %dma_wait3A_118 = tpu.memref_slice %arg5[%add3A_105] : memref<163840xi32, #tpu.memory_space<hbm>> -> memref<128xi32, #tpu.memory_space<hbm>>
          tpu.wait_dma2 semaphore(%run_scoped3A : memref<!tpu.dma_semaphore, #tpu.memory_space<semaphore_mem>>) src(%dma_wait3A_118 : memref<128xi32, #tpu.memory_space<hbm>>) dst(%arg10 : memref<128xi32, #tpu.memory_space<vmem>>)
          tpu.yield
        }) : () -> ()
        %eq3A_106 = arith.constant 0 : i32
        %eq3A_107 = arith.cmpi eq, %arg0, %eq3A_106 : i32
        %convert_element_type3A_108 = arith.extui %eq3A_107 : i1 to i32
        %cond3A_109 = arith.constant 0 : i32
        %cond3A_110 = arith.cmpi ne, %convert_element_type3A_108, %cond3A_109 : i32
        scf.if %cond3A_110 {
          %dma_start3A = arith.constant 0 : i32
          %dma_start3A_116 = arith.constant 0 : i32
          %dma_start3A_117 = tpu.memref_slice %arg12[%dma_start3A, %dma_start3A_116] : memref<128x128xf32, #tpu.memory_space<vmem>> -> memref<64x128xf32, #tpu.memory_space<vmem>>
          %dma_start3A_118 = arith.constant 0 : i32
          %dma_start3A_119 = tpu.memref_slice %arg8[%dma_start3A_118] : memref<128xi32, #tpu.memory_space<vmem>> -> memref<64xi32, #tpu.memory_space<vmem>>
          %dma_start3A_120 = arith.constant 0 : i32
          %dma_start3A_121 = arith.constant 0 : i32
          %dma_start3A_122 = tpu.memref_slice %arg2[%dma_start3A_120, %dma_start3A_121] : memref<10240x128xf32, #tpu.memory_space<hbm>> -> memref<10240x128xf32, #tpu.memory_space<hbm>>
          tpu.enqueue_indirect_dma source(%dma_start3A_122 : memref<10240x128xf32, #tpu.memory_space<hbm>>) target(%dma_start3A_117 : memref<64x128xf32, #tpu.memory_space<vmem>>) offsets(%dma_start3A_119 : memref<64xi32, #tpu.memory_space<vmem>>) semaphore(%arg15 : memref<!tpu.dma_semaphore, #tpu.memory_space<semaphore_mem>>)
          %dma_start3A_123 = arith.constant 64 : i32
          %dma_start3A_124 = arith.constant 0 : i32
          %dma_start3A_125 = tpu.memref_slice %arg12[%dma_start3A_123, %dma_start3A_124] : memref<128x128xf32, #tpu.memory_space<vmem>> -> memref<64x128xf32, #tpu.memory_space<vmem>>
          %dma_start3A_126 = arith.constant 64 : i32
          %dma_start3A_127 = tpu.memref_slice %arg8[%dma_start3A_126] : memref<128xi32, #tpu.memory_space<vmem>> -> memref<64xi32, #tpu.memory_space<vmem>>
          %dma_start3A_128 = arith.constant 0 : i32
          %dma_start3A_129 = arith.constant 0 : i32
          %dma_start3A_130 = tpu.memref_slice %arg2[%dma_start3A_128, %dma_start3A_129] : memref<10240x128xf32, #tpu.memory_space<hbm>> -> memref<10240x128xf32, #tpu.memory_space<hbm>>
          tpu.enqueue_indirect_dma source(%dma_start3A_130 : memref<10240x128xf32, #tpu.memory_space<hbm>>) target(%dma_start3A_125 : memref<64x128xf32, #tpu.memory_space<vmem>>) offsets(%dma_start3A_127 : memref<64xi32, #tpu.memory_space<vmem>>) semaphore(%arg15 : memref<!tpu.dma_semaphore, #tpu.memory_space<semaphore_mem>>)
        } else {
        }
        %eq3A_111 = arith.constant 1 : i32
        %eq3A_112 = arith.cmpi eq, %arg0, %eq3A_111 : i32
        %convert_element_type3A_113 = arith.extui %eq3A_112 : i1 to i32
        %cond3A_114 = arith.constant 0 : i32
        %cond3A_115 = arith.cmpi ne, %convert_element_type3A_113, %cond3A_114 : i32
        scf.if %cond3A_115 {
          %dma_start3A = arith.constant 0 : i32
          %dma_start3A_116 = arith.constant 0 : i32
          %dma_start3A_117 = tpu.memref_slice %arg12[%dma_start3A, %dma_start3A_116] : memref<128x128xf32, #tpu.memory_space<vmem>> -> memref<64x128xf32, #tpu.memory_space<vmem>>
          %dma_start3A_118 = arith.constant 0 : i32
          %dma_start3A_119 = tpu.memref_slice %arg8[%dma_start3A_118] : memref<128xi32, #tpu.memory_space<vmem>> -> memref<64xi32, #tpu.memory_space<vmem>>
          %dma_start3A_120 = arith.constant 0 : i32
          %dma_start3A_121 = arith.constant 0 : i32
          %dma_start3A_122 = tpu.memref_slice %arg3[%dma_start3A_120, %dma_start3A_121] : memref<10240x128xf32, #tpu.memory_space<hbm>> -> memref<10240x128xf32, #tpu.memory_space<hbm>>
          tpu.enqueue_indirect_dma source(%dma_start3A_122 : memref<10240x128xf32, #tpu.memory_space<hbm>>) target(%dma_start3A_117 : memref<64x128xf32, #tpu.memory_space<vmem>>) offsets(%dma_start3A_119 : memref<64xi32, #tpu.memory_space<vmem>>) semaphore(%arg15 : memref<!tpu.dma_semaphore, #tpu.memory_space<semaphore_mem>>)
          %dma_start3A_123 = arith.constant 64 : i32
          %dma_start3A_124 = arith.constant 0 : i32
          %dma_start3A_125 = tpu.memref_slice %arg12[%dma_start3A_123, %dma_start3A_124] : memref<128x128xf32, #tpu.memory_space<vmem>> -> memref<64x128xf32, #tpu.memory_space<vmem>>
          %dma_start3A_126 = arith.constant 64 : i32
          %dma_start3A_127 = tpu.memref_slice %arg8[%dma_start3A_126] : memref<128xi32, #tpu.memory_space<vmem>> -> memref<64xi32, #tpu.memory_space<vmem>>
          %dma_start3A_128 = arith.constant 0 : i32
          %dma_start3A_129 = arith.constant 0 : i32
          %dma_start3A_130 = tpu.memref_slice %arg3[%dma_start3A_128, %dma_start3A_129] : memref<10240x128xf32, #tpu.memory_space<hbm>> -> memref<10240x128xf32, #tpu.memory_space<hbm>>
          tpu.enqueue_indirect_dma source(%dma_start3A_130 : memref<10240x128xf32, #tpu.memory_space<hbm>>) target(%dma_start3A_125 : memref<64x128xf32, #tpu.memory_space<vmem>>) offsets(%dma_start3A_127 : memref<64xi32, #tpu.memory_space<vmem>>) semaphore(%arg15 : memref<!tpu.dma_semaphore, #tpu.memory_space<semaphore_mem>>)
        } else {
        }
      } else {
      }
      %add3A_71 = arith.constant 1 : i32
      %add3A_72 = arith.addi %mul3A_47, %add3A_71 : i32
      %dma_wait3A_73 = arith.constant 0 : i32
      %dma_wait3A_74 = arith.constant 0 : i32
      %dma_wait3A_75 = tpu.memref_slice %arg13[%dma_wait3A_73, %dma_wait3A_74] : memref<128x128xf32, #tpu.memory_space<vmem>> -> memref<64x128xf32, #tpu.memory_space<vmem>>
      %dma_wait3A_76 = arith.constant 0 : i32
      %dma_wait3A_77 = tpu.memref_slice %arg9[%dma_wait3A_76] : memref<128xi32, #tpu.memory_space<vmem>> -> memref<64xi32, #tpu.memory_space<vmem>>
      %dma_wait3A_78 = arith.constant 0 : i32
      %dma_wait3A_79 = arith.constant 0 : i32
      %dma_wait3A_80 = tpu.memref_slice %arg2[%dma_wait3A_78, %dma_wait3A_79] : memref<10240x128xf32, #tpu.memory_space<hbm>> -> memref<10240x128xf32, #tpu.memory_space<hbm>>
      tpu.wait_indirect_dma semaphore(%arg16 : memref<!tpu.dma_semaphore, #tpu.memory_space<semaphore_mem>>) src(%dma_wait3A_80 : memref<10240x128xf32, #tpu.memory_space<hbm>>) dst(%dma_wait3A_75 : memref<64x128xf32, #tpu.memory_space<vmem>>)
      %dma_wait3A_81 = arith.constant 64 : i32
      %dma_wait3A_82 = arith.constant 0 : i32
      %dma_wait3A_83 = tpu.memref_slice %arg13[%dma_wait3A_81, %dma_wait3A_82] : memref<128x128xf32, #tpu.memory_space<vmem>> -> memref<64x128xf32, #tpu.memory_space<vmem>>
      %dma_wait3A_84 = arith.constant 64 : i32
      %dma_wait3A_85 = tpu.memref_slice %arg9[%dma_wait3A_84] : memref<128xi32, #tpu.memory_space<vmem>> -> memref<64xi32, #tpu.memory_space<vmem>>
      %dma_wait3A_86 = arith.constant 0 : i32
      %dma_wait3A_87 = arith.constant 0 : i32
      %dma_wait3A_88 = tpu.memref_slice %arg2[%dma_wait3A_86, %dma_wait3A_87] : memref<10240x128xf32, #tpu.memory_space<hbm>> -> memref<10240x128xf32, #tpu.memory_space<hbm>>
      tpu.wait_indirect_dma semaphore(%arg16 : memref<!tpu.dma_semaphore, #tpu.memory_space<semaphore_mem>>) src(%dma_wait3A_88 : memref<10240x128xf32, #tpu.memory_space<hbm>>) dst(%dma_wait3A_83 : memref<64x128xf32, #tpu.memory_space<vmem>>)
      "tpu.region"() ({
        %run_scoped3A = tpu.sem_alloc : memref<!tpu.dma_semaphore, #tpu.memory_space<semaphore_mem>>
        %dma_start3A = arith.constant 0 : i32
        %dma_start3A_96 = arith.constant 0 : i32
        %dma_start3A_97 = tpu.memref_slice %arg14[%dma_start3A, %dma_start3A_96] : memref<10240x128xf32, #tpu.memory_space<vmem_shared>> -> memref<10240x128xf32, #tpu.memory_space<vmem_shared>>
        tpu.enqueue_indirect_dma source(%arg13 : memref<128x128xf32, #tpu.memory_space<vmem>>) target(%dma_start3A_97 : memref<10240x128xf32, #tpu.memory_space<vmem_shared>>) offsets(%arg11 : memref<128xi32, #tpu.memory_space<vmem>>) semaphore(%run_scoped3A : memref<!tpu.dma_semaphore, #tpu.memory_space<semaphore_mem>>) {add = true}
        %dma_wait3A_98 = arith.constant 0 : i32
        %dma_wait3A_99 = arith.constant 0 : i32
        %dma_wait3A_100 = tpu.memref_slice %arg14[%dma_wait3A_98, %dma_wait3A_99] : memref<10240x128xf32, #tpu.memory_space<vmem_shared>> -> memref<10240x128xf32, #tpu.memory_space<vmem_shared>>
        tpu.wait_indirect_dma semaphore(%run_scoped3A : memref<!tpu.dma_semaphore, #tpu.memory_space<semaphore_mem>>) src(%arg13 : memref<128x128xf32, #tpu.memory_space<vmem>>) dst(%dma_wait3A_100 : memref<10240x128xf32, #tpu.memory_space<vmem_shared>>)
        tpu.yield
      }) : () -> ()
      %add3A_89 = arith.constant 2 : i32
      %add3A_90 = arith.addi %add3A_72, %add3A_89 : i32
      %lt3A_91 = arith.constant 80 : i32
      %lt3A_92 = arith.cmpi slt, %add3A_90, %lt3A_91 : i32
      %convert_element_type3A_93 = arith.extui %lt3A_92 : i1 to i32
      %cond3A_94 = arith.constant 0 : i32
      %cond3A_95 = arith.cmpi ne, %convert_element_type3A_93, %cond3A_94 : i32
      scf.if %cond3A_95 {
        %add3A_96 = arith.constant 2 : i32
        %add3A_97 = arith.addi %add3A_72, %add3A_96 : i32
        %mul3A_98 = arith.constant 128 : i32
        %mul3A_99 = arith.muli %add3A_97, %mul3A_98 : i32
        %add3A_100 = arith.addi %mul3A_7, %mul3A_99 : i32
        "tpu.region"() ({
          %run_scoped3A = tpu.sem_alloc : memref<!tpu.dma_semaphore, #tpu.memory_space<semaphore_mem>>
          %dma_start3A = tpu.memref_slice %arg4[%add3A_100] : memref<163840xi32, #tpu.memory_space<hbm>> -> memref<128xi32, #tpu.memory_space<hbm>>
          %dma_start3A_116 = tpu.memref_slice %arg4[%add3A_100] : memref<163840xi32, #tpu.memory_space<hbm>> -> memref<128xi32, #tpu.memory_space<hbm>>
          tpu.enqueue_dma source(%dma_start3A_116 : memref<128xi32, #tpu.memory_space<hbm>>) target(%arg9 : memref<128xi32, #tpu.memory_space<vmem>>) target_semaphore(%run_scoped3A : memref<!tpu.dma_semaphore, #tpu.memory_space<semaphore_mem>>)
          %dma_wait3A_117 = tpu.memref_slice %arg4[%add3A_100] : memref<163840xi32, #tpu.memory_space<hbm>> -> memref<128xi32, #tpu.memory_space<hbm>>
          %dma_wait3A_118 = tpu.memref_slice %arg4[%add3A_100] : memref<163840xi32, #tpu.memory_space<hbm>> -> memref<128xi32, #tpu.memory_space<hbm>>
          tpu.wait_dma2 semaphore(%run_scoped3A : memref<!tpu.dma_semaphore, #tpu.memory_space<semaphore_mem>>) src(%dma_wait3A_118 : memref<128xi32, #tpu.memory_space<hbm>>) dst(%arg9 : memref<128xi32, #tpu.memory_space<vmem>>)
          tpu.yield
        }) : () -> ()
        %add3A_101 = arith.constant 2 : i32
        %add3A_102 = arith.addi %add3A_72, %add3A_101 : i32
        %mul3A_103 = arith.constant 128 : i32
        %mul3A_104 = arith.muli %add3A_102, %mul3A_103 : i32
        %add3A_105 = arith.addi %mul3A_7, %mul3A_104 : i32
        "tpu.region"() ({
          %run_scoped3A = tpu.sem_alloc : memref<!tpu.dma_semaphore, #tpu.memory_space<semaphore_mem>>
          %dma_start3A = tpu.memref_slice %arg5[%add3A_105] : memref<163840xi32, #tpu.memory_space<hbm>> -> memref<128xi32, #tpu.memory_space<hbm>>
          %dma_start3A_116 = tpu.memref_slice %arg5[%add3A_105] : memref<163840xi32, #tpu.memory_space<hbm>> -> memref<128xi32, #tpu.memory_space<hbm>>
          tpu.enqueue_dma source(%dma_start3A_116 : memref<128xi32, #tpu.memory_space<hbm>>) target(%arg11 : memref<128xi32, #tpu.memory_space<vmem>>) target_semaphore(%run_scoped3A : memref<!tpu.dma_semaphore, #tpu.memory_space<semaphore_mem>>)
          %dma_wait3A_117 = tpu.memref_slice %arg5[%add3A_105] : memref<163840xi32, #tpu.memory_space<hbm>> -> memref<128xi32, #tpu.memory_space<hbm>>
          %dma_wait3A_118 = tpu.memref_slice %arg5[%add3A_105] : memref<163840xi32, #tpu.memory_space<hbm>> -> memref<128xi32, #tpu.memory_space<hbm>>
          tpu.wait_dma2 semaphore(%run_scoped3A : memref<!tpu.dma_semaphore, #tpu.memory_space<semaphore_mem>>) src(%dma_wait3A_118 : memref<128xi32, #tpu.memory_space<hbm>>) dst(%arg11 : memref<128xi32, #tpu.memory_space<vmem>>)
          tpu.yield
        }) : () -> ()
        %eq3A_106 = arith.constant 0 : i32
        %eq3A_107 = arith.cmpi eq, %arg0, %eq3A_106 : i32
        %convert_element_type3A_108 = arith.extui %eq3A_107 : i1 to i32
        %cond3A_109 = arith.constant 0 : i32
        %cond3A_110 = arith.cmpi ne, %convert_element_type3A_108, %cond3A_109 : i32
        scf.if %cond3A_110 {
          %dma_start3A = arith.constant 0 : i32
          %dma_start3A_116 = arith.constant 0 : i32
          %dma_start3A_117 = tpu.memref_slice %arg13[%dma_start3A, %dma_start3A_116] : memref<128x128xf32, #tpu.memory_space<vmem>> -> memref<64x128xf32, #tpu.memory_space<vmem>>
          %dma_start3A_118 = arith.constant 0 : i32
          %dma_start3A_119 = tpu.memref_slice %arg9[%dma_start3A_118] : memref<128xi32, #tpu.memory_space<vmem>> -> memref<64xi32, #tpu.memory_space<vmem>>
          %dma_start3A_120 = arith.constant 0 : i32
          %dma_start3A_121 = arith.constant 0 : i32
          %dma_start3A_122 = tpu.memref_slice %arg2[%dma_start3A_120, %dma_start3A_121] : memref<10240x128xf32, #tpu.memory_space<hbm>> -> memref<10240x128xf32, #tpu.memory_space<hbm>>
          tpu.enqueue_indirect_dma source(%dma_start3A_122 : memref<10240x128xf32, #tpu.memory_space<hbm>>) target(%dma_start3A_117 : memref<64x128xf32, #tpu.memory_space<vmem>>) offsets(%dma_start3A_119 : memref<64xi32, #tpu.memory_space<vmem>>) semaphore(%arg16 : memref<!tpu.dma_semaphore, #tpu.memory_space<semaphore_mem>>)
          %dma_start3A_123 = arith.constant 64 : i32
          %dma_start3A_124 = arith.constant 0 : i32
          %dma_start3A_125 = tpu.memref_slice %arg13[%dma_start3A_123, %dma_start3A_124] : memref<128x128xf32, #tpu.memory_space<vmem>> -> memref<64x128xf32, #tpu.memory_space<vmem>>
          %dma_start3A_126 = arith.constant 64 : i32
          %dma_start3A_127 = tpu.memref_slice %arg9[%dma_start3A_126] : memref<128xi32, #tpu.memory_space<vmem>> -> memref<64xi32, #tpu.memory_space<vmem>>
          %dma_start3A_128 = arith.constant 0 : i32
          %dma_start3A_129 = arith.constant 0 : i32
          %dma_start3A_130 = tpu.memref_slice %arg2[%dma_start3A_128, %dma_start3A_129] : memref<10240x128xf32, #tpu.memory_space<hbm>> -> memref<10240x128xf32, #tpu.memory_space<hbm>>
          tpu.enqueue_indirect_dma source(%dma_start3A_130 : memref<10240x128xf32, #tpu.memory_space<hbm>>) target(%dma_start3A_125 : memref<64x128xf32, #tpu.memory_space<vmem>>) offsets(%dma_start3A_127 : memref<64xi32, #tpu.memory_space<vmem>>) semaphore(%arg16 : memref<!tpu.dma_semaphore, #tpu.memory_space<semaphore_mem>>)
        } else {
        }
        %eq3A_111 = arith.constant 1 : i32
        %eq3A_112 = arith.cmpi eq, %arg0, %eq3A_111 : i32
        %convert_element_type3A_113 = arith.extui %eq3A_112 : i1 to i32
        %cond3A_114 = arith.constant 0 : i32
        %cond3A_115 = arith.cmpi ne, %convert_element_type3A_113, %cond3A_114 : i32
        scf.if %cond3A_115 {
          %dma_start3A = arith.constant 0 : i32
          %dma_start3A_116 = arith.constant 0 : i32
          %dma_start3A_117 = tpu.memref_slice %arg13[%dma_start3A, %dma_start3A_116] : memref<128x128xf32, #tpu.memory_space<vmem>> -> memref<64x128xf32, #tpu.memory_space<vmem>>
          %dma_start3A_118 = arith.constant 0 : i32
          %dma_start3A_119 = tpu.memref_slice %arg9[%dma_start3A_118] : memref<128xi32, #tpu.memory_space<vmem>> -> memref<64xi32, #tpu.memory_space<vmem>>
          %dma_start3A_120 = arith.constant 0 : i32
          %dma_start3A_121 = arith.constant 0 : i32
          %dma_start3A_122 = tpu.memref_slice %arg3[%dma_start3A_120, %dma_start3A_121] : memref<10240x128xf32, #tpu.memory_space<hbm>> -> memref<10240x128xf32, #tpu.memory_space<hbm>>
          tpu.enqueue_indirect_dma source(%dma_start3A_122 : memref<10240x128xf32, #tpu.memory_space<hbm>>) target(%dma_start3A_117 : memref<64x128xf32, #tpu.memory_space<vmem>>) offsets(%dma_start3A_119 : memref<64xi32, #tpu.memory_space<vmem>>) semaphore(%arg16 : memref<!tpu.dma_semaphore, #tpu.memory_space<semaphore_mem>>)
          %dma_start3A_123 = arith.constant 64 : i32
          %dma_start3A_124 = arith.constant 0 : i32
          %dma_start3A_125 = tpu.memref_slice %arg13[%dma_start3A_123, %dma_start3A_124] : memref<128x128xf32, #tpu.memory_space<vmem>> -> memref<64x128xf32, #tpu.memory_space<vmem>>
          %dma_start3A_126 = arith.constant 64 : i32
          %dma_start3A_127 = tpu.memref_slice %arg9[%dma_start3A_126] : memref<128xi32, #tpu.memory_space<vmem>> -> memref<64xi32, #tpu.memory_space<vmem>>
          %dma_start3A_128 = arith.constant 0 : i32
          %dma_start3A_129 = arith.constant 0 : i32
          %dma_start3A_130 = tpu.memref_slice %arg3[%dma_start3A_128, %dma_start3A_129] : memref<10240x128xf32, #tpu.memory_space<hbm>> -> memref<10240x128xf32, #tpu.memory_space<hbm>>
          tpu.enqueue_indirect_dma source(%dma_start3A_130 : memref<10240x128xf32, #tpu.memory_space<hbm>>) target(%dma_start3A_125 : memref<64x128xf32, #tpu.memory_space<vmem>>) offsets(%dma_start3A_127 : memref<64xi32, #tpu.memory_space<vmem>>) semaphore(%arg16 : memref<!tpu.dma_semaphore, #tpu.memory_space<semaphore_mem>>)
        } else {
        }
      } else {
      }
    }
    %scan3A_37 = arith.constant 40 : i32
    %barrier3A_38 = arith.constant 0 : index
    tpu.barrier barrier_id(%barrier3A_38)
    %scan3A_39 = arith.constant 0 : i32
    %scan3A_40 = arith.constant 0 : i32
    %scan3A_41 = arith.constant 5 : i32
    %scan3A_42 = arith.addi %scan3A_40, %scan3A_41 : i32
    %scan3A_43 = arith.constant 1 : i32
    scf.for %scan3A_45 = %scan3A_40 to %scan3A_42 step %scan3A_43  : i32 {
      %mul3A_46 = arith.constant 128 : i32
      %mul3A_47 = arith.muli %scan3A_45, %mul3A_46 : i32
      %add3A_48 = arith.addi %mul3A_0, %mul3A_47 : i32
      "tpu.region"() ({
        %run_scoped3A = tpu.sem_alloc : memref<!tpu.dma_semaphore, #tpu.memory_space<semaphore_mem>>
        %dma_start3A = arith.constant 0 : i32
        %dma_start3A_59 = tpu.memref_slice %arg14[%add3A_48, %dma_start3A] : memref<10240x128xf32, #tpu.memory_space<vmem_shared>> -> memref<128x128xf32, #tpu.memory_space<vmem_shared>>
        %dma_start3A_60 = arith.constant 0 : i32
        %dma_start3A_61 = tpu.memref_slice %arg14[%add3A_48, %dma_start3A_60] : memref<10240x128xf32, #tpu.memory_space<vmem_shared>> -> memref<128x128xf32, #tpu.memory_space<vmem_shared>>
        tpu.enqueue_dma source(%dma_start3A_61 : memref<128x128xf32, #tpu.memory_space<vmem_shared>>) target(%arg12 : memref<128x128xf32, #tpu.memory_space<vmem>>) target_semaphore(%run_scoped3A : memref<!tpu.dma_semaphore, #tpu.memory_space<semaphore_mem>>)
        %dma_wait3A = arith.constant 0 : i32
        %dma_wait3A_62 = tpu.memref_slice %arg14[%add3A_48, %dma_wait3A] : memref<10240x128xf32, #tpu.memory_space<vmem_shared>> -> memref<128x128xf32, #tpu.memory_space<vmem_shared>>
        %dma_wait3A_63 = arith.constant 0 : i32
        %dma_wait3A_64 = tpu.memref_slice %arg14[%add3A_48, %dma_wait3A_63] : memref<10240x128xf32, #tpu.memory_space<vmem_shared>> -> memref<128x128xf32, #tpu.memory_space<vmem_shared>>
        tpu.wait_dma2 semaphore(%run_scoped3A : memref<!tpu.dma_semaphore, #tpu.memory_space<semaphore_mem>>) src(%dma_wait3A_64 : memref<128x128xf32, #tpu.memory_space<vmem_shared>>) dst(%arg12 : memref<128x128xf32, #tpu.memory_space<vmem>>)
        tpu.yield
      }) : () -> ()
      %eq3A_49 = arith.constant 0 : i32
      %eq3A_50 = arith.cmpi eq, %arg0, %eq3A_49 : i32
      %convert_element_type3A_51 = arith.extui %eq3A_50 : i1 to i32
      %cond3A_52 = arith.constant 0 : i32
      %cond3A_53 = arith.cmpi ne, %convert_element_type3A_51, %cond3A_52 : i32
      scf.if %cond3A_53 {
        "tpu.region"() ({
          %run_scoped3A = tpu.sem_alloc : memref<!tpu.dma_semaphore, #tpu.memory_space<semaphore_mem>>
          %dma_start3A = arith.constant 0 : i32
          %dma_start3A_59 = tpu.memref_slice %arg6[%add3A_48, %dma_start3A] : memref<10240x128xf32, #tpu.memory_space<hbm>> -> memref<128x128xf32, #tpu.memory_space<hbm>>
          %dma_start3A_60 = arith.constant 0 : i32
          %dma_start3A_61 = tpu.memref_slice %arg6[%add3A_48, %dma_start3A_60] : memref<10240x128xf32, #tpu.memory_space<hbm>> -> memref<128x128xf32, #tpu.memory_space<hbm>>
          tpu.enqueue_dma source(%arg12 : memref<128x128xf32, #tpu.memory_space<vmem>>) target(%dma_start3A_61 : memref<128x128xf32, #tpu.memory_space<hbm>>) target_semaphore(%run_scoped3A : memref<!tpu.dma_semaphore, #tpu.memory_space<semaphore_mem>>)
          %dma_wait3A = arith.constant 0 : i32
          %dma_wait3A_62 = tpu.memref_slice %arg6[%add3A_48, %dma_wait3A] : memref<10240x128xf32, #tpu.memory_space<hbm>> -> memref<128x128xf32, #tpu.memory_space<hbm>>
          %dma_wait3A_63 = arith.constant 0 : i32
          %dma_wait3A_64 = tpu.memref_slice %arg6[%add3A_48, %dma_wait3A_63] : memref<10240x128xf32, #tpu.memory_space<hbm>> -> memref<128x128xf32, #tpu.memory_space<hbm>>
          tpu.wait_dma2 semaphore(%run_scoped3A : memref<!tpu.dma_semaphore, #tpu.memory_space<semaphore_mem>>) src(%arg12 : memref<128x128xf32, #tpu.memory_space<vmem>>) dst(%dma_wait3A_64 : memref<128x128xf32, #tpu.memory_space<hbm>>)
          tpu.yield
        }) : () -> ()
      } else {
      }
      %eq3A_54 = arith.constant 1 : i32
      %eq3A_55 = arith.cmpi eq, %arg0, %eq3A_54 : i32
      %convert_element_type3A_56 = arith.extui %eq3A_55 : i1 to i32
      %cond3A_57 = arith.constant 0 : i32
      %cond3A_58 = arith.cmpi ne, %convert_element_type3A_56, %cond3A_57 : i32
      scf.if %cond3A_58 {
        "tpu.region"() ({
          %run_scoped3A = tpu.sem_alloc : memref<!tpu.dma_semaphore, #tpu.memory_space<semaphore_mem>>
          %dma_start3A = arith.constant 0 : i32
          %dma_start3A_59 = tpu.memref_slice %arg7[%add3A_48, %dma_start3A] : memref<10240x128xf32, #tpu.memory_space<hbm>> -> memref<128x128xf32, #tpu.memory_space<hbm>>
          %dma_start3A_60 = arith.constant 0 : i32
          %dma_start3A_61 = tpu.memref_slice %arg7[%add3A_48, %dma_start3A_60] : memref<10240x128xf32, #tpu.memory_space<hbm>> -> memref<128x128xf32, #tpu.memory_space<hbm>>
          tpu.enqueue_dma source(%arg12 : memref<128x128xf32, #tpu.memory_space<vmem>>) target(%dma_start3A_61 : memref<128x128xf32, #tpu.memory_space<hbm>>) target_semaphore(%run_scoped3A : memref<!tpu.dma_semaphore, #tpu.memory_space<semaphore_mem>>)
          %dma_wait3A = arith.constant 0 : i32
          %dma_wait3A_62 = tpu.memref_slice %arg7[%add3A_48, %dma_wait3A] : memref<10240x128xf32, #tpu.memory_space<hbm>> -> memref<128x128xf32, #tpu.memory_space<hbm>>
          %dma_wait3A_63 = arith.constant 0 : i32
          %dma_wait3A_64 = tpu.memref_slice %arg7[%add3A_48, %dma_wait3A_63] : memref<10240x128xf32, #tpu.memory_space<hbm>> -> memref<128x128xf32, #tpu.memory_space<hbm>>
          tpu.wait_dma2 semaphore(%run_scoped3A : memref<!tpu.dma_semaphore, #tpu.memory_space<semaphore_mem>>) src(%arg12 : memref<128x128xf32, #tpu.memory_space<vmem>>) dst(%dma_wait3A_64 : memref<128x128xf32, #tpu.memory_space<hbm>>)
          tpu.yield
        }) : () -> ()
      } else {
      }
    }
    %scan3A_44 = arith.constant 5 : i32
    return
  }
}

#map = affine_map<(d0, d1) -> (0, 0)>
#map1 = affine_map<(d0, d1) -> (0)>
module attributes {stable_mosaic.version = 14 : i64} {
  func.func @_msg2_body(%arg0: i32, %arg1: i32, %arg2: memref<10240x128xf32, #tpu.memory_space<hbm>>, %arg3: memref<10240x128xf32, #tpu.memory_space<hbm>>, %arg4: memref<163840xi32, #tpu.memory_space<hbm>>, %arg5: memref<163840xi32, #tpu.memory_space<hbm>>, %arg6: memref<128x128xf32, #tpu.memory_space<hbm>>, %arg7: memref<10240x128xf32, #tpu.memory_space<hbm>>, %arg8: memref<10240x128xf32, #tpu.memory_space<hbm>>, %arg9: memref<128xi32, #tpu.memory_space<vmem>>, %arg10: memref<128xi32, #tpu.memory_space<vmem>>, %arg11: memref<128xi32, #tpu.memory_space<vmem>>, %arg12: memref<128xi32, #tpu.memory_space<vmem>>, %arg13: memref<128x128xf32, #tpu.memory_space<vmem>>, %arg14: memref<128x128xf32, #tpu.memory_space<vmem>>, %arg15: memref<10240x128xf32, #tpu.memory_space<vmem_shared>>, %arg16: memref<!tpu.dma_semaphore, #tpu.memory_space<semaphore_mem>>, %arg17: memref<!tpu.dma_semaphore, #tpu.memory_space<semaphore_mem>>) attributes {dimension_semantics = [#tpu.dimension_semantics<core_parallel>, #tpu.dimension_semantics<subcore_parallel>], iteration_bounds = array<i64: 2, 16>, scalar_prefetch = 0 : i64, scratch_operands = 9 : i64, tpu.core_type = #tpu.core_type<sc_vector_subcore>, window_params = [{transform_indices = #map}, {transform_indices = #map}, {transform_indices = #map1}, {transform_indices = #map1}, {transform_indices = #map}, {transform_indices = #map}, {transform_indices = #map}]} {
    %mul3A = arith.constant 640 : i32
    %mul3A_0 = arith.muli %arg1, %mul3A : i32
    %eq3A = arith.constant 1 : i32
    %eq3A_1 = arith.cmpi eq, %arg0, %eq3A : i32
    %convert_element_type3A = arith.extui %eq3A_1 : i1 to i32
    %cond3A = arith.constant 0 : i32
    %cond3A_2 = arith.cmpi ne, %convert_element_type3A, %cond3A : i32
    scf.if %cond3A_2 {
      "tpu.region"() ({
        %run_scoped3A = tpu.sem_alloc : memref<!tpu.dma_semaphore, #tpu.memory_space<semaphore_mem>>
        tpu.enqueue_dma source(%arg6 : memref<128x128xf32, #tpu.memory_space<hbm>>) target(%arg13 : memref<128x128xf32, #tpu.memory_space<vmem>>) target_semaphore(%run_scoped3A : memref<!tpu.dma_semaphore, #tpu.memory_space<semaphore_mem>>)
        tpu.wait_dma2 semaphore(%run_scoped3A : memref<!tpu.dma_semaphore, #tpu.memory_space<semaphore_mem>>) src(%arg6 : memref<128x128xf32, #tpu.memory_space<hbm>>) dst(%arg13 : memref<128x128xf32, #tpu.memory_space<vmem>>)
        tpu.yield
      }) : () -> ()
    } else {
    }
    %scan3A = arith.constant 0 : i32
    %scan3A_3 = arith.constant 0 : i32
    %scan3A_4 = arith.constant 5 : i32
    %scan3A_5 = arith.addi %scan3A_3, %scan3A_4 : i32
    %scan3A_6 = arith.constant 1 : i32
    scf.for %scan3A_53 = %scan3A_3 to %scan3A_5 step %scan3A_6  : i32 {
      %mul3A_54 = arith.constant 128 : i32
      %mul3A_55 = arith.muli %scan3A_53, %mul3A_54 : i32
      %add3A_56 = arith.addi %mul3A_0, %mul3A_55 : i32
      %eq3A_57 = arith.constant 0 : i32
      %eq3A_58 = arith.cmpi eq, %arg0, %eq3A_57 : i32
      %convert_element_type3A_59 = arith.extui %eq3A_58 : i1 to i32
      %cond3A_60 = arith.constant 0 : i32
      %cond3A_61 = arith.cmpi ne, %convert_element_type3A_59, %cond3A_60 : i32
      scf.if %cond3A_61 {
        "tpu.region"() ({
          %run_scoped3A = tpu.sem_alloc : memref<!tpu.dma_semaphore, #tpu.memory_space<semaphore_mem>>
          %dma_start3A = arith.constant 0 : i32
          %dma_start3A_62 = tpu.memref_slice %arg2[%add3A_56, %dma_start3A] : memref<10240x128xf32, #tpu.memory_space<hbm>> -> memref<128x128xf32, #tpu.memory_space<hbm>>
          %dma_start3A_63 = arith.constant 0 : i32
          %dma_start3A_64 = tpu.memref_slice %arg2[%add3A_56, %dma_start3A_63] : memref<10240x128xf32, #tpu.memory_space<hbm>> -> memref<128x128xf32, #tpu.memory_space<hbm>>
          tpu.enqueue_dma source(%dma_start3A_64 : memref<128x128xf32, #tpu.memory_space<hbm>>) target(%arg13 : memref<128x128xf32, #tpu.memory_space<vmem>>) target_semaphore(%run_scoped3A : memref<!tpu.dma_semaphore, #tpu.memory_space<semaphore_mem>>)
          %dma_wait3A = arith.constant 0 : i32
          %dma_wait3A_65 = tpu.memref_slice %arg2[%add3A_56, %dma_wait3A] : memref<10240x128xf32, #tpu.memory_space<hbm>> -> memref<128x128xf32, #tpu.memory_space<hbm>>
          %dma_wait3A_66 = arith.constant 0 : i32
          %dma_wait3A_67 = tpu.memref_slice %arg2[%add3A_56, %dma_wait3A_66] : memref<10240x128xf32, #tpu.memory_space<hbm>> -> memref<128x128xf32, #tpu.memory_space<hbm>>
          tpu.wait_dma2 semaphore(%run_scoped3A : memref<!tpu.dma_semaphore, #tpu.memory_space<semaphore_mem>>) src(%dma_wait3A_67 : memref<128x128xf32, #tpu.memory_space<hbm>>) dst(%arg13 : memref<128x128xf32, #tpu.memory_space<vmem>>)
          tpu.yield
        }) : () -> ()
      } else {
      }
      "tpu.region"() ({
        %run_scoped3A = tpu.sem_alloc : memref<!tpu.dma_semaphore, #tpu.memory_space<semaphore_mem>>
        %dma_start3A = arith.constant 0 : i32
        %dma_start3A_62 = tpu.memref_slice %arg15[%add3A_56, %dma_start3A] : memref<10240x128xf32, #tpu.memory_space<vmem_shared>> -> memref<128x128xf32, #tpu.memory_space<vmem_shared>>
        %dma_start3A_63 = arith.constant 0 : i32
        %dma_start3A_64 = tpu.memref_slice %arg15[%add3A_56, %dma_start3A_63] : memref<10240x128xf32, #tpu.memory_space<vmem_shared>> -> memref<128x128xf32, #tpu.memory_space<vmem_shared>>
        tpu.enqueue_dma source(%arg13 : memref<128x128xf32, #tpu.memory_space<vmem>>) target(%dma_start3A_64 : memref<128x128xf32, #tpu.memory_space<vmem_shared>>) target_semaphore(%run_scoped3A : memref<!tpu.dma_semaphore, #tpu.memory_space<semaphore_mem>>)
        %dma_wait3A = arith.constant 0 : i32
        %dma_wait3A_65 = tpu.memref_slice %arg15[%add3A_56, %dma_wait3A] : memref<10240x128xf32, #tpu.memory_space<vmem_shared>> -> memref<128x128xf32, #tpu.memory_space<vmem_shared>>
        %dma_wait3A_66 = arith.constant 0 : i32
        %dma_wait3A_67 = tpu.memref_slice %arg15[%add3A_56, %dma_wait3A_66] : memref<10240x128xf32, #tpu.memory_space<vmem_shared>> -> memref<128x128xf32, #tpu.memory_space<vmem_shared>>
        tpu.wait_dma2 semaphore(%run_scoped3A : memref<!tpu.dma_semaphore, #tpu.memory_space<semaphore_mem>>) src(%arg13 : memref<128x128xf32, #tpu.memory_space<vmem>>) dst(%dma_wait3A_67 : memref<128x128xf32, #tpu.memory_space<vmem_shared>>)
        tpu.yield
      }) : () -> ()
    }
    %scan3A_7 = arith.constant 5 : i32
    %barrier3A = arith.constant 0 : index
    tpu.barrier barrier_id(%barrier3A)
    %mul3A_8 = arith.constant 16 : i32
    %mul3A_9 = arith.muli %arg0, %mul3A_8 : i32
    %add3A = arith.addi %mul3A_9, %arg1 : i32
    %mul3A_10 = arith.constant 5120 : i32
    %mul3A_11 = arith.muli %add3A, %mul3A_10 : i32
    %add3A_12 = arith.constant 0 : i32
    %add3A_13 = arith.addi %mul3A_11, %add3A_12 : i32
    "tpu.region"() ({
      %run_scoped3A = tpu.sem_alloc : memref<!tpu.dma_semaphore, #tpu.memory_space<semaphore_mem>>
      %dma_start3A = tpu.memref_slice %arg4[%add3A_13] : memref<163840xi32, #tpu.memory_space<hbm>> -> memref<128xi32, #tpu.memory_space<hbm>>
      %dma_start3A_53 = tpu.memref_slice %arg4[%add3A_13] : memref<163840xi32, #tpu.memory_space<hbm>> -> memref<128xi32, #tpu.memory_space<hbm>>
      tpu.enqueue_dma source(%dma_start3A_53 : memref<128xi32, #tpu.memory_space<hbm>>) target(%arg9 : memref<128xi32, #tpu.memory_space<vmem>>) target_semaphore(%run_scoped3A : memref<!tpu.dma_semaphore, #tpu.memory_space<semaphore_mem>>)
      %dma_wait3A = tpu.memref_slice %arg4[%add3A_13] : memref<163840xi32, #tpu.memory_space<hbm>> -> memref<128xi32, #tpu.memory_space<hbm>>
      %dma_wait3A_54 = tpu.memref_slice %arg4[%add3A_13] : memref<163840xi32, #tpu.memory_space<hbm>> -> memref<128xi32, #tpu.memory_space<hbm>>
      tpu.wait_dma2 semaphore(%run_scoped3A : memref<!tpu.dma_semaphore, #tpu.memory_space<semaphore_mem>>) src(%dma_wait3A_54 : memref<128xi32, #tpu.memory_space<hbm>>) dst(%arg9 : memref<128xi32, #tpu.memory_space<vmem>>)
      tpu.yield
    }) : () -> ()
    %add3A_14 = arith.constant 0 : i32
    %add3A_15 = arith.addi %mul3A_11, %add3A_14 : i32
    "tpu.region"() ({
      %run_scoped3A = tpu.sem_alloc : memref<!tpu.dma_semaphore, #tpu.memory_space<semaphore_mem>>
      %dma_start3A = tpu.memref_slice %arg5[%add3A_15] : memref<163840xi32, #tpu.memory_space<hbm>> -> memref<128xi32, #tpu.memory_space<hbm>>
      %dma_start3A_53 = tpu.memref_slice %arg5[%add3A_15] : memref<163840xi32, #tpu.memory_space<hbm>> -> memref<128xi32, #tpu.memory_space<hbm>>
      tpu.enqueue_dma source(%dma_start3A_53 : memref<128xi32, #tpu.memory_space<hbm>>) target(%arg11 : memref<128xi32, #tpu.memory_space<vmem>>) target_semaphore(%run_scoped3A : memref<!tpu.dma_semaphore, #tpu.memory_space<semaphore_mem>>)
      %dma_wait3A = tpu.memref_slice %arg5[%add3A_15] : memref<163840xi32, #tpu.memory_space<hbm>> -> memref<128xi32, #tpu.memory_space<hbm>>
      %dma_wait3A_54 = tpu.memref_slice %arg5[%add3A_15] : memref<163840xi32, #tpu.memory_space<hbm>> -> memref<128xi32, #tpu.memory_space<hbm>>
      tpu.wait_dma2 semaphore(%run_scoped3A : memref<!tpu.dma_semaphore, #tpu.memory_space<semaphore_mem>>) src(%dma_wait3A_54 : memref<128xi32, #tpu.memory_space<hbm>>) dst(%arg11 : memref<128xi32, #tpu.memory_space<vmem>>)
      tpu.yield
    }) : () -> ()
    %eq3A_16 = arith.constant 0 : i32
    %eq3A_17 = arith.cmpi eq, %arg0, %eq3A_16 : i32
    %convert_element_type3A_18 = arith.extui %eq3A_17 : i1 to i32
    %cond3A_19 = arith.constant 0 : i32
    %cond3A_20 = arith.cmpi ne, %convert_element_type3A_18, %cond3A_19 : i32
    scf.if %cond3A_20 {
      %dma_start3A = arith.constant 0 : i32
      %dma_start3A_53 = arith.constant 0 : i32
      %dma_start3A_54 = tpu.memref_slice %arg2[%dma_start3A, %dma_start3A_53] : memref<10240x128xf32, #tpu.memory_space<hbm>> -> memref<10240x128xf32, #tpu.memory_space<hbm>>
      tpu.enqueue_indirect_dma source(%dma_start3A_54 : memref<10240x128xf32, #tpu.memory_space<hbm>>) target(%arg13 : memref<128x128xf32, #tpu.memory_space<vmem>>) offsets(%arg9 : memref<128xi32, #tpu.memory_space<vmem>>) semaphore(%arg16 : memref<!tpu.dma_semaphore, #tpu.memory_space<semaphore_mem>>)
    } else {
    }
    %eq3A_21 = arith.constant 1 : i32
    %eq3A_22 = arith.cmpi eq, %arg0, %eq3A_21 : i32
    %convert_element_type3A_23 = arith.extui %eq3A_22 : i1 to i32
    %cond3A_24 = arith.constant 0 : i32
    %cond3A_25 = arith.cmpi ne, %convert_element_type3A_23, %cond3A_24 : i32
    scf.if %cond3A_25 {
      %dma_start3A = arith.constant 0 : i32
      %dma_start3A_53 = arith.constant 0 : i32
      %dma_start3A_54 = tpu.memref_slice %arg3[%dma_start3A, %dma_start3A_53] : memref<10240x128xf32, #tpu.memory_space<hbm>> -> memref<10240x128xf32, #tpu.memory_space<hbm>>
      tpu.enqueue_indirect_dma source(%dma_start3A_54 : memref<10240x128xf32, #tpu.memory_space<hbm>>) target(%arg13 : memref<128x128xf32, #tpu.memory_space<vmem>>) offsets(%arg9 : memref<128xi32, #tpu.memory_space<vmem>>) semaphore(%arg16 : memref<!tpu.dma_semaphore, #tpu.memory_space<semaphore_mem>>)
    } else {
    }
    %add3A_26 = arith.constant 128 : i32
    %add3A_27 = arith.addi %mul3A_11, %add3A_26 : i32
    "tpu.region"() ({
      %run_scoped3A = tpu.sem_alloc : memref<!tpu.dma_semaphore, #tpu.memory_space<semaphore_mem>>
      %dma_start3A = tpu.memref_slice %arg4[%add3A_27] : memref<163840xi32, #tpu.memory_space<hbm>> -> memref<128xi32, #tpu.memory_space<hbm>>
      %dma_start3A_53 = tpu.memref_slice %arg4[%add3A_27] : memref<163840xi32, #tpu.memory_space<hbm>> -> memref<128xi32, #tpu.memory_space<hbm>>
      tpu.enqueue_dma source(%dma_start3A_53 : memref<128xi32, #tpu.memory_space<hbm>>) target(%arg10 : memref<128xi32, #tpu.memory_space<vmem>>) target_semaphore(%run_scoped3A : memref<!tpu.dma_semaphore, #tpu.memory_space<semaphore_mem>>)
      %dma_wait3A = tpu.memref_slice %arg4[%add3A_27] : memref<163840xi32, #tpu.memory_space<hbm>> -> memref<128xi32, #tpu.memory_space<hbm>>
      %dma_wait3A_54 = tpu.memref_slice %arg4[%add3A_27] : memref<163840xi32, #tpu.memory_space<hbm>> -> memref<128xi32, #tpu.memory_space<hbm>>
      tpu.wait_dma2 semaphore(%run_scoped3A : memref<!tpu.dma_semaphore, #tpu.memory_space<semaphore_mem>>) src(%dma_wait3A_54 : memref<128xi32, #tpu.memory_space<hbm>>) dst(%arg10 : memref<128xi32, #tpu.memory_space<vmem>>)
      tpu.yield
    }) : () -> ()
    %add3A_28 = arith.constant 128 : i32
    %add3A_29 = arith.addi %mul3A_11, %add3A_28 : i32
    "tpu.region"() ({
      %run_scoped3A = tpu.sem_alloc : memref<!tpu.dma_semaphore, #tpu.memory_space<semaphore_mem>>
      %dma_start3A = tpu.memref_slice %arg5[%add3A_29] : memref<163840xi32, #tpu.memory_space<hbm>> -> memref<128xi32, #tpu.memory_space<hbm>>
      %dma_start3A_53 = tpu.memref_slice %arg5[%add3A_29] : memref<163840xi32, #tpu.memory_space<hbm>> -> memref<128xi32, #tpu.memory_space<hbm>>
      tpu.enqueue_dma source(%dma_start3A_53 : memref<128xi32, #tpu.memory_space<hbm>>) target(%arg12 : memref<128xi32, #tpu.memory_space<vmem>>) target_semaphore(%run_scoped3A : memref<!tpu.dma_semaphore, #tpu.memory_space<semaphore_mem>>)
      %dma_wait3A = tpu.memref_slice %arg5[%add3A_29] : memref<163840xi32, #tpu.memory_space<hbm>> -> memref<128xi32, #tpu.memory_space<hbm>>
      %dma_wait3A_54 = tpu.memref_slice %arg5[%add3A_29] : memref<163840xi32, #tpu.memory_space<hbm>> -> memref<128xi32, #tpu.memory_space<hbm>>
      tpu.wait_dma2 semaphore(%run_scoped3A : memref<!tpu.dma_semaphore, #tpu.memory_space<semaphore_mem>>) src(%dma_wait3A_54 : memref<128xi32, #tpu.memory_space<hbm>>) dst(%arg12 : memref<128xi32, #tpu.memory_space<vmem>>)
      tpu.yield
    }) : () -> ()
    %eq3A_30 = arith.constant 0 : i32
    %eq3A_31 = arith.cmpi eq, %arg0, %eq3A_30 : i32
    %convert_element_type3A_32 = arith.extui %eq3A_31 : i1 to i32
    %cond3A_33 = arith.constant 0 : i32
    %cond3A_34 = arith.cmpi ne, %convert_element_type3A_32, %cond3A_33 : i32
    scf.if %cond3A_34 {
      %dma_start3A = arith.constant 0 : i32
      %dma_start3A_53 = arith.constant 0 : i32
      %dma_start3A_54 = tpu.memref_slice %arg2[%dma_start3A, %dma_start3A_53] : memref<10240x128xf32, #tpu.memory_space<hbm>> -> memref<10240x128xf32, #tpu.memory_space<hbm>>
      tpu.enqueue_indirect_dma source(%dma_start3A_54 : memref<10240x128xf32, #tpu.memory_space<hbm>>) target(%arg14 : memref<128x128xf32, #tpu.memory_space<vmem>>) offsets(%arg10 : memref<128xi32, #tpu.memory_space<vmem>>) semaphore(%arg17 : memref<!tpu.dma_semaphore, #tpu.memory_space<semaphore_mem>>)
    } else {
    }
    %eq3A_35 = arith.constant 1 : i32
    %eq3A_36 = arith.cmpi eq, %arg0, %eq3A_35 : i32
    %convert_element_type3A_37 = arith.extui %eq3A_36 : i1 to i32
    %cond3A_38 = arith.constant 0 : i32
    %cond3A_39 = arith.cmpi ne, %convert_element_type3A_37, %cond3A_38 : i32
    scf.if %cond3A_39 {
      %dma_start3A = arith.constant 0 : i32
      %dma_start3A_53 = arith.constant 0 : i32
      %dma_start3A_54 = tpu.memref_slice %arg3[%dma_start3A, %dma_start3A_53] : memref<10240x128xf32, #tpu.memory_space<hbm>> -> memref<10240x128xf32, #tpu.memory_space<hbm>>
      tpu.enqueue_indirect_dma source(%dma_start3A_54 : memref<10240x128xf32, #tpu.memory_space<hbm>>) target(%arg14 : memref<128x128xf32, #tpu.memory_space<vmem>>) offsets(%arg10 : memref<128xi32, #tpu.memory_space<vmem>>) semaphore(%arg17 : memref<!tpu.dma_semaphore, #tpu.memory_space<semaphore_mem>>)
    } else {
    }
    %scan3A_40 = arith.constant 0 : i32
    %scan3A_41 = arith.constant 0 : i32
    %scan3A_42 = arith.constant 20 : i32
    %scan3A_43 = arith.addi %scan3A_41, %scan3A_42 : i32
    %scan3A_44 = arith.constant 1 : i32
    scf.for %scan3A_53 = %scan3A_41 to %scan3A_43 step %scan3A_44  : i32 {
      %mul3A_54 = arith.constant 2 : i32
      %mul3A_55 = arith.muli %scan3A_53, %mul3A_54 : i32
      %add3A_56 = arith.constant 0 : i32
      %add3A_57 = arith.addi %mul3A_55, %add3A_56 : i32
      %dma_wait3A = arith.constant 0 : i32
      %dma_wait3A_58 = arith.constant 0 : i32
      %dma_wait3A_59 = tpu.memref_slice %arg2[%dma_wait3A, %dma_wait3A_58] : memref<10240x128xf32, #tpu.memory_space<hbm>> -> memref<10240x128xf32, #tpu.memory_space<hbm>>
      tpu.wait_indirect_dma semaphore(%arg16 : memref<!tpu.dma_semaphore, #tpu.memory_space<semaphore_mem>>) src(%dma_wait3A_59 : memref<10240x128xf32, #tpu.memory_space<hbm>>) dst(%arg13 : memref<128x128xf32, #tpu.memory_space<vmem>>)
      "tpu.region"() ({
        %run_scoped3A = tpu.sem_alloc : memref<!tpu.dma_semaphore, #tpu.memory_space<semaphore_mem>>
        %dma_start3A = arith.constant 0 : i32
        %dma_start3A_78 = arith.constant 0 : i32
        %dma_start3A_79 = tpu.memref_slice %arg15[%dma_start3A, %dma_start3A_78] : memref<10240x128xf32, #tpu.memory_space<vmem_shared>> -> memref<10240x128xf32, #tpu.memory_space<vmem_shared>>
        tpu.enqueue_indirect_dma source(%arg13 : memref<128x128xf32, #tpu.memory_space<vmem>>) target(%dma_start3A_79 : memref<10240x128xf32, #tpu.memory_space<vmem_shared>>) offsets(%arg11 : memref<128xi32, #tpu.memory_space<vmem>>) semaphore(%run_scoped3A : memref<!tpu.dma_semaphore, #tpu.memory_space<semaphore_mem>>) {add = true}
        %dma_wait3A_80 = arith.constant 0 : i32
        %dma_wait3A_81 = arith.constant 0 : i32
        %dma_wait3A_82 = tpu.memref_slice %arg15[%dma_wait3A_80, %dma_wait3A_81] : memref<10240x128xf32, #tpu.memory_space<vmem_shared>> -> memref<10240x128xf32, #tpu.memory_space<vmem_shared>>
        tpu.wait_indirect_dma semaphore(%run_scoped3A : memref<!tpu.dma_semaphore, #tpu.memory_space<semaphore_mem>>) src(%arg13 : memref<128x128xf32, #tpu.memory_space<vmem>>) dst(%dma_wait3A_82 : memref<10240x128xf32, #tpu.memory_space<vmem_shared>>)
        tpu.yield
      }) : () -> ()
      %add3A_60 = arith.constant 2 : i32
      %add3A_61 = arith.addi %add3A_57, %add3A_60 : i32
      %lt3A = arith.constant 40 : i32
      %lt3A_62 = arith.cmpi slt, %add3A_61, %lt3A : i32
      %convert_element_type3A_63 = arith.extui %lt3A_62 : i1 to i32
      %cond3A_64 = arith.constant 0 : i32
      %cond3A_65 = arith.cmpi ne, %convert_element_type3A_63, %cond3A_64 : i32
      scf.if %cond3A_65 {
        %add3A_78 = arith.constant 2 : i32
        %add3A_79 = arith.addi %add3A_57, %add3A_78 : i32
        %mul3A_80 = arith.constant 128 : i32
        %mul3A_81 = arith.muli %add3A_79, %mul3A_80 : i32
        %add3A_82 = arith.addi %mul3A_11, %mul3A_81 : i32
        "tpu.region"() ({
          %run_scoped3A = tpu.sem_alloc : memref<!tpu.dma_semaphore, #tpu.memory_space<semaphore_mem>>
          %dma_start3A = tpu.memref_slice %arg4[%add3A_82] : memref<163840xi32, #tpu.memory_space<hbm>> -> memref<128xi32, #tpu.memory_space<hbm>>
          %dma_start3A_98 = tpu.memref_slice %arg4[%add3A_82] : memref<163840xi32, #tpu.memory_space<hbm>> -> memref<128xi32, #tpu.memory_space<hbm>>
          tpu.enqueue_dma source(%dma_start3A_98 : memref<128xi32, #tpu.memory_space<hbm>>) target(%arg9 : memref<128xi32, #tpu.memory_space<vmem>>) target_semaphore(%run_scoped3A : memref<!tpu.dma_semaphore, #tpu.memory_space<semaphore_mem>>)
          %dma_wait3A_99 = tpu.memref_slice %arg4[%add3A_82] : memref<163840xi32, #tpu.memory_space<hbm>> -> memref<128xi32, #tpu.memory_space<hbm>>
          %dma_wait3A_100 = tpu.memref_slice %arg4[%add3A_82] : memref<163840xi32, #tpu.memory_space<hbm>> -> memref<128xi32, #tpu.memory_space<hbm>>
          tpu.wait_dma2 semaphore(%run_scoped3A : memref<!tpu.dma_semaphore, #tpu.memory_space<semaphore_mem>>) src(%dma_wait3A_100 : memref<128xi32, #tpu.memory_space<hbm>>) dst(%arg9 : memref<128xi32, #tpu.memory_space<vmem>>)
          tpu.yield
        }) : () -> ()
        %add3A_83 = arith.constant 2 : i32
        %add3A_84 = arith.addi %add3A_57, %add3A_83 : i32
        %mul3A_85 = arith.constant 128 : i32
        %mul3A_86 = arith.muli %add3A_84, %mul3A_85 : i32
        %add3A_87 = arith.addi %mul3A_11, %mul3A_86 : i32
        "tpu.region"() ({
          %run_scoped3A = tpu.sem_alloc : memref<!tpu.dma_semaphore, #tpu.memory_space<semaphore_mem>>
          %dma_start3A = tpu.memref_slice %arg5[%add3A_87] : memref<163840xi32, #tpu.memory_space<hbm>> -> memref<128xi32, #tpu.memory_space<hbm>>
          %dma_start3A_98 = tpu.memref_slice %arg5[%add3A_87] : memref<163840xi32, #tpu.memory_space<hbm>> -> memref<128xi32, #tpu.memory_space<hbm>>
          tpu.enqueue_dma source(%dma_start3A_98 : memref<128xi32, #tpu.memory_space<hbm>>) target(%arg11 : memref<128xi32, #tpu.memory_space<vmem>>) target_semaphore(%run_scoped3A : memref<!tpu.dma_semaphore, #tpu.memory_space<semaphore_mem>>)
          %dma_wait3A_99 = tpu.memref_slice %arg5[%add3A_87] : memref<163840xi32, #tpu.memory_space<hbm>> -> memref<128xi32, #tpu.memory_space<hbm>>
          %dma_wait3A_100 = tpu.memref_slice %arg5[%add3A_87] : memref<163840xi32, #tpu.memory_space<hbm>> -> memref<128xi32, #tpu.memory_space<hbm>>
          tpu.wait_dma2 semaphore(%run_scoped3A : memref<!tpu.dma_semaphore, #tpu.memory_space<semaphore_mem>>) src(%dma_wait3A_100 : memref<128xi32, #tpu.memory_space<hbm>>) dst(%arg11 : memref<128xi32, #tpu.memory_space<vmem>>)
          tpu.yield
        }) : () -> ()
        %eq3A_88 = arith.constant 0 : i32
        %eq3A_89 = arith.cmpi eq, %arg0, %eq3A_88 : i32
        %convert_element_type3A_90 = arith.extui %eq3A_89 : i1 to i32
        %cond3A_91 = arith.constant 0 : i32
        %cond3A_92 = arith.cmpi ne, %convert_element_type3A_90, %cond3A_91 : i32
        scf.if %cond3A_92 {
          %dma_start3A = arith.constant 0 : i32
          %dma_start3A_98 = arith.constant 0 : i32
          %dma_start3A_99 = tpu.memref_slice %arg2[%dma_start3A, %dma_start3A_98] : memref<10240x128xf32, #tpu.memory_space<hbm>> -> memref<10240x128xf32, #tpu.memory_space<hbm>>
          tpu.enqueue_indirect_dma source(%dma_start3A_99 : memref<10240x128xf32, #tpu.memory_space<hbm>>) target(%arg13 : memref<128x128xf32, #tpu.memory_space<vmem>>) offsets(%arg9 : memref<128xi32, #tpu.memory_space<vmem>>) semaphore(%arg16 : memref<!tpu.dma_semaphore, #tpu.memory_space<semaphore_mem>>)
        } else {
        }
        %eq3A_93 = arith.constant 1 : i32
        %eq3A_94 = arith.cmpi eq, %arg0, %eq3A_93 : i32
        %convert_element_type3A_95 = arith.extui %eq3A_94 : i1 to i32
        %cond3A_96 = arith.constant 0 : i32
        %cond3A_97 = arith.cmpi ne, %convert_element_type3A_95, %cond3A_96 : i32
        scf.if %cond3A_97 {
          %dma_start3A = arith.constant 0 : i32
          %dma_start3A_98 = arith.constant 0 : i32
          %dma_start3A_99 = tpu.memref_slice %arg3[%dma_start3A, %dma_start3A_98] : memref<10240x128xf32, #tpu.memory_space<hbm>> -> memref<10240x128xf32, #tpu.memory_space<hbm>>
          tpu.enqueue_indirect_dma source(%dma_start3A_99 : memref<10240x128xf32, #tpu.memory_space<hbm>>) target(%arg13 : memref<128x128xf32, #tpu.memory_space<vmem>>) offsets(%arg9 : memref<128xi32, #tpu.memory_space<vmem>>) semaphore(%arg16 : memref<!tpu.dma_semaphore, #tpu.memory_space<semaphore_mem>>)
        } else {
        }
      } else {
      }
      %add3A_66 = arith.constant 1 : i32
      %add3A_67 = arith.addi %mul3A_55, %add3A_66 : i32
      %dma_wait3A_68 = arith.constant 0 : i32
      %dma_wait3A_69 = arith.constant 0 : i32
      %dma_wait3A_70 = tpu.memref_slice %arg2[%dma_wait3A_68, %dma_wait3A_69] : memref<10240x128xf32, #tpu.memory_space<hbm>> -> memref<10240x128xf32, #tpu.memory_space<hbm>>
      tpu.wait_indirect_dma semaphore(%arg17 : memref<!tpu.dma_semaphore, #tpu.memory_space<semaphore_mem>>) src(%dma_wait3A_70 : memref<10240x128xf32, #tpu.memory_space<hbm>>) dst(%arg14 : memref<128x128xf32, #tpu.memory_space<vmem>>)
      "tpu.region"() ({
        %run_scoped3A = tpu.sem_alloc : memref<!tpu.dma_semaphore, #tpu.memory_space<semaphore_mem>>
        %dma_start3A = arith.constant 0 : i32
        %dma_start3A_78 = arith.constant 0 : i32
        %dma_start3A_79 = tpu.memref_slice %arg15[%dma_start3A, %dma_start3A_78] : memref<10240x128xf32, #tpu.memory_space<vmem_shared>> -> memref<10240x128xf32, #tpu.memory_space<vmem_shared>>
        tpu.enqueue_indirect_dma source(%arg14 : memref<128x128xf32, #tpu.memory_space<vmem>>) target(%dma_start3A_79 : memref<10240x128xf32, #tpu.memory_space<vmem_shared>>) offsets(%arg12 : memref<128xi32, #tpu.memory_space<vmem>>) semaphore(%run_scoped3A : memref<!tpu.dma_semaphore, #tpu.memory_space<semaphore_mem>>) {add = true}
        %dma_wait3A_80 = arith.constant 0 : i32
        %dma_wait3A_81 = arith.constant 0 : i32
        %dma_wait3A_82 = tpu.memref_slice %arg15[%dma_wait3A_80, %dma_wait3A_81] : memref<10240x128xf32, #tpu.memory_space<vmem_shared>> -> memref<10240x128xf32, #tpu.memory_space<vmem_shared>>
        tpu.wait_indirect_dma semaphore(%run_scoped3A : memref<!tpu.dma_semaphore, #tpu.memory_space<semaphore_mem>>) src(%arg14 : memref<128x128xf32, #tpu.memory_space<vmem>>) dst(%dma_wait3A_82 : memref<10240x128xf32, #tpu.memory_space<vmem_shared>>)
        tpu.yield
      }) : () -> ()
      %add3A_71 = arith.constant 2 : i32
      %add3A_72 = arith.addi %add3A_67, %add3A_71 : i32
      %lt3A_73 = arith.constant 40 : i32
      %lt3A_74 = arith.cmpi slt, %add3A_72, %lt3A_73 : i32
      %convert_element_type3A_75 = arith.extui %lt3A_74 : i1 to i32
      %cond3A_76 = arith.constant 0 : i32
      %cond3A_77 = arith.cmpi ne, %convert_element_type3A_75, %cond3A_76 : i32
      scf.if %cond3A_77 {
        %add3A_78 = arith.constant 2 : i32
        %add3A_79 = arith.addi %add3A_67, %add3A_78 : i32
        %mul3A_80 = arith.constant 128 : i32
        %mul3A_81 = arith.muli %add3A_79, %mul3A_80 : i32
        %add3A_82 = arith.addi %mul3A_11, %mul3A_81 : i32
        "tpu.region"() ({
          %run_scoped3A = tpu.sem_alloc : memref<!tpu.dma_semaphore, #tpu.memory_space<semaphore_mem>>
          %dma_start3A = tpu.memref_slice %arg4[%add3A_82] : memref<163840xi32, #tpu.memory_space<hbm>> -> memref<128xi32, #tpu.memory_space<hbm>>
          %dma_start3A_98 = tpu.memref_slice %arg4[%add3A_82] : memref<163840xi32, #tpu.memory_space<hbm>> -> memref<128xi32, #tpu.memory_space<hbm>>
          tpu.enqueue_dma source(%dma_start3A_98 : memref<128xi32, #tpu.memory_space<hbm>>) target(%arg10 : memref<128xi32, #tpu.memory_space<vmem>>) target_semaphore(%run_scoped3A : memref<!tpu.dma_semaphore, #tpu.memory_space<semaphore_mem>>)
          %dma_wait3A_99 = tpu.memref_slice %arg4[%add3A_82] : memref<163840xi32, #tpu.memory_space<hbm>> -> memref<128xi32, #tpu.memory_space<hbm>>
          %dma_wait3A_100 = tpu.memref_slice %arg4[%add3A_82] : memref<163840xi32, #tpu.memory_space<hbm>> -> memref<128xi32, #tpu.memory_space<hbm>>
          tpu.wait_dma2 semaphore(%run_scoped3A : memref<!tpu.dma_semaphore, #tpu.memory_space<semaphore_mem>>) src(%dma_wait3A_100 : memref<128xi32, #tpu.memory_space<hbm>>) dst(%arg10 : memref<128xi32, #tpu.memory_space<vmem>>)
          tpu.yield
        }) : () -> ()
        %add3A_83 = arith.constant 2 : i32
        %add3A_84 = arith.addi %add3A_67, %add3A_83 : i32
        %mul3A_85 = arith.constant 128 : i32
        %mul3A_86 = arith.muli %add3A_84, %mul3A_85 : i32
        %add3A_87 = arith.addi %mul3A_11, %mul3A_86 : i32
        "tpu.region"() ({
          %run_scoped3A = tpu.sem_alloc : memref<!tpu.dma_semaphore, #tpu.memory_space<semaphore_mem>>
          %dma_start3A = tpu.memref_slice %arg5[%add3A_87] : memref<163840xi32, #tpu.memory_space<hbm>> -> memref<128xi32, #tpu.memory_space<hbm>>
          %dma_start3A_98 = tpu.memref_slice %arg5[%add3A_87] : memref<163840xi32, #tpu.memory_space<hbm>> -> memref<128xi32, #tpu.memory_space<hbm>>
          tpu.enqueue_dma source(%dma_start3A_98 : memref<128xi32, #tpu.memory_space<hbm>>) target(%arg12 : memref<128xi32, #tpu.memory_space<vmem>>) target_semaphore(%run_scoped3A : memref<!tpu.dma_semaphore, #tpu.memory_space<semaphore_mem>>)
          %dma_wait3A_99 = tpu.memref_slice %arg5[%add3A_87] : memref<163840xi32, #tpu.memory_space<hbm>> -> memref<128xi32, #tpu.memory_space<hbm>>
          %dma_wait3A_100 = tpu.memref_slice %arg5[%add3A_87] : memref<163840xi32, #tpu.memory_space<hbm>> -> memref<128xi32, #tpu.memory_space<hbm>>
          tpu.wait_dma2 semaphore(%run_scoped3A : memref<!tpu.dma_semaphore, #tpu.memory_space<semaphore_mem>>) src(%dma_wait3A_100 : memref<128xi32, #tpu.memory_space<hbm>>) dst(%arg12 : memref<128xi32, #tpu.memory_space<vmem>>)
          tpu.yield
        }) : () -> ()
        %eq3A_88 = arith.constant 0 : i32
        %eq3A_89 = arith.cmpi eq, %arg0, %eq3A_88 : i32
        %convert_element_type3A_90 = arith.extui %eq3A_89 : i1 to i32
        %cond3A_91 = arith.constant 0 : i32
        %cond3A_92 = arith.cmpi ne, %convert_element_type3A_90, %cond3A_91 : i32
        scf.if %cond3A_92 {
          %dma_start3A = arith.constant 0 : i32
          %dma_start3A_98 = arith.constant 0 : i32
          %dma_start3A_99 = tpu.memref_slice %arg2[%dma_start3A, %dma_start3A_98] : memref<10240x128xf32, #tpu.memory_space<hbm>> -> memref<10240x128xf32, #tpu.memory_space<hbm>>
          tpu.enqueue_indirect_dma source(%dma_start3A_99 : memref<10240x128xf32, #tpu.memory_space<hbm>>) target(%arg14 : memref<128x128xf32, #tpu.memory_space<vmem>>) offsets(%arg10 : memref<128xi32, #tpu.memory_space<vmem>>) semaphore(%arg17 : memref<!tpu.dma_semaphore, #tpu.memory_space<semaphore_mem>>)
        } else {
        }
        %eq3A_93 = arith.constant 1 : i32
        %eq3A_94 = arith.cmpi eq, %arg0, %eq3A_93 : i32
        %convert_element_type3A_95 = arith.extui %eq3A_94 : i1 to i32
        %cond3A_96 = arith.constant 0 : i32
        %cond3A_97 = arith.cmpi ne, %convert_element_type3A_95, %cond3A_96 : i32
        scf.if %cond3A_97 {
          %dma_start3A = arith.constant 0 : i32
          %dma_start3A_98 = arith.constant 0 : i32
          %dma_start3A_99 = tpu.memref_slice %arg3[%dma_start3A, %dma_start3A_98] : memref<10240x128xf32, #tpu.memory_space<hbm>> -> memref<10240x128xf32, #tpu.memory_space<hbm>>
          tpu.enqueue_indirect_dma source(%dma_start3A_99 : memref<10240x128xf32, #tpu.memory_space<hbm>>) target(%arg14 : memref<128x128xf32, #tpu.memory_space<vmem>>) offsets(%arg10 : memref<128xi32, #tpu.memory_space<vmem>>) semaphore(%arg17 : memref<!tpu.dma_semaphore, #tpu.memory_space<semaphore_mem>>)
        } else {
        }
      } else {
      }
    }
    %scan3A_45 = arith.constant 20 : i32
    %barrier3A_46 = arith.constant 0 : index
    tpu.barrier barrier_id(%barrier3A_46)
    %scan3A_47 = arith.constant 0 : i32
    %scan3A_48 = arith.constant 0 : i32
    %scan3A_49 = arith.constant 5 : i32
    %scan3A_50 = arith.addi %scan3A_48, %scan3A_49 : i32
    %scan3A_51 = arith.constant 1 : i32
    scf.for %scan3A_53 = %scan3A_48 to %scan3A_50 step %scan3A_51  : i32 {
      %mul3A_54 = arith.constant 128 : i32
      %mul3A_55 = arith.muli %scan3A_53, %mul3A_54 : i32
      %add3A_56 = arith.addi %mul3A_0, %mul3A_55 : i32
      "tpu.region"() ({
        %run_scoped3A = tpu.sem_alloc : memref<!tpu.dma_semaphore, #tpu.memory_space<semaphore_mem>>
        %dma_start3A = arith.constant 0 : i32
        %dma_start3A_67 = tpu.memref_slice %arg15[%add3A_56, %dma_start3A] : memref<10240x128xf32, #tpu.memory_space<vmem_shared>> -> memref<128x128xf32, #tpu.memory_space<vmem_shared>>
        %dma_start3A_68 = arith.constant 0 : i32
        %dma_start3A_69 = tpu.memref_slice %arg15[%add3A_56, %dma_start3A_68] : memref<10240x128xf32, #tpu.memory_space<vmem_shared>> -> memref<128x128xf32, #tpu.memory_space<vmem_shared>>
        tpu.enqueue_dma source(%dma_start3A_69 : memref<128x128xf32, #tpu.memory_space<vmem_shared>>) target(%arg13 : memref<128x128xf32, #tpu.memory_space<vmem>>) target_semaphore(%run_scoped3A : memref<!tpu.dma_semaphore, #tpu.memory_space<semaphore_mem>>)
        %dma_wait3A = arith.constant 0 : i32
        %dma_wait3A_70 = tpu.memref_slice %arg15[%add3A_56, %dma_wait3A] : memref<10240x128xf32, #tpu.memory_space<vmem_shared>> -> memref<128x128xf32, #tpu.memory_space<vmem_shared>>
        %dma_wait3A_71 = arith.constant 0 : i32
        %dma_wait3A_72 = tpu.memref_slice %arg15[%add3A_56, %dma_wait3A_71] : memref<10240x128xf32, #tpu.memory_space<vmem_shared>> -> memref<128x128xf32, #tpu.memory_space<vmem_shared>>
        tpu.wait_dma2 semaphore(%run_scoped3A : memref<!tpu.dma_semaphore, #tpu.memory_space<semaphore_mem>>) src(%dma_wait3A_72 : memref<128x128xf32, #tpu.memory_space<vmem_shared>>) dst(%arg13 : memref<128x128xf32, #tpu.memory_space<vmem>>)
        tpu.yield
      }) : () -> ()
      %eq3A_57 = arith.constant 0 : i32
      %eq3A_58 = arith.cmpi eq, %arg0, %eq3A_57 : i32
      %convert_element_type3A_59 = arith.extui %eq3A_58 : i1 to i32
      %cond3A_60 = arith.constant 0 : i32
      %cond3A_61 = arith.cmpi ne, %convert_element_type3A_59, %cond3A_60 : i32
      scf.if %cond3A_61 {
        "tpu.region"() ({
          %run_scoped3A = tpu.sem_alloc : memref<!tpu.dma_semaphore, #tpu.memory_space<semaphore_mem>>
          %dma_start3A = arith.constant 0 : i32
          %dma_start3A_67 = tpu.memref_slice %arg7[%add3A_56, %dma_start3A] : memref<10240x128xf32, #tpu.memory_space<hbm>> -> memref<128x128xf32, #tpu.memory_space<hbm>>
          %dma_start3A_68 = arith.constant 0 : i32
          %dma_start3A_69 = tpu.memref_slice %arg7[%add3A_56, %dma_start3A_68] : memref<10240x128xf32, #tpu.memory_space<hbm>> -> memref<128x128xf32, #tpu.memory_space<hbm>>
          tpu.enqueue_dma source(%arg13 : memref<128x128xf32, #tpu.memory_space<vmem>>) target(%dma_start3A_69 : memref<128x128xf32, #tpu.memory_space<hbm>>) target_semaphore(%run_scoped3A : memref<!tpu.dma_semaphore, #tpu.memory_space<semaphore_mem>>)
          %dma_wait3A = arith.constant 0 : i32
          %dma_wait3A_70 = tpu.memref_slice %arg7[%add3A_56, %dma_wait3A] : memref<10240x128xf32, #tpu.memory_space<hbm>> -> memref<128x128xf32, #tpu.memory_space<hbm>>
          %dma_wait3A_71 = arith.constant 0 : i32
          %dma_wait3A_72 = tpu.memref_slice %arg7[%add3A_56, %dma_wait3A_71] : memref<10240x128xf32, #tpu.memory_space<hbm>> -> memref<128x128xf32, #tpu.memory_space<hbm>>
          tpu.wait_dma2 semaphore(%run_scoped3A : memref<!tpu.dma_semaphore, #tpu.memory_space<semaphore_mem>>) src(%arg13 : memref<128x128xf32, #tpu.memory_space<vmem>>) dst(%dma_wait3A_72 : memref<128x128xf32, #tpu.memory_space<hbm>>)
          tpu.yield
        }) : () -> ()
      } else {
      }
      %eq3A_62 = arith.constant 1 : i32
      %eq3A_63 = arith.cmpi eq, %arg0, %eq3A_62 : i32
      %convert_element_type3A_64 = arith.extui %eq3A_63 : i1 to i32
      %cond3A_65 = arith.constant 0 : i32
      %cond3A_66 = arith.cmpi ne, %convert_element_type3A_64, %cond3A_65 : i32
      scf.if %cond3A_66 {
        "tpu.region"() ({
          %run_scoped3A = tpu.sem_alloc : memref<!tpu.dma_semaphore, #tpu.memory_space<semaphore_mem>>
          %dma_start3A = arith.constant 0 : i32
          %dma_start3A_67 = tpu.memref_slice %arg8[%add3A_56, %dma_start3A] : memref<10240x128xf32, #tpu.memory_space<hbm>> -> memref<128x128xf32, #tpu.memory_space<hbm>>
          %dma_start3A_68 = arith.constant 0 : i32
          %dma_start3A_69 = tpu.memref_slice %arg8[%add3A_56, %dma_start3A_68] : memref<10240x128xf32, #tpu.memory_space<hbm>> -> memref<128x128xf32, #tpu.memory_space<hbm>>
          tpu.enqueue_dma source(%arg13 : memref<128x128xf32, #tpu.memory_space<vmem>>) target(%dma_start3A_69 : memref<128x128xf32, #tpu.memory_space<hbm>>) target_semaphore(%run_scoped3A : memref<!tpu.dma_semaphore, #tpu.memory_space<semaphore_mem>>)
          %dma_wait3A = arith.constant 0 : i32
          %dma_wait3A_70 = tpu.memref_slice %arg8[%add3A_56, %dma_wait3A] : memref<10240x128xf32, #tpu.memory_space<hbm>> -> memref<128x128xf32, #tpu.memory_space<hbm>>
          %dma_wait3A_71 = arith.constant 0 : i32
          %dma_wait3A_72 = tpu.memref_slice %arg8[%add3A_56, %dma_wait3A_71] : memref<10240x128xf32, #tpu.memory_space<hbm>> -> memref<128x128xf32, #tpu.memory_space<hbm>>
          tpu.wait_dma2 semaphore(%run_scoped3A : memref<!tpu.dma_semaphore, #tpu.memory_space<semaphore_mem>>) src(%arg13 : memref<128x128xf32, #tpu.memory_space<vmem>>) dst(%dma_wait3A_72 : memref<128x128xf32, #tpu.memory_space<hbm>>)
          tpu.yield
        }) : () -> ()
      } else {
      }
    }
    %scan3A_52 = arith.constant 5 : i32
    return
  }
}

module attributes {stable_mosaic.version = 14 : i64} {
  func.func @_epi_body(%arg0: i32, %arg1: memref<1000x128xf32, #tpu.memory_space<vmem>>, %arg2: memref<1000x128xf32, #tpu.memory_space<vmem>>, %arg3: memref<1000x1xf32, #tpu.memory_space<vmem>>, %arg4: memref<1000x1xf32, #tpu.memory_space<vmem>>, %arg5: memref<1x128xf32, #tpu.memory_space<vmem>>, %arg6: memref<1000x128xf32, #tpu.memory_space<vmem>>) attributes {dimension_semantics = [#tpu.dimension_semantics<arbitrary>], iteration_bounds = array<i64: 10>, scalar_prefetch = 0 : i64, scratch_operands = 0 : i64, tpu.core_type = #tpu.core_type<tc>, window_params = [{transform_indices = @transform_0, window_bounds = array<i64: 1000, 128>}, {transform_indices = @transform_1, window_bounds = array<i64: 1000, 128>}, {transform_indices = @transform_2, window_bounds = array<i64: 1000, 1>}, {transform_indices = @transform_3, window_bounds = array<i64: 1000, 1>}, {pipeline_mode = #tpu.pipeline_mode<synchronous>, transform_indices = @transform_4, window_bounds = array<i64: 1, 128>}, {transform_indices = @transform_5, window_bounds = array<i64: 1000, 128>}]} {
    %get3A = arith.constant 0 : index
    %get3A_0 = arith.constant 0 : index
    %get3A_1 = vector.load %arg3[%get3A, %get3A_0] : memref<1000x1xf32, #tpu.memory_space<vmem>>, vector<1000x1xf32>
    %get3A_2 = arith.constant 0 : index
    %get3A_3 = arith.constant 0 : index
    %get3A_4 = vector.load %arg4[%get3A_2, %get3A_3] : memref<1000x1xf32, #tpu.memory_space<vmem>>, vector<1000x1xf32>
    %add3A = arith.addf %get3A_1, %get3A_4 : vector<1000x1xf32>
    %add3A_5 = arith.constant 1.000000e+00 : f32
    %add3A_6 = vector.broadcast %add3A_5 : f32 to vector<1000x1xf32>
    %add3A_7 = arith.addf %add3A, %add3A_6 : vector<1000x1xf32>
    %rsqrt3A = math.rsqrt %add3A_7 : vector<1000x1xf32>
    %get3A_8 = arith.constant 0 : index
    %get3A_9 = arith.constant 0 : index
    %get3A_10 = vector.load %arg1[%get3A_8, %get3A_9] : memref<1000x128xf32, #tpu.memory_space<vmem>>, vector<1000x128xf32>
    %get3A_11 = arith.constant 0 : index
    %get3A_12 = arith.constant 0 : index
    %get3A_13 = vector.load %arg2[%get3A_11, %get3A_12] : memref<1000x128xf32, #tpu.memory_space<vmem>>, vector<1000x128xf32>
    %add3A_14 = arith.addf %get3A_10, %get3A_13 : vector<1000x128xf32>
    %mul3A = vector.broadcast %rsqrt3A : vector<1000x1xf32> to vector<1000x128xf32>
    %mul3A_15 = arith.mulf %add3A_14, %mul3A : vector<1000x128xf32>
    %get3A_16 = arith.constant 0 : index
    %get3A_17 = arith.constant 0 : index
    %get3A_18 = vector.load %arg5[%get3A_16, %get3A_17] : memref<1x128xf32, #tpu.memory_space<vmem>>, vector<1x128xf32>
    %add3A_19 = vector.broadcast %get3A_18 : vector<1x128xf32> to vector<1000x128xf32>
    %add3A_20 = arith.addf %mul3A_15, %add3A_19 : vector<1000x128xf32>
    %swap3A = arith.constant 0 : index
    %swap3A_21 = arith.constant 0 : index
    %swap3A_22 = vector.load %arg6[%swap3A, %swap3A_21] : memref<1000x128xf32, #tpu.memory_space<vmem>>, vector<1000x128xf32>
    tpu.vector_store %arg6[%swap3A, %swap3A_21], %add3A_20 {strides = array<i32>} : memref<1000x128xf32, #tpu.memory_space<vmem>>, vector<1000x128xf32>,
    return
  }
  func.func @transform_0(%arg0: i32) -> (i32, i32) {
    %c0_i32 = arith.constant 0 : i32
    %c0_i32_0 = arith.constant 0 : i32
    return %arg0, %c0_i32 : i32, i32
  }
  func.func @transform_1(%arg0: i32) -> (i32, i32) {
    %c0_i32 = arith.constant 0 : i32
    %c0_i32_0 = arith.constant 0 : i32
    return %arg0, %c0_i32 : i32, i32
  }
  func.func @transform_2(%arg0: i32) -> (i32, i32) {
    %c0_i32 = arith.constant 0 : i32
    %c0_i32_0 = arith.constant 0 : i32
    return %arg0, %c0_i32 : i32, i32
  }
  func.func @transform_3(%arg0: i32) -> (i32, i32) {
    %c0_i32 = arith.constant 0 : i32
    %c0_i32_0 = arith.constant 0 : i32
    return %arg0, %c0_i32 : i32, i32
  }
  func.func @transform_4(%arg0: i32) -> (i32, i32) {
    %c0_i32 = arith.constant 0 : i32
    %c0_i32_0 = arith.constant 0 : i32
    %c0_i32_1 = arith.constant 0 : i32
    return %c0_i32, %c0_i32_0 : i32, i32
  }
  func.func @transform_5(%arg0: i32) -> (i32, i32) {
    %c0_i32 = arith.constant 0 : i32
    %c0_i32_0 = arith.constant 0 : i32
    return %arg0, %c0_i32 : i32, i32
  }
}

module attributes {stable_mosaic.version = 14 : i64} {
  func.func @_mm2_body(%arg0: i32, %arg1: memref<1000x128xf32, #tpu.memory_space<vmem>>, %arg2: memref<1000x128xf32, #tpu.memory_space<vmem>>, %arg3: memref<1000x1xf32, #tpu.memory_space<vmem>>, %arg4: memref<1000x1xf32, #tpu.memory_space<vmem>>, %arg5: memref<1x256xf32, #tpu.memory_space<vmem>>, %arg6: memref<256x128xf32, #tpu.memory_space<vmem>>, %arg7: memref<1000x128xf32, #tpu.memory_space<vmem>>, %arg8: memref<1000x128xf32, #tpu.memory_space<vmem>>) attributes {dimension_semantics = [#tpu.dimension_semantics<arbitrary>], iteration_bounds = array<i64: 10>, scalar_prefetch = 0 : i64, scratch_operands = 0 : i64, tpu.core_type = #tpu.core_type<tc>, window_params = [{transform_indices = @transform_0, window_bounds = array<i64: 1000, 128>}, {transform_indices = @transform_1, window_bounds = array<i64: 1000, 128>}, {transform_indices = @transform_2, window_bounds = array<i64: 1000, 1>}, {transform_indices = @transform_3, window_bounds = array<i64: 1000, 1>}, {pipeline_mode = #tpu.pipeline_mode<synchronous>, transform_indices = @transform_4, window_bounds = array<i64: 1, 256>}, {pipeline_mode = #tpu.pipeline_mode<synchronous>, transform_indices = @transform_5, window_bounds = array<i64: 256, 128>}, {transform_indices = @transform_6, window_bounds = array<i64: 1000, 128>}, {transform_indices = @transform_7, window_bounds = array<i64: 1000, 128>}]} {
    %get3A = arith.constant 0 : index
    %get3A_0 = arith.constant 0 : index
    %get3A_1 = vector.load %arg3[%get3A, %get3A_0] : memref<1000x1xf32, #tpu.memory_space<vmem>>, vector<1000x1xf32>
    %get3A_2 = arith.constant 0 : index
    %get3A_3 = arith.constant 0 : index
    %get3A_4 = vector.load %arg4[%get3A_2, %get3A_3] : memref<1000x1xf32, #tpu.memory_space<vmem>>, vector<1000x1xf32>
    %add3A = arith.addf %get3A_1, %get3A_4 : vector<1000x1xf32>
    %add3A_5 = arith.constant 1.000000e+00 : f32
    %add3A_6 = vector.broadcast %add3A_5 : f32 to vector<1000x1xf32>
    %add3A_7 = arith.addf %add3A, %add3A_6 : vector<1000x1xf32>
    %rsqrt3A = math.rsqrt %add3A_7 : vector<1000x1xf32>
    %get3A_8 = arith.constant 0 : index
    %get3A_9 = arith.constant 0 : index
    %get3A_10 = vector.load %arg1[%get3A_8, %get3A_9] : memref<1000x128xf32, #tpu.memory_space<vmem>>, vector<1000x128xf32>
    %get3A_11 = arith.constant 0 : index
    %get3A_12 = arith.constant 0 : index
    %get3A_13 = vector.load %arg2[%get3A_11, %get3A_12] : memref<1000x128xf32, #tpu.memory_space<vmem>>, vector<1000x128xf32>
    %concatenate3A = tpu.concatenate %get3A_10, %get3A_13 in 1 : vector<1000x128xf32>, vector<1000x128xf32> -> vector<1000x256xf32>
    %mul3A = vector.broadcast %rsqrt3A : vector<1000x1xf32> to vector<1000x256xf32>
    %mul3A_14 = arith.mulf %concatenate3A, %mul3A : vector<1000x256xf32>
    %get3A_15 = arith.constant 0 : index
    %get3A_16 = arith.constant 0 : index
    %get3A_17 = vector.load %arg5[%get3A_15, %get3A_16] : memref<1x256xf32, #tpu.memory_space<vmem>>, vector<1x256xf32>
    %add3A_18 = vector.broadcast %get3A_17 : vector<1x256xf32> to vector<1000x256xf32>
    %add3A_19 = arith.addf %mul3A_14, %add3A_18 : vector<1000x256xf32>
    %max3A = arith.constant 0.000000e+00 : f32
    %max3A_20 = vector.broadcast %max3A : f32 to vector<1000x256xf32>
    %max3A_21 = arith.maximumf %add3A_19, %max3A_20 : vector<1000x256xf32>
    %get3A_22 = arith.constant 0 : index
    %get3A_23 = arith.constant 0 : index
    %get3A_24 = vector.load %arg6[%get3A_22, %get3A_23] : memref<256x128xf32, #tpu.memory_space<vmem>>, vector<256x128xf32>
    %dot_general3A = arith.constant dense<0.000000e+00> : vector<1000x128xf32>
    %dot_general3A_25 = tpu.matmul %max3A_21, %get3A_24, %dot_general3A {dimension_numbers = #tpu.dot_dimension_numbers<[1], [0], [0], [1], [0, 0, 1, 1], [], []>, transpose_lhs_hint = false} : vector<1000x256xf32>, vector<256x128xf32>, vector<1000x128xf32> -> vector<1000x128xf32>
    %mul3A_26 = vector.broadcast %rsqrt3A : vector<1000x1xf32> to vector<1000x128xf32>
    %mul3A_27 = arith.mulf %dot_general3A_25, %mul3A_26 : vector<1000x128xf32>
    %swap3A = arith.constant 0 : index
    %swap3A_28 = arith.constant 0 : index
    %swap3A_29 = vector.load %arg7[%swap3A, %swap3A_28] : memref<1000x128xf32, #tpu.memory_space<vmem>>, vector<1000x128xf32>
    tpu.vector_store %arg7[%swap3A, %swap3A_28], %mul3A_27 {strides = array<i32>} : memref<1000x128xf32, #tpu.memory_space<vmem>>, vector<1000x128xf32>,
    %swap3A_30 = arith.constant 0 : index
    %swap3A_31 = arith.constant 0 : index
    %swap3A_32 = vector.load %arg8[%swap3A_30, %swap3A_31] : memref<1000x128xf32, #tpu.memory_space<vmem>>, vector<1000x128xf32>
    tpu.vector_store %arg8[%swap3A_30, %swap3A_31], %mul3A_27 {strides = array<i32>} : memref<1000x128xf32, #tpu.memory_space<vmem>>, vector<1000x128xf32>,
    return
  }
  func.func @transform_0(%arg0: i32) -> (i32, i32) {
    %c0_i32 = arith.constant 0 : i32
    %c0_i32_0 = arith.constant 0 : i32
    return %arg0, %c0_i32 : i32, i32
  }
  func.func @transform_1(%arg0: i32) -> (i32, i32) {
    %c0_i32 = arith.constant 0 : i32
    %c0_i32_0 = arith.constant 0 : i32
    return %arg0, %c0_i32 : i32, i32
  }
  func.func @transform_2(%arg0: i32) -> (i32, i32) {
    %c0_i32 = arith.constant 0 : i32
    %c0_i32_0 = arith.constant 0 : i32
    return %arg0, %c0_i32 : i32, i32
  }
  func.func @transform_3(%arg0: i32) -> (i32, i32) {
    %c0_i32 = arith.constant 0 : i32
    %c0_i32_0 = arith.constant 0 : i32
    return %arg0, %c0_i32 : i32, i32
  }
  func.func @transform_4(%arg0: i32) -> (i32, i32) {
    %c0_i32 = arith.constant 0 : i32
    %c0_i32_0 = arith.constant 0 : i32
    %c0_i32_1 = arith.constant 0 : i32
    return %c0_i32, %c0_i32_0 : i32, i32
  }
  func.func @transform_5(%arg0: i32) -> (i32, i32) {
    %c0_i32 = arith.constant 0 : i32
    %c0_i32_0 = arith.constant 0 : i32
    %c0_i32_1 = arith.constant 0 : i32
    return %c0_i32, %c0_i32_0 : i32, i32
  }
  func.func @transform_6(%arg0: i32) -> (i32, i32) {
    %c0_i32 = arith.constant 0 : i32
    %c0_i32_0 = arith.constant 0 : i32
    return %arg0, %c0_i32 : i32, i32
  }
  func.func @transform_7(%arg0: i32) -> (i32, i32) {
    %c0_i32 = arith.constant 0 : i32
    %c0_i32_0 = arith.constant 0 : i32
    return %arg0, %c0_i32 : i32, i32
  }
}

module attributes {stable_mosaic.version = 14 : i64} {
  func.func @_mm1_body(%arg0: i32, %arg1: memref<1000x1xf32, #tpu.memory_space<vmem>>, %arg2: memref<1000x1xf32, #tpu.memory_space<vmem>>, %arg3: memref<1000x256xf32, #tpu.memory_space<vmem>>, %arg4: memref<256x256xf32, #tpu.memory_space<vmem>>, %arg5: memref<1000x128xf32, #tpu.memory_space<vmem>>, %arg6: memref<1000x128xf32, #tpu.memory_space<vmem>>) attributes {dimension_semantics = [#tpu.dimension_semantics<arbitrary>], iteration_bounds = array<i64: 10>, scalar_prefetch = 0 : i64, scratch_operands = 0 : i64, tpu.core_type = #tpu.core_type<tc>, window_params = [{transform_indices = @transform_0, window_bounds = array<i64: 1000, 1>}, {transform_indices = @transform_1, window_bounds = array<i64: 1000, 1>}, {transform_indices = @transform_2, window_bounds = array<i64: 1000, 256>}, {pipeline_mode = #tpu.pipeline_mode<synchronous>, transform_indices = @transform_3, window_bounds = array<i64: 256, 256>}, {transform_indices = @transform_4, window_bounds = array<i64: 1000, 128>}, {transform_indices = @transform_5, window_bounds = array<i64: 1000, 128>}]} {
    %get3A = arith.constant 0 : index
    %get3A_0 = arith.constant 0 : index
    %get3A_1 = vector.load %arg1[%get3A, %get3A_0] : memref<1000x1xf32, #tpu.memory_space<vmem>>, vector<1000x1xf32>
    %get3A_2 = arith.constant 0 : index
    %get3A_3 = arith.constant 0 : index
    %get3A_4 = vector.load %arg2[%get3A_2, %get3A_3] : memref<1000x1xf32, #tpu.memory_space<vmem>>, vector<1000x1xf32>
    %add3A = arith.addf %get3A_1, %get3A_4 : vector<1000x1xf32>
    %add3A_5 = arith.constant 1.000000e+00 : f32
    %add3A_6 = vector.broadcast %add3A_5 : f32 to vector<1000x1xf32>
    %add3A_7 = arith.addf %add3A, %add3A_6 : vector<1000x1xf32>
    %rsqrt3A = math.rsqrt %add3A_7 : vector<1000x1xf32>
    %get3A_8 = arith.constant 0 : index
    %get3A_9 = arith.constant 0 : index
    %get3A_10 = vector.load %arg3[%get3A_8, %get3A_9] : memref<1000x256xf32, #tpu.memory_space<vmem>>, vector<1000x256xf32>
    %get3A_11 = arith.constant 0 : index
    %get3A_12 = arith.constant 0 : index
    %get3A_13 = vector.load %arg4[%get3A_11, %get3A_12] : memref<256x256xf32, #tpu.memory_space<vmem>>, vector<256x256xf32>
    %dot_general3A = arith.constant dense<0.000000e+00> : vector<1000x256xf32>
    %dot_general3A_14 = tpu.matmul %get3A_10, %get3A_13, %dot_general3A {dimension_numbers = #tpu.dot_dimension_numbers<[1], [0], [0], [1], [0, 0, 1, 1], [], []>, transpose_lhs_hint = false} : vector<1000x256xf32>, vector<256x256xf32>, vector<1000x256xf32> -> vector<1000x256xf32>
    %mul3A = vector.broadcast %rsqrt3A : vector<1000x1xf32> to vector<1000x256xf32>
    %mul3A_15 = arith.mulf %dot_general3A_14, %mul3A : vector<1000x256xf32>
    %slice3A = vector.extract_strided_slice %mul3A_15 {offsets = [0, 0], sizes = [1000, 128], strides = [1, 1]} : vector<1000x256xf32> to vector<1000x128xf32>
    %swap3A = arith.constant 0 : index
    %swap3A_16 = arith.constant 0 : index
    %swap3A_17 = vector.load %arg5[%swap3A, %swap3A_16] : memref<1000x128xf32, #tpu.memory_space<vmem>>, vector<1000x128xf32>
    tpu.vector_store %arg5[%swap3A, %swap3A_16], %slice3A {strides = array<i32>} : memref<1000x128xf32, #tpu.memory_space<vmem>>, vector<1000x128xf32>,
    %slice3A_18 = vector.extract_strided_slice %mul3A_15 {offsets = [0, 128], sizes = [1000, 128], strides = [1, 1]} : vector<1000x256xf32> to vector<1000x128xf32>
    %swap3A_19 = arith.constant 0 : index
    %swap3A_20 = arith.constant 0 : index
    %swap3A_21 = vector.load %arg6[%swap3A_19, %swap3A_20] : memref<1000x128xf32, #tpu.memory_space<vmem>>, vector<1000x128xf32>
    tpu.vector_store %arg6[%swap3A_19, %swap3A_20], %slice3A_18 {strides = array<i32>} : memref<1000x128xf32, #tpu.memory_space<vmem>>, vector<1000x128xf32>,
    return
  }
  func.func @transform_0(%arg0: i32) -> (i32, i32) {
    %c0_i32 = arith.constant 0 : i32
    %c0_i32_0 = arith.constant 0 : i32
    return %arg0, %c0_i32 : i32, i32
  }
  func.func @transform_1(%arg0: i32) -> (i32, i32) {
    %c0_i32 = arith.constant 0 : i32
    %c0_i32_0 = arith.constant 0 : i32
    return %arg0, %c0_i32 : i32, i32
  }
  func.func @transform_2(%arg0: i32) -> (i32, i32) {
    %c0_i32 = arith.constant 0 : i32
    %c0_i32_0 = arith.constant 0 : i32
    return %arg0, %c0_i32 : i32, i32
  }
  func.func @transform_3(%arg0: i32) -> (i32, i32) {
    %c0_i32 = arith.constant 0 : i32
    %c0_i32_0 = arith.constant 0 : i32
    %c0_i32_1 = arith.constant 0 : i32
    return %c0_i32, %c0_i32_0 : i32, i32
  }
  func.func @transform_4(%arg0: i32) -> (i32, i32) {
    %c0_i32 = arith.constant 0 : i32
    %c0_i32_0 = arith.constant 0 : i32
    return %arg0, %c0_i32 : i32, i32
  }
  func.func @transform_5(%arg0: i32) -> (i32, i32) {
    %c0_i32 = arith.constant 0 : i32
    %c0_i32_0 = arith.constant 0 : i32
    return %arg0, %c0_i32 : i32, i32
  }
}

</mosaic_0001>

<sc_bundles>
// kernel: kernel.11.cloned.1.call-start
scs
__scs_entry_jumppad:
0x0: {  	(pc) =	sbr.rel $0x88, $3  }
0x1: {  	(tag) =	ssettag $0x0;
	lr =	simm.s32 $0x1  }
0x2: {  	[smem:$0x3F9B] =	sst lr;
	_ =	strace $0xD0000000  }
0x3: {  	_ = 	snop  }
0x4: {  	_ = 	snop  }
0x5: {  	_ = 	snop  }
0x6: {  	_ = 	snop  }
0x7: {  	_ = 	snop  }
__scs_overlays_trampoline_lowered:
0x8: {  	[smem:$0x3FAA] =	sst s0  }
0x9: {  	[smem:$0x3FAB] =	sst s1  }
0xa: {  	[smem:$0x3FAC] =	sst s2  }
0xb: {  	[smem:$0x3FAD] =	sst s3  }
0xc: {  	[smem:$0x3FAE] =	sst s4  }
0xd: {  	[smem:$0x3FAF] =	sst s5  }
0xe: {  	[smem:$0x3FB0] =	sst s6  }
0xf: {  	[smem:$0x3FB1] =	sst s7  }
0x10: {  	[smem:$0x3FB2] =	sst s8  }
0x11: {  	[smem:$0x3FB3] =	sst s9;
	s0 =	simm.s32 @!p0 $0x0  }
0x12: {  	s1 =	sld [smem:$0x3F99];
	s0 =	simm.s32 @p0 $0x1  }
0x13: {  	[smem:$0x3FB4] =	sst s0;
	s0 =	simm.s32 @!p1 $0x0  }
0x14: {  	s2 =	sld [smem:$0x3F98];
	s0 =	simm.s32 @p1 $0x1  }
0x15: {  	[smem:$0x3FB5] =	sst s0;
	s0 =	simm.s32 @!p2 $0x0  }
0x16: {  	s3 =	sld [smem:$0x3FDB];
	s0 =	simm.s32 @p2 $0x1  }
0x17: {  	s4 =	simm.s32 $0x1BF5;
	[smem:$0x3FB7] =	sst s0  }
0x18: {  	s0 =	sld [smem:$0x3F9A];
	_ =	swait.ge [sflag:s4], $0x0  }
0x19: {  	s7 =	sld [smem:$0x3F9B]  }
0x1a: {  	s8 =	sadd.s32 $0xFFFFE003, lr  }
0x1b: {  	s9 =	sadd.s32 $0xFFFFFEF7, lr;
	s5 =	simm.s32 $0xFFFFFFFF;
	p2 =	slt.u32 s8, $0xFFFFF086  }
0x1c: {  	p1 =	slt.u32 s9, $0xF7A;
	s5 =	simm.s32 @!p2 $0x0  }
0x1d: {  	s5 =	simm.s32 @p1 $0x1;
	p0 =	seq.s32 s7, s2  }
0x1e: {  	s7 =	smul.u32 @!p0 $0xF7A, s2;
	p2 =	seq.s32 @!p0 s5, $0x0  }
0x1f: {  	s9 =	smul.u32 $0xF7A, s1;
	s8 =	simm.s32 @!p0 $0x1BF5;
	p2 =	por !p2, p0  }
0x20: {  	[sflag:s8] =	ssyncset.s32 @!p0 $0xFFFFF086;
	s6 =	sadd.s32 @!p0 s3, s7;
	s7 =	simm.s32 @!p0 $0x108  }
0x21: {  	s3 =	sadd.s32 s3, s9;
	s6 =	sadd.s32 @!p0 $0x88, s6;
	s7 =	simm.s32 @p2 $0x1082  }
0x22: {  	[simem:s7], [sflag:s8] =	dma.local @!p0 [hbm:s6], $0xF7A  }
0x23: {  	s9 =	sor.u32 $0xD0000000, s2;
	s6 =	simm.s32 $0x108;
	_ =	swait.ge @!p0 [sflag:s8], $0x0  }
0x24: {  	s3 =	sadd.s32 $0x88, s3;
	s6 =	simm.s32 @!p1 $0x1082;
	[sflag:s4] =	ssyncset.s32 $0xFFFFF086  }
0x25: {  	[simem:s6], [sflag:s4] =	dma.local [hbm:s3], $0xF7A  }
0x26: {  	[smem:$0x3F9B] =	sst s1;
	(tag) =	ssettag s2;
	_ =	strace s9  }
0x27: {  	s1 =	sld [smem:$0x3FAB]  }
0x28: {  	s2 =	sld [smem:$0x3FAC]  }
0x29: {  	s4 =	sld [smem:$0x3FAE]  }
0x2a: {  	p0 =	seq.s32 s5, $0x0;
	s5 =	sld [smem:$0x3FAF]  }
0x2b: {  	s6 =	sld [smem:$0x3FB0]  }
0x2c: {  	s7 =	sld [smem:$0x3FB1]  }
0x2d: {  	s3 =	simm.s32 $0x108;
	s8 =	sld [smem:$0x3FB2]  }
0x2e: {  	s3 =	simm.s32 @!p0 $0x1082;
	s9 =	sld [smem:$0x3FB3]  }
0x2f: {  	lr =	sadd.s32 s0, s3;
	s0 =	sld [smem:$0x3FAA]  }
0x30: {  	s3 =	sld [smem:$0x3FAD]  }
0x31: {  	[smem:$0x3FB6] =	sst s10  }
0x32: {  	s10 =	sld [smem:$0x3FB4];
	_ =	sdelay $0x3  }
0x33: {  	p0 =	seq.s32 s10, $0x1;
	s10 =	sld [smem:$0x3FB6];
	_ =	sdelay $0x3  }
0x34: {  	[smem:$0x3FB6] =	sst s10  }
0x35: {  	s10 =	sld [smem:$0x3FB5];
	_ =	sdelay $0x3  }
0x36: {  	p1 =	seq.s32 s10, $0x1;
	s10 =	sld [smem:$0x3FB6];
	_ =	sdelay $0x3  }
0x37: {  	[smem:$0x3FB6] =	sst s10  }
0x38: {  	s10 =	sld [smem:$0x3FB7]  }
0x39: {  	_ = 	snop;
	(pc) =	sbr.ind lr, $3  }
0x3a: {  	_ = 	snop  }
0x3b: {  	_ = 	snop  }
0x3c: {  	p2 =	seq.s32 s10, $0x1;
	s10 =	sld [smem:$0x3FB6]  }
0x3d: {  	_ =	shalt  }
0x3e: {  	_ =	shalt  }
0x3f: {  	_ =	shalt  }
0x40: {  	_ =	shalt  }
0x41: {  	_ =	shalt  }
0x42: {  	_ =	shalt  }
0x43: {  	_ =	shalt  }
0x44: {  	_ =	shalt  }
0x45: {  	_ =	shalt  }
0x46: {  	_ =	shalt  }
0x47: {  	_ =	shalt  }
0x48: {  	_ =	shalt  }
0x49: {  	_ =	shalt  }
0x4a: {  	_ =	shalt  }
0x4b: {  	_ =	shalt  }
0x4c: {  	_ =	shalt  }
0x4d: {  	_ =	shalt  }
0x4e: {  	_ =	shalt  }
0x4f: {  	_ =	shalt  }
0x50: {  	_ =	shalt  }
0x51: {  	_ =	shalt  }
0x52: {  	_ =	shalt  }
0x53: {  	_ =	shalt  }
0x54: {  	_ =	shalt  }
0x55: {  	_ =	shalt  }
0x56: {  	_ =	shalt  }
0x57: {  	_ =	shalt  }
0x58: {  	_ =	shalt  }
0x59: {  	_ =	shalt  }
0x5a: {  	_ =	shalt  }
0x5b: {  	_ =	shalt  }
0x5c: {  	_ =	shalt  }
0x5d: {  	_ =	shalt  }
0x5e: {  	_ =	shalt  }
0x5f: {  	_ =	shalt  }
0x60: {  	_ =	shalt  }
0x61: {  	_ =	shalt  }
0x62: {  	_ =	shalt  }
0x63: {  	_ =	shalt  }
0x64: {  	_ =	shalt  }
0x65: {  	_ =	shalt  }
0x66: {  	_ =	shalt  }
0x67: {  	_ =	shalt  }
0x68: {  	_ =	shalt  }
0x69: {  	_ =	shalt  }
0x6a: {  	_ =	shalt  }
0x6b: {  	_ =	shalt  }
0x6c: {  	_ =	shalt  }
0x6d: {  	_ =	shalt  }
0x6e: {  	_ =	shalt  }
0x6f: {  	_ =	shalt  }
0x70: {  	_ =	shalt  }
0x71: {  	_ =	shalt  }
0x72: {  	_ =	shalt  }
0x73: {  	_ =	shalt  }
0x74: {  	_ =	shalt  }
0x75: {  	_ =	shalt  }
0x76: {  	_ =	shalt  }
0x77: {  	_ =	shalt  }
0x78: {  	_ =	shalt  }
0x79: {  	_ =	shalt  }
0x7a: {  	_ =	shalt  }
0x7b: {  	_ =	shalt  }
0x7c: {  	_ =	shalt  }
0x7d: {  	_ =	shalt  }
0x7e: {  	_ =	shalt  }
0x7f: {  	_ =	shalt  }
0x80: {  	_ =	shalt  }
0x81: {  	_ =	shalt  }
0x82: {  	_ =	shalt  }
0x83: {  	_ =	shalt  }
0x84: {  	_ =	shalt  }
0x85: {  	_ =	shalt  }
0x86: {  	_ =	shalt  }
0x87: {  	_ =	shalt  }
.Lfunc_end0:
.L_simem_size_0:
called_computation.1_lowered:
.L_overlay_start_0:
0x88: {  	s2 =	sld [smem:$0x3FD9]  }
0x89: {  	s3 =	sld [smem:$0x3FFE];
	_ =	sdelay $0x1  }
0x8a: {  	s1 =	srdreg.scid  }
0x8b: {  	s0 =	sand.u32 $0x1, s1  }
0x8c: {  	s17 =	sshll.u32 s0, $0xA;
	s2 =	sadd.s32 s3, s2  }
0x8d: {  	s2 =	sadd.s32 s2, s17  }
0x8e: {  	[smem:$0x3FC2] =	sst s2  }
0x8f: {  	_ = 	snop  }
0x90: {  	s2 =	sld [smem:$0x3FD0];
	(tm) =	ssettm $0x1  }
0x91: {  	s18 =	sld [smem:$0x3FFB];
	_ =	sdelay $0x3  }
0x92: {  	_ =	strace s18  }
0x93: {  	s3 =	sld [smem:$0x3FFC];
	_ =	sdelay $0x3  }
0x94: {  	_ =	strace s3  }
0x95: {  	s3 =	sld [smem:$0x3FFD];
	_ =	sdelay $0x3  }
0x96: {  	_ =	strace s3  }
0x97: {  	_ =	strace $0x8FFFFFFF  }
0x98: {  	s19 =	sld [smem:$0x3FDB];
	_ =	sdelay $0x1  }
0x99: {  	s4 =	simm.s32 $_scs_section_size  }
0x9a: {  	s5 =	simm.s32 $_size__tile_overlayer_lowered;
	s6 =	simm.s32 $_tile_overlayer_lowered  }
0x9b: {  	s22 =	simm.s32 $0x1BFF;
	s21 =	sshll.u32 s6, $0x1;
	s3 =	sadd.s32 s4, s19  }
0x9c: {  	s7 =	simm.s32 $0x0;
	s20 =	sshll.u32 s5, $0x1;
	s5 =	sadd.s32 s21, s3  }
0x9d: {  	[timem:s7], [sflag:s22] =	dma.local [hbm:s5], s20  }
0x9e: {  	_ =	swait.ge [sflag:s22], s20  }
0x9f: {  	s4 =	ssub.s32 $0x0, s20;
	[sflag:s22] =	ssyncset.done $0x0  }
0xa0: {  	[sflag:s22] =	ssyncadd.s32 s4;
	_ =	sdelay $0x1  }
0xa1: {  	s23 =	simm.s32 $0x1B8B  }
0xa2: {  	_ =	swait.ge [sflag:s23], $0x1  }
0xa3: {  	[sflag:s23] =	ssyncset.done $0x0  }
0xa4: {  	s25 =	simm.s32 $0x1B8E;
	s24 =	sld [smem:$0x3FFE];
	[sflag:s23] =	ssyncadd.s32 $0xFFFFFFFF  }
0xa5: {  	s26 =	simm.s32 $execute0_lowered;
	[smem:$0x3FD2] =	sst s25  }
0xa6: {  	s5 =	sshll.u32 s26, $0x1;
	_ =	strace $0x80000049;
	[dreg:$0x1] =	wrdreg $0xFFFFFFFF  }
0xa7: {  	s28 =	simm.s32 $_size_execute0_lowered;
	s3 =	sadd.s32 s3, s5;
	[dreg:$0x0] =	wrdreg $0x0  }
0xa8: {  	s5 =	sshll.u32 s28, $0x1;
	[dreg:$0x2] =	wrdreg s3  }
0xa9: {  	[dreg:$0x3] =	wrdreg s5  }
0xaa: {  	[dreg:$0x4] =	wrdreg $0xC0  }
0xab: {  	_ =	task [dreg:s7], $0x5FFFF  }
0xac: {  	[dreg:$0x1] =	wrdreg $0xFFFFFFFF  }
0xad: {  	[dreg:$0x0] =	wrdreg $0x60  }
0xae: {  	[dreg:$0x2] =	wrdreg s24  }
0xaf: {  	[dreg:$0x3] =	wrdreg s2  }
0xb0: {  	[dreg:$0x4] =	wrdreg $0x82000  }
0xb1: {  	[dreg:$0x5] =	wrdreg $0x9  }
0xb2: {  	_ =	task.clear_ibuf [dreg:s7], $0x6FFFF;
	_ =	strace $0x90000049  }
0xb3: {  	s29 =	simm.s32 $0x9;
	_ =	strace $0x8000004B  }
0xb4: {  	_ =	swait.ge [sflag:s29], $0x1  }
0xb5: {  	[sflag:s29] =	ssyncadd.s32 $0xFFFFFFFF  }
0xb6: {  	_ =	strace $0x9000004B  }
0xb7: {  	_ =	sfence  }
0xb8: {  	s30 =	sld [smem:$0x0];
	_ =	sdelay $0x2  }
0xb9: {  	s31 =	sshll.u32 s1, $0xD;
	s1 =	sshrl.u32 s1, $0x2  }
0xba: {  	s3 =	sand.u32 $0x4000, s31;
	s1 =	sadd.s32 s1, s30  }
0xbb: {  	s0 =	sor.u32 s3, s0;
	s1 =	sshll.u32 s1, $0x11  }
0xbc: {  	s0 =	sor.u32 s1, s0  }
0xbd: {  	s0 =	sadd.s32 $0x8F2B, s0  }
0xbe: {  	[sflag:s0] =	ssyncadd.remote.s32 $0x1  }
0xbf: {  	_ =	sfence.sel $0xFFFF  }
0xc0: {  	[dreg:$0x0] =	wrdreg $0xFFFFFFFF;
	(pc) =	sbr.abs _section_cstart, $3  }
0xc1: {  	[dreg:$0x1] =	wrdreg $0xFFFFFFFF  }
0xc2: {  	_ =	task.clear_ibuf [dreg:s7], $0x2FFFF;
	_ =	strace $0x9FFFFFFF  }
0xc3: {  	(tm) =	ssettm $0x7FFFFFFF  }
tec
execute0_lowered:
.L_overlay_start_1:
0x0: {  	(tag) =	ssettag $0x1  }
0x1: {  	s2 =	rddreg [dreg:$0x0]  }
0x2: {  	s4 =	rddreg [dreg:$0x1]  }
0x3: {  	s0 =	rddreg [dreg:$0x2];
	s1 =	simm.s32 $0x0;
	s6 =	srdreg.scid  }
0x4: {  	s20 =	stileid.u32;
	s28 =	simm.s32 $0x200;
	s29 =	simm.s32 $0x3  }
0x5: {  	s30 =	simm.s32 $0x100;
	s31 =	simm.s32 $0x40;
	[smem:$0x7FF] =	sst s1  }
0x6: {  	s5 =	sadd.s32 $0x5F200, s2;
	s3 =	sadd.s32 $0x87200, s2;
	s7 =	sadd.s32 $0x5A200, s2  }
0x7: {  	s6 =	sand.u32 $0x1, s6;
	s8 =	smul.u32 $0x2800, s20;
	s9 =	sadd.s32 $0xAF200, s2  }
0x8: {  	s2 =	sadd.s32 $0xD7200, s2;
	s12 =	smul.u32 $0x280, s20;
	s10 =	ssub.s32 $0x2, s6  }
0x9: {  	p1 =	seq.s32 s6, $0x1;
	p0 =	seq.s32 s6, $0x0;
	s17 =	smov.u32 s5  }
0xa: {  	s11 =	sshrl.u32 s10, $0x1;
	s13 =	sshrl.u32 s8, $0x3;
	s6 =	sadd.s32 $0x80, s12  }
0xb: {  	s14 =	sadd.s32 $0x100, s12;
	s16 =	sadd.s32 $0x180, s12;
	s12 =	sadd.s32 $0x200, s12  }
0xc: {  	s17 =	smov.u32 @p1 s3;
	s2 =	smov.u32 @p0 s9;
	s3 =	smov.u32 @p0 s5  }
0xd: {  	s5 =	simm.s32 $0x4200;
	s10 =	ssub.s32 s10, s11;
	s19 =	sadd.s32 s7, s13  }
0xe: {  	s21 =	sadd.s32 s4, s13;
	s11 =	sor.u32 $0x10, s13;
	[dreg:$0x4] =	wrdreg s19  }
0xf: {  	s22 =	sshll.u32 s6, $0x4;
	s9 =	sadd.s32 s2, s8;
	[dreg:$0x5] =	wrdreg s21  }
0x10: {  	s15 =	sshll.u32 s14, $0x4;
	s21 =	sadd.s32 s17, s8;
	[dreg:$0xb] =	wrdreg s9  }
0x11: {  	s18 =	sshll.u32 s16, $0x4;
	s23 =	sadd.s32 s17, s22;
	[dreg:$0x6] =	wrdreg s21  }
0x12: {  	s19 =	sshll.u32 s12, $0x4;
	s24 =	sadd.s32 s17, s15;
	[dreg:$0x7] =	wrdreg s23  }
0x13: {  	s25 =	sadd.s32 s17, s18;
	s13 =	sadd.s32 s2, s22;
	[dreg:$0x8] =	wrdreg s24  }
0x14: {  	s15 =	sadd.s32 s2, s15;
	s22 =	sadd.s32 s4, s11;
	[dreg:$0x9] =	wrdreg s25  }
0x15: {  	s8 =	simm.s32 $0x1;
	s9 =	simm.s32 $0x2;
	[dreg:$0xc] =	wrdreg s13  }
0x16: {  	s26 =	sadd.s32 s17, s19;
	[dreg:$0xd] =	wrdreg s15;
	s17 =	sadd.s32 s2, s18  }
0x17: {  	s18 =	smul.u32 $0x500, s20;
	s2 =	sadd.s32 s2, s19;
	[dreg:$0x11] =	wrdreg s22  }
0x18: {  	s19 =	sadd.s32 s7, s11;
	s21 =	smul.u32 $0x50000, s20;
	[dreg:$0xa] =	wrdreg s26  }
0x19: {  	s23 =	sshll.u32 s6, $0x7;
	s24 =	sshll.u32 s14, $0x7;
	[dreg:$0xe] =	wrdreg s17  }
0x1a: {  	s25 =	sshll.u32 s16, $0x7;
	s15 =	simm.s32 $0x2200;
	[dreg:$0xf] =	wrdreg s2  }
0x1b: {  	s6 =	simm.s32 $0xC0;
	s11 =	simm.s32 $0x0;
	[dreg:$0x10] =	wrdreg s19  }
0x1c: {  	s23 =	sadd.s32 s23, s0;
	s24 =	sadd.s32 s24, s0;
	s25 =	sadd.s32 s25, s0  }
0x1d: {  	s26 =	sshll.u32 s12, $0x7;
	s19 =	sadd.s32 s18, s4;
	s20 =	sadd.s32 s18, s7  }
0x1e: {  	_ =	strace $0x8000004A;
	s2 =	sshrl.u32 s21, $0x2;
	s21 =	smax.u32 s10, $0x1  }
0x1f: {  	s26 =	sadd.s32 s26, s0;
	s4 =	simm.s32 $0x180;
	s7 =	simm.s32 $0x6200  }
0x20: {  	s10 =	simm.s32 $0x4;
	s22 =	sadd.s32 s2, s0;
	s2 =	simm.s32 $0x80  }
.LBB2_1:
0x21: {  	s12 =	rddreg [dreg:$0x6]  }
0x22: {  	[tilespmem:s28], [sflag:$0x3] =	stream.linear.gather [hbm4b:s12+s1], $0x4000, $0x38;
	[tilespmem:$0x1C200] =	vst v63  }
0x23: {  	_ =	swait.ge [sflag:s29], $0x4000  }
0x24: {  	[sflag:s29] =	ssyncset.done $0x0  }
0x25: {  	[sflag:s29] =	ssyncadd.s32 $0xFFFFC000  }
0x26: {  	[spmem:s22] =	stream.linear.scatter [tilespmem:s28], [sflag:$0x3], $0x4000, $0x38;
	[tilespmem:$0x1C200] =	vst v63  }
0x27: {  	_ =	swait.ge [sflag:s29], $0x4000  }
0x28: {  	[sflag:s29] =	ssyncset.done $0x0  }
0x29: {  	s18 =	rddreg [dreg:$0x7];
	[sflag:s29] =	ssyncadd.s32 $0xFFFFC000  }
0x2a: {  	[tilespmem:s28], [sflag:$0x3] =	stream.linear.gather [hbm4b:s18+s1], $0x4000, $0x38;
	[tilespmem:$0x1C200] =	vst v63  }
0x2b: {  	_ =	swait.ge [sflag:s29], $0x4000  }
0x2c: {  	[sflag:s29] =	ssyncset.done $0x0  }
0x2d: {  	[sflag:s29] =	ssyncadd.s32 $0xFFFFC000  }
0x2e: {  	[spmem:s23] =	stream.linear.scatter [tilespmem:s28], [sflag:$0x3], $0x4000, $0x38;
	[tilespmem:$0x1C200] =	vst v63  }
0x2f: {  	_ =	swait.ge [sflag:s29], $0x4000  }
0x30: {  	[sflag:s29] =	ssyncset.done $0x0  }
0x31: {  	s13 =	rddreg [dreg:$0x8];
	[sflag:s29] =	ssyncadd.s32 $0xFFFFC000  }
0x32: {  	[tilespmem:s28], [sflag:$0x3] =	stream.linear.gather [hbm4b:s13+s1], $0x4000, $0x38;
	[tilespmem:$0x1C200] =	vst v63  }
0x33: {  	_ =	swait.ge [sflag:s29], $0x4000  }
0x34: {  	[sflag:s29] =	ssyncset.done $0x0  }
0x35: {  	[sflag:s29] =	ssyncadd.s32 $0xFFFFC000  }
0x36: {  	[spmem:s24] =	stream.linear.scatter [tilespmem:s28], [sflag:$0x3], $0x4000, $0x38;
	[tilespmem:$0x1C200] =	vst v63  }
0x37: {  	_ =	swait.ge [sflag:s29], $0x4000  }
0x38: {  	[sflag:s29] =	ssyncset.done $0x0  }
0x39: {  	s14 =	rddreg [dreg:$0x9];
	[sflag:s29] =	ssyncadd.s32 $0xFFFFC000  }
0x3a: {  	[tilespmem:s28], [sflag:$0x3] =	stream.linear.gather [hbm4b:s14+s1], $0x4000, $0x38;
	[tilespmem:$0x1C200] =	vst v63  }
0x3b: {  	_ =	swait.ge [sflag:s29], $0x4000  }
0x3c: {  	[sflag:s29] =	ssyncset.done $0x0  }
0x3d: {  	[sflag:s29] =	ssyncadd.s32 $0xFFFFC000  }
0x3e: {  	[spmem:s25] =	stream.linear.scatter [tilespmem:s28], [sflag:$0x3], $0x4000, $0x38;
	[tilespmem:$0x1C200] =	vst v63  }
0x3f: {  	_ =	swait.ge [sflag:s29], $0x4000  }
0x40: {  	[sflag:s29] =	ssyncset.done $0x0  }
0x41: {  	s16 =	rddreg [dreg:$0xa];
	[sflag:s29] =	ssyncadd.s32 $0xFFFFC000  }
0x42: {  	[tilespmem:s28], [sflag:$0x3] =	stream.linear.gather [hbm4b:s16+s1], $0x4000, $0x38;
	[tilespmem:$0x1C200] =	vst v63  }
0x43: {  	_ =	swait.ge [sflag:s29], $0x4000  }
0x44: {  	[sflag:s29] =	ssyncset.done $0x0  }
0x45: {  	[sflag:s29] =	ssyncadd.s32 $0xFFFFC000  }
0x46: {  	[spmem:s26] =	stream.linear.scatter [tilespmem:s28], [sflag:$0x3], $0x4000, $0x38;
	[tilespmem:$0x1C200] =	vst v63  }
0x47: {  	_ =	swait.ge [sflag:s29], $0x4000  }
0x48: {  	[sflag:s29] =	ssyncset.done $0x0  }
0x49: {  	[sflag:s29] =	ssyncadd.s32 $0xFFFFC000  }
0x4a: {  	[bflag:$0x0] =	sbarrier.arrive $0xFFFF  }
0x4b: {  	s17 =	rddreg [dreg:$0x4]  }
0x4c: {  	[tilespmem:s1], [sflag:$0x3] =	stream.linear.gather [hbm4b:s17+s1], $0x80, $0x38;
	[tilespmem:$0x1C200] =	vst v63  }
0x4d: {  	_ =	swait.ge [sflag:s29], $0x80  }
0x4e: {  	[sflag:s29] =	ssyncset.done $0x0  }
0x4f: {  	s18 =	rddreg [dreg:$0x5];
	[sflag:s29] =	ssyncadd.s32 $0xFFFFFF80  }
0x50: {  	[tilespmem:s30], [sflag:$0x3] =	stream.linear.gather [hbm4b:s18+s1], $0x80, $0x38;
	[tilespmem:$0x1C200] =	vst v63  }
0x51: {  	_ =	swait.ge [sflag:s29], $0x80  }
0x52: {  	[sflag:s29] =	ssyncset.done $0x0  }
0x53: {  	[sflag:s29] =	ssyncadd.s32 $0xFFFFFF80  }
0x54: {  	[tilespmem:s28], [sflag:$0x1] =	stream.indirect.gather [hbm4b:s3+s31], $0x80, s1, s31, $0xb8;
	[tilespmem:$0x1C200] =	vst v63  }
0x55: {  	_ = 	snop  }
0x56: {  	[tilespmem:s15], [sflag:$0x1] =	stream.indirect.gather [hbm4b:s3+s31], $0x80, s31, s31, $0xb8;
	[tilespmem:$0x1C200] =	vst v63  }
0x57: {  	s13 =	rddreg [dreg:$0x10]  }
0x58: {  	[tilespmem:s2], [sflag:$0x3] =	stream.linear.gather [hbm4b:s13+s1], $0x80, $0x38;
	[tilespmem:$0x1C200] =	vst v63  }
0x59: {  	_ =	swait.ge [sflag:s29], $0x80  }
0x5a: {  	[sflag:s29] =	ssyncset.done $0x0  }
0x5b: {  	s14 =	rddreg [dreg:$0x11];
	[sflag:s29] =	ssyncadd.s32 $0xFFFFFF80  }
0x5c: {  	[tilespmem:s4], [sflag:$0x3] =	stream.linear.gather [hbm4b:s14+s1], $0x80, $0x38;
	[tilespmem:$0x1C200] =	vst v63  }
0x5d: {  	_ =	swait.ge [sflag:s29], $0x80  }
0x5e: {  	[sflag:s29] =	ssyncset.done $0x0  }
0x5f: {  	[sflag:s29] =	ssyncadd.s32 $0xFFFFFF80  }
0x60: {  	[tilespmem:s5], [sflag:$0x2] =	stream.indirect.gather [hbm4b:s3+s31], $0x80, s2, s31, $0xb8;
	[tilespmem:$0x1C200] =	vst v63  }
0x61: {  	_ = 	snop  }
0x62: {  	[tilespmem:s7], [sflag:$0x2] =	stream.indirect.gather [hbm4b:s3+s31], $0x80, s6, s31, $0xb8;
	[tilespmem:$0x1C200] =	vst v63  }
0x63: {  	_ =	swait.ge [sflag:s8], $0x2000  }
0x64: {  	[sflag:s8] =	ssyncset.done $0x0  }
0x65: {  	[sflag:s8] =	ssyncadd.s32 $0xFFFFE000  }
0x66: {  	_ =	swait.ge [sflag:s8], $0x2000  }
0x67: {  	[sflag:s8] =	ssyncset.done $0x0  }
0x68: {  	[sflag:s8] =	ssyncadd.s32 $0xFFFFE000  }
0x69: {  	[spmem:s0] =	stream.indirect.scatter.add.f32 [tilespmem:s28], [sflag:$0x3], $0x80, s30, s2, $0xb8;
	[tilespmem:$0x1C200] =	vst v63  }
0x6a: {  	_ =	swait.ge [sflag:s29], $0x4000  }
0x6b: {  	s16 =	sadd.s32 $0xFFFFFB20, s20;
	[sflag:s29] =	ssyncset.done $0x0  }
0x6c: {  	s13 =	sadd.s32 $0x500, s16;
	[sflag:s29] =	ssyncadd.s32 $0xFFFFC000  }
0x6d: {  	[tilespmem:s1], [sflag:$0x3] =	stream.linear.gather [hbm4b:s13+s1], $0x80, $0x38;
	[tilespmem:$0x1C200] =	vst v63  }
0x6e: {  	_ =	swait.ge [sflag:s29], $0x80  }
0x6f: {  	s17 =	sadd.s32 $0xFFFFFB20, s19;
	[sflag:s29] =	ssyncset.done $0x0  }
0x70: {  	s14 =	sadd.s32 $0x500, s17;
	[sflag:s29] =	ssyncadd.s32 $0xFFFFFF80  }
0x71: {  	[tilespmem:s30], [sflag:$0x3] =	stream.linear.gather [hbm4b:s14+s1], $0x80, $0x38;
	[tilespmem:$0x1C200] =	vst v63  }
0x72: {  	_ =	swait.ge [sflag:s29], $0x80  }
0x73: {  	[sflag:s29] =	ssyncset.done $0x0  }
0x74: {  	[sflag:s29] =	ssyncadd.s32 $0xFFFFFF80  }
0x75: {  	[tilespmem:s28], [sflag:$0x1] =	stream.indirect.gather [hbm4b:s3+s31], $0x80, s1, s31, $0xb8;
	[tilespmem:$0x1C200] =	vst v63  }
0x76: {  	_ = 	snop  }
0x77: {  	[tilespmem:s15], [sflag:$0x1] =	stream.indirect.gather [hbm4b:s3+s31], $0x80, s31, s31, $0xb8;
	[tilespmem:$0x1C200] =	vst v63  }
0x78: {  	_ =	swait.ge [sflag:s9], $0x2000  }
0x79: {  	[sflag:s9] =	ssyncset.done $0x0  }
0x7a: {  	[sflag:s9] =	ssyncadd.s32 $0xFFFFE000  }
0x7b: {  	_ =	swait.ge [sflag:s9], $0x2000  }
0x7c: {  	[sflag:s9] =	ssyncset.done $0x0  }
0x7d: {  	[sflag:s9] =	ssyncadd.s32 $0xFFFFE000  }
0x7e: {  	[spmem:s0] =	stream.indirect.scatter.add.f32 [tilespmem:s5], [sflag:$0x3], $0x80, s4, s2, $0xb8;
	[tilespmem:$0x1C200] =	vst v63  }
0x7f: {  	_ =	swait.ge [sflag:s29], $0x4000  }
0x80: {  	[sflag:s29] =	ssyncset.done $0x0  }
0x81: {  	s12 =	sadd.s32 $0x510, s16;
	[sflag:s29] =	ssyncadd.s32 $0xFFFFC000  }
0x82: {  	[tilespmem:s2], [sflag:$0x3] =	stream.linear.gather [hbm4b:s12+s1], $0x80, $0x38;
	[tilespmem:$0x1C200] =	vst v63  }
0x83: {  	_ =	swait.ge [sflag:s29], $0x80  }
0x84: {  	[sflag:s29] =	ssyncset.done $0x0  }
0x85: {  	s18 =	sadd.s32 $0x510, s17;
	[sflag:s29] =	ssyncadd.s32 $0xFFFFFF80  }
0x86: {  	[tilespmem:s4], [sflag:$0x3] =	stream.linear.gather [hbm4b:s18+s1], $0x80, $0x38;
	[tilespmem:$0x1C200] =	vst v63  }
0x87: {  	_ =	swait.ge [sflag:s29], $0x80  }
0x88: {  	[sflag:s29] =	ssyncset.done $0x0  }
0x89: {  	[sflag:s29] =	ssyncadd.s32 $0xFFFFFF80  }
0x8a: {  	[tilespmem:s5], [sflag:$0x2] =	stream.indirect.gather [hbm4b:s3+s31], $0x80, s2, s31, $0xb8;
	[tilespmem:$0x1C200] =	vst v63  }
0x8b: {  	_ = 	snop  }
0x8c: {  	[tilespmem:s7], [sflag:$0x2] =	stream.indirect.gather [hbm4b:s3+s31], $0x80, s6, s31, $0xb8;
	[tilespmem:$0x1C200] =	vst v63  }
0x8d: {  	_ =	swait.ge [sflag:s8], $0x2000  }
0x8e: {  	[sflag:s8] =	ssyncset.done $0x0  }
0x8f: {  	[sflag:s8] =	ssyncadd.s32 $0xFFFFE000  }
0x90: {  	_ =	swait.ge [sflag:s8], $0x2000  }
0x91: {  	[sflag:s8] =	ssyncset.done $0x0  }
0x92: {  	[sflag:s8] =	ssyncadd.s32 $0xFFFFE000  }
0x93: {  	[spmem:s0] =	stream.indirect.scatter.add.f32 [tilespmem:s28], [sflag:$0x3], $0x80, s30, s2, $0xb8;
	[tilespmem:$0x1C200] =	vst v63  }
0x94: {  	s13 =	simm.s32 $0xFFFFFB60;
	_ =	swait.ge [sflag:s29], $0x4000  }
0x95: {  	s14 =	sadd.s32 $0xFFFFFB40, s20;
	s12 =	simm.s32 $0xFFFFFB40;
	[sflag:s29] =	ssyncset.done $0x0  }
.LBB2_2:
0x96: {  	s17 =	sadd.s32 $0x500, s14  }
0x97: {  	[sflag:s29] =	ssyncadd.s32 $0xFFFFC000;
	s18 =	smov.u32 s13;
	s16 =	sadd.s32 $0x20, s13  }
0x98: {  	[tilespmem:s1], [sflag:$0x3] =	stream.linear.gather [hbm4b:s17+s1], $0x80, $0x38;
	[tilespmem:$0x1C200] =	vst v63  }
0x99: {  	p1 =	sne.s32 s13, $0xFFFFFFE0;
	_ =	swait.ge [sflag:s29], $0x80  }
0x9a: {  	s13 =	sadd.s32 s12, s19;
	s12 =	smov.u32 s18;
	[sflag:s29] =	ssyncset.done $0x0  }
0x9b: {  	s17 =	sadd.s32 $0x500, s13;
	[sflag:s29] =	ssyncadd.s32 $0xFFFFFF80  }
0x9c: {  	[tilespmem:s30], [sflag:$0x3] =	stream.linear.gather [hbm4b:s17+s1], $0x80, $0x38;
	[tilespmem:$0x1C200] =	vst v63  }
0x9d: {  	_ =	swait.ge [sflag:s29], $0x80  }
0x9e: {  	[sflag:s29] =	ssyncset.done $0x0  }
0x9f: {  	[sflag:s29] =	ssyncadd.s32 $0xFFFFFF80  }
0xa0: {  	[tilespmem:s28], [sflag:$0x1] =	stream.indirect.gather [hbm4b:s3+s31], $0x80, s1, s31, $0xb8;
	[tilespmem:$0x1C200] =	vst v63  }
0xa1: {  	_ = 	snop  }
0xa2: {  	[tilespmem:s15], [sflag:$0x1] =	stream.indirect.gather [hbm4b:s3+s31], $0x80, s31, s31, $0xb8;
	[tilespmem:$0x1C200] =	vst v63  }
0xa3: {  	_ =	swait.ge [sflag:s9], $0x2000  }
0xa4: {  	[sflag:s9] =	ssyncset.done $0x0  }
0xa5: {  	[sflag:s9] =	ssyncadd.s32 $0xFFFFE000  }
0xa6: {  	_ =	swait.ge [sflag:s9], $0x2000  }
0xa7: {  	[sflag:s9] =	ssyncset.done $0x0  }
0xa8: {  	[sflag:s9] =	ssyncadd.s32 $0xFFFFE000  }
0xa9: {  	[spmem:s0] =	stream.indirect.scatter.add.f32 [tilespmem:s5], [sflag:$0x3], $0x80, s4, s2, $0xb8;
	[tilespmem:$0x1C200] =	vst v63  }
0xaa: {  	_ =	swait.ge [sflag:s29], $0x4000  }
0xab: {  	[sflag:s29] =	ssyncset.done $0x0  }
0xac: {  	s14 =	sadd.s32 $0x510, s14;
	[sflag:s29] =	ssyncadd.s32 $0xFFFFC000  }
0xad: {  	[tilespmem:s2], [sflag:$0x3] =	stream.linear.gather [hbm4b:s14+s1], $0x80, $0x38;
	[tilespmem:$0x1C200] =	vst v63  }
0xae: {  	_ =	swait.ge [sflag:s29], $0x80  }
0xaf: {  	[sflag:s29] =	ssyncset.done $0x0  }
0xb0: {  	s13 =	sadd.s32 $0x510, s13;
	[sflag:s29] =	ssyncadd.s32 $0xFFFFFF80  }
0xb1: {  	[tilespmem:s4], [sflag:$0x3] =	stream.linear.gather [hbm4b:s13+s1], $0x80, $0x38;
	[tilespmem:$0x1C200] =	vst v63  }
0xb2: {  	_ =	swait.ge [sflag:s29], $0x80  }
0xb3: {  	[sflag:s29] =	ssyncset.done $0x0  }
0xb4: {  	[sflag:s29] =	ssyncadd.s32 $0xFFFFFF80  }
0xb5: {  	[tilespmem:s5], [sflag:$0x2] =	stream.indirect.gather [hbm4b:s3+s31], $0x80, s2, s31, $0xb8;
	[tilespmem:$0x1C200] =	vst v63  }
0xb6: {  	_ = 	snop  }
0xb7: {  	[tilespmem:s7], [sflag:$0x2] =	stream.indirect.gather [hbm4b:s3+s31], $0x80, s6, s31, $0xb8;
	[tilespmem:$0x1C200] =	vst v63  }
0xb8: {  	_ =	swait.ge [sflag:s8], $0x2000  }
0xb9: {  	[sflag:s8] =	ssyncset.done $0x0  }
0xba: {  	[sflag:s8] =	ssyncadd.s32 $0xFFFFE000  }
0xbb: {  	_ =	swait.ge [sflag:s8], $0x2000  }
.Ltmp0:
0xbc: {  	[sflag:s8] =	ssyncset.done $0x0;
	(pc) =	sbr.rel @p1 .LBB2_2-.Ltmp0, $4  }
0xbd: {  	[sflag:s8] =	ssyncadd.s32 $0xFFFFE000  }
0xbe: {  	[spmem:s0] =	stream.indirect.scatter.add.f32 [tilespmem:s28], [sflag:$0x3], $0x80, s30, s2, $0xb8;
	[tilespmem:$0x1C200] =	vst v63  }
0xbf: {  	_ =	swait.ge [sflag:s29], $0x4000  }
0xc0: {  	s14 =	sadd.s32 s12, s20;
	s13 =	smov.u32 s16;
	[sflag:s29] =	ssyncset.done $0x0  }
0xc1: {  	s13 =	sadd.s32 $0x500, s14;
	[sflag:s29] =	ssyncadd.s32 $0xFFFFC000  }
0xc2: {  	[tilespmem:s1], [sflag:$0x3] =	stream.linear.gather [hbm4b:s13+s1], $0x80, $0x38;
	[tilespmem:$0x1C200] =	vst v63  }
0xc3: {  	_ =	swait.ge [sflag:s29], $0x80  }
0xc4: {  	s12 =	sadd.s32 s12, s19;
	[sflag:s29] =	ssyncset.done $0x0  }
0xc5: {  	s16 =	sadd.s32 $0x500, s12;
	[sflag:s29] =	ssyncadd.s32 $0xFFFFFF80  }
0xc6: {  	[tilespmem:s30], [sflag:$0x3] =	stream.linear.gather [hbm4b:s16+s1], $0x80, $0x38;
	[tilespmem:$0x1C200] =	vst v63  }
0xc7: {  	_ =	swait.ge [sflag:s29], $0x80  }
0xc8: {  	[sflag:s29] =	ssyncset.done $0x0  }
0xc9: {  	[sflag:s29] =	ssyncadd.s32 $0xFFFFFF80  }
0xca: {  	[tilespmem:s28], [sflag:$0x1] =	stream.indirect.gather [hbm4b:s3+s31], $0x80, s1, s31, $0xb8;
	[tilespmem:$0x1C200] =	vst v63  }
0xcb: {  	_ = 	snop  }
0xcc: {  	[tilespmem:s15], [sflag:$0x1] =	stream.indirect.gather [hbm4b:s3+s31], $0x80, s31, s31, $0xb8;
	[tilespmem:$0x1C200] =	vst v63  }
0xcd: {  	_ =	swait.ge [sflag:s9], $0x2000  }
0xce: {  	[sflag:s9] =	ssyncset.done $0x0  }
0xcf: {  	[sflag:s9] =	ssyncadd.s32 $0xFFFFE000  }
0xd0: {  	_ =	swait.ge [sflag:s9], $0x2000  }
0xd1: {  	[sflag:s9] =	ssyncset.done $0x0  }
0xd2: {  	[sflag:s9] =	ssyncadd.s32 $0xFFFFE000  }
0xd3: {  	[spmem:s0] =	stream.indirect.scatter.add.f32 [tilespmem:s5], [sflag:$0x3], $0x80, s4, s2, $0xb8;
	[tilespmem:$0x1C200] =	vst v63  }
0xd4: {  	_ =	swait.ge [sflag:s29], $0x4000  }
0xd5: {  	[sflag:s29] =	ssyncset.done $0x0  }
0xd6: {  	s17 =	sadd.s32 $0x510, s14;
	[sflag:s29] =	ssyncadd.s32 $0xFFFFC000  }
0xd7: {  	[tilespmem:s2], [sflag:$0x3] =	stream.linear.gather [hbm4b:s17+s1], $0x80, $0x38;
	[tilespmem:$0x1C200] =	vst v63  }
0xd8: {  	_ =	swait.ge [sflag:s29], $0x80  }
0xd9: {  	[sflag:s29] =	ssyncset.done $0x0  }
0xda: {  	s12 =	sadd.s32 $0x510, s12;
	[sflag:s29] =	ssyncadd.s32 $0xFFFFFF80  }
0xdb: {  	[tilespmem:s4], [sflag:$0x3] =	stream.linear.gather [hbm4b:s12+s1], $0x80, $0x38;
	[tilespmem:$0x1C200] =	vst v63  }
0xdc: {  	_ =	swait.ge [sflag:s29], $0x80  }
0xdd: {  	[sflag:s29] =	ssyncset.done $0x0  }
0xde: {  	[sflag:s29] =	ssyncadd.s32 $0xFFFFFF80  }
0xdf: {  	[tilespmem:s5], [sflag:$0x2] =	stream.indirect.gather [hbm4b:s3+s31], $0x80, s2, s31, $0xb8;
	[tilespmem:$0x1C200] =	vst v63  }
0xe0: {  	_ = 	snop  }
0xe1: {  	[tilespmem:s7], [sflag:$0x2] =	stream.indirect.gather [hbm4b:s3+s31], $0x80, s6, s31, $0xb8;
	[tilespmem:$0x1C200] =	vst v63  }
0xe2: {  	_ =	swait.ge [sflag:s8], $0x2000  }
0xe3: {  	[sflag:s8] =	ssyncset.done $0x0  }
0xe4: {  	[sflag:s8] =	ssyncadd.s32 $0xFFFFE000  }
0xe5: {  	_ =	swait.ge [sflag:s8], $0x2000  }
0xe6: {  	[sflag:s8] =	ssyncset.done $0x0  }
0xe7: {  	[sflag:s8] =	ssyncadd.s32 $0xFFFFE000  }
0xe8: {  	[spmem:s0] =	stream.indirect.scatter.add.f32 [tilespmem:s28], [sflag:$0x3], $0x80, s30, s2, $0xb8;
	[tilespmem:$0x1C200] =	vst v63  }
0xe9: {  	_ =	swait.ge [sflag:s29], $0x4000  }
0xea: {  	[sflag:s29] =	ssyncset.done $0x0  }
0xeb: {  	[sflag:s29] =	ssyncadd.s32 $0xFFFFC000  }
0xec: {  	_ =	swait.ge [sflag:s9], $0x2000  }
0xed: {  	[sflag:s9] =	ssyncset.done $0x0  }
0xee: {  	[sflag:s9] =	ssyncadd.s32 $0xFFFFE000  }
0xef: {  	_ =	swait.ge [sflag:s9], $0x2000  }
0xf0: {  	[sflag:s9] =	ssyncset.done $0x0  }
0xf1: {  	[sflag:s9] =	ssyncadd.s32 $0xFFFFE000  }
0xf2: {  	[spmem:s0] =	stream.indirect.scatter.add.f32 [tilespmem:s5], [sflag:$0x3], $0x80, s4, s2, $0xb8;
	[tilespmem:$0x1C200] =	vst v63  }
0xf3: {  	_ =	swait.ge [sflag:s29], $0x4000  }
0xf4: {  	[sflag:s29] =	ssyncset.done $0x0  }
0xf5: {  	[sflag:s29] =	ssyncadd.s32 $0xFFFFC000  }
0xf6: {  	[bflag:$0x0] =	sbarrier.arrive $0xFFFF  }
0xf7: {  	[tilespmem:s28], [sflag:$0x4] =	stream.linear.gather [spmem:s22], $0x4000, $0x38;
	[tilespmem:$0x1C200] =	vst v63  }
0xf8: {  	_ =	swait.ge [sflag:s10], $0x4000  }
0xf9: {  	s12 =	simm.s32 $0x4;
	[sflag:s10] =	ssyncset.done $0x0  }
0xfa: {  	s12 =	simm.s32 @!p0 $0x3;
	s18 =	rddreg [dreg:$0xb];
	[sflag:s10] =	ssyncadd.s32 $0xFFFFC000  }
0xfb: {  	[hbm4b:s18+s1] =	stream.linear.scatter [tilespmem:s28], [sflag:s12], $0x4000, $0x38;
	[tilespmem:$0x1C200] =	vst v63  }
0xfc: {  	_ =	swait.ge [sflag:s12], $0x4000  }
0xfd: {  	[sflag:s12] =	ssyncset.done $0x0  }
0xfe: {  	[sflag:s12] =	ssyncadd.s32 $0xFFFFC000  }
0xff: {  	[tilespmem:s28], [sflag:$0x4] =	stream.linear.gather [spmem:s23], $0x4000, $0x38;
	[tilespmem:$0x1C200] =	vst v63  }
0x100: {  	_ =	swait.ge [sflag:s10], $0x4000  }
0x101: {  	[sflag:s10] =	ssyncset.done $0x0  }
0x102: {  	s14 =	rddreg [dreg:$0xc];
	[sflag:s10] =	ssyncadd.s32 $0xFFFFC000  }
0x103: {  	[hbm4b:s14+s1] =	stream.linear.scatter [tilespmem:s28], [sflag:s12], $0x4000, $0x38;
	[tilespmem:$0x1C200] =	vst v63  }
0x104: {  	_ =	swait.ge [sflag:s12], $0x4000  }
0x105: {  	[sflag:s12] =	ssyncset.done $0x0  }
0x106: {  	[sflag:s12] =	ssyncadd.s32 $0xFFFFC000  }
0x107: {  	[tilespmem:s28], [sflag:$0x4] =	stream.linear.gather [spmem:s24], $0x4000, $0x38;
	[tilespmem:$0x1C200] =	vst v63  }
0x108: {  	_ =	swait.ge [sflag:s10], $0x4000  }
0x109: {  	[sflag:s10] =	ssyncset.done $0x0  }
0x10a: {  	s16 =	rddreg [dreg:$0xd];
	[sflag:s10] =	ssyncadd.s32 $0xFFFFC000  }
0x10b: {  	[hbm4b:s16+s1] =	stream.linear.scatter [tilespmem:s28], [sflag:s12], $0x4000, $0x38;
	[tilespmem:$0x1C200] =	vst v63  }
0x10c: {  	_ =	swait.ge [sflag:s12], $0x4000  }
0x10d: {  	[sflag:s12] =	ssyncset.done $0x0  }
0x10e: {  	[sflag:s12] =	ssyncadd.s32 $0xFFFFC000  }
0x10f: {  	[tilespmem:s28], [sflag:$0x4] =	stream.linear.gather [spmem:s25], $0x4000, $0x38;
	[tilespmem:$0x1C200] =	vst v63  }
0x110: {  	_ =	swait.ge [sflag:s10], $0x4000  }
0x111: {  	[sflag:s10] =	ssyncset.done $0x0  }
0x112: {  	s17 =	rddreg [dreg:$0xe];
	[sflag:s10] =	ssyncadd.s32 $0xFFFFC000  }
0x113: {  	[hbm4b:s17+s1] =	stream.linear.scatter [tilespmem:s28], [sflag:s12], $0x4000, $0x38;
	[tilespmem:$0x1C200] =	vst v63  }
0x114: {  	_ =	swait.ge [sflag:s12], $0x4000  }
0x115: {  	[sflag:s12] =	ssyncset.done $0x0  }
0x116: {  	[sflag:s12] =	ssyncadd.s32 $0xFFFFC000  }
0x117: {  	[tilespmem:s28], [sflag:$0x4] =	stream.linear.gather [spmem:s26], $0x4000, $0x38;
	[tilespmem:$0x1C200] =	vst v63  }
0x118: {  	s11 =	sadd.s32 $0x1, s11;
	_ =	swait.ge [sflag:s10], $0x4000  }
0x119: {  	p1 =	sne.s32 s11, s21;
	[sflag:s10] =	ssyncset.done $0x0  }
.Ltmp1:
0x11a: {  	s18 =	rddreg [dreg:$0xf];
	[sflag:s10] =	ssyncadd.s32 $0xFFFFC000;
	(pc) =	sbr.rel @p1 .LBB2_1-.Ltmp1, $4  }
0x11b: {  	[hbm4b:s18+s1] =	stream.linear.scatter [tilespmem:s28], [sflag:s12], $0x4000, $0x38;
	[tilespmem:$0x1C200] =	vst v63  }
0x11c: {  	_ =	swait.ge [sflag:s12], $0x4000  }
0x11d: {  	[sflag:s12] =	ssyncset.done $0x0  }
0x11e: {  	[sflag:s12] =	ssyncadd.s32 $0xFFFFC000  }
0x11f: {  	_ =	sfence.sel $0x180000  }
0x120: {  	[bflag:$0x0] =	sbarrier.arrive $0xFFFF  }
0x121: {  	_ =	strace $0x9000004A  }
0x122: {  	s0 =	stileid.u32;
	[bflag:$0x2] =	sbarrier.arrive $0xFFFF  }
0x123: {  	p0 =	sne.s32 s0, $0x0;
	s0 =	rddreg [dreg:$0x3]  }
0x124: {  	s0 =	sadd.s32 @!p0 $0x100000, s0  }
0x125: {  	[sflag:s0] =	ssyncadd.tile.s32 @!p0 $0x1;
	_ =	shalt  }
.Lfunc_end2:
_tile_overlayer_lowered:
.L_overlay_start_2:
0x126: {  	(tag) =	ssettag $0x2  }
0x127: {  	s0 =	rddreg [dreg:$0x0];
	s2 =	stileid.u32  }
0x128: {  	s1 =	rddreg [dreg:$0x1];
	p0 =	sne.s32 s2, $0x0  }
0x129: {  	s3 =	rddreg [dreg:$0x2];
	[bflag:$0x3] =	sbarrier.arrive $0xFFFF;
	s2 =	simm.s32 @!p0 $0x1C03  }
0x12a: {  	[timem:s3], [sflag:s2] =	dma.local @!p0 [hbm:s0], s1  }
0x12b: {  	s0 =	simm.s32 @!p0 $0x3  }
0x12c: {  	_ =	swait.ge @!p0 [sflag:s0], s1  }
0x12d: {  	s1 =	ssub.s32 @!p0 $0x0, s1;
	[sflag:s0] =	ssyncset.done @!p0 $0x0  }
0x12e: {  	[sflag:s0] =	ssyncadd.s32 @!p0 s1  }
0x12f: {  	[bflag:$0x3] =	sbarrier.arrive $0xFFFF  }
0x130: {  	_ =	shalt  }

// kernel: kernel.14.cloned.1.call-start
scs
__scs_entry_jumppad:
0x0: {  	(pc) =	sbr.rel $0x88, $3  }
0x1: {  	(tag) =	ssettag $0x0;
	lr =	simm.s32 $0x1  }
0x2: {  	[smem:$0x3F9B] =	sst lr;
	_ =	strace $0xD0000000  }
0x3: {  	_ = 	snop  }
0x4: {  	_ = 	snop  }
0x5: {  	_ = 	snop  }
0x6: {  	_ = 	snop  }
0x7: {  	_ = 	snop  }
__scs_overlays_trampoline_lowered:
0x8: {  	[smem:$0x3FAA] =	sst s0  }
0x9: {  	[smem:$0x3FAB] =	sst s1  }
0xa: {  	[smem:$0x3FAC] =	sst s2  }
0xb: {  	[smem:$0x3FAD] =	sst s3  }
0xc: {  	[smem:$0x3FAE] =	sst s4  }
0xd: {  	[smem:$0x3FAF] =	sst s5  }
0xe: {  	[smem:$0x3FB0] =	sst s6  }
0xf: {  	[smem:$0x3FB1] =	sst s7  }
0x10: {  	[smem:$0x3FB2] =	sst s8  }
0x11: {  	[smem:$0x3FB3] =	sst s9;
	s0 =	simm.s32 @!p0 $0x0  }
0x12: {  	s1 =	sld [smem:$0x3F99];
	s0 =	simm.s32 @p0 $0x1  }
0x13: {  	[smem:$0x3FB4] =	sst s0;
	s0 =	simm.s32 @!p1 $0x0  }
0x14: {  	s2 =	sld [smem:$0x3F98];
	s0 =	simm.s32 @p1 $0x1  }
0x15: {  	[smem:$0x3FB5] =	sst s0;
	s0 =	simm.s32 @!p2 $0x0  }
0x16: {  	s3 =	sld [smem:$0x3FDB];
	s0 =	simm.s32 @p2 $0x1  }
0x17: {  	s4 =	simm.s32 $0x1BF5;
	[smem:$0x3FB7] =	sst s0  }
0x18: {  	s0 =	sld [smem:$0x3F9A];
	_ =	swait.ge [sflag:s4], $0x0  }
0x19: {  	s7 =	sld [smem:$0x3F9B]  }
0x1a: {  	s8 =	sadd.s32 $0xFFFFE003, lr  }
0x1b: {  	s9 =	sadd.s32 $0xFFFFFEF7, lr;
	s5 =	simm.s32 $0xFFFFFFFF;
	p2 =	slt.u32 s8, $0xFFFFF086  }
0x1c: {  	p1 =	slt.u32 s9, $0xF7A;
	s5 =	simm.s32 @!p2 $0x0  }
0x1d: {  	s5 =	simm.s32 @p1 $0x1;
	p0 =	seq.s32 s7, s2  }
0x1e: {  	s7 =	smul.u32 @!p0 $0xF7A, s2;
	p2 =	seq.s32 @!p0 s5, $0x0  }
0x1f: {  	s9 =	smul.u32 $0xF7A, s1;
	s8 =	simm.s32 @!p0 $0x1BF5;
	p2 =	por !p2, p0  }
0x20: {  	[sflag:s8] =	ssyncset.s32 @!p0 $0xFFFFF086;
	s6 =	sadd.s32 @!p0 s3, s7;
	s7 =	simm.s32 @!p0 $0x108  }
0x21: {  	s3 =	sadd.s32 s3, s9;
	s6 =	sadd.s32 @!p0 $0x88, s6;
	s7 =	simm.s32 @p2 $0x1082  }
0x22: {  	[simem:s7], [sflag:s8] =	dma.local @!p0 [hbm:s6], $0xF7A  }
0x23: {  	s9 =	sor.u32 $0xD0000000, s2;
	s6 =	simm.s32 $0x108;
	_ =	swait.ge @!p0 [sflag:s8], $0x0  }
0x24: {  	s3 =	sadd.s32 $0x88, s3;
	s6 =	simm.s32 @!p1 $0x1082;
	[sflag:s4] =	ssyncset.s32 $0xFFFFF086  }
0x25: {  	[simem:s6], [sflag:s4] =	dma.local [hbm:s3], $0xF7A  }
0x26: {  	[smem:$0x3F9B] =	sst s1;
	(tag) =	ssettag s2;
	_ =	strace s9  }
0x27: {  	s1 =	sld [smem:$0x3FAB]  }
0x28: {  	s2 =	sld [smem:$0x3FAC]  }
0x29: {  	s4 =	sld [smem:$0x3FAE]  }
0x2a: {  	p0 =	seq.s32 s5, $0x0;
	s5 =	sld [smem:$0x3FAF]  }
0x2b: {  	s6 =	sld [smem:$0x3FB0]  }
0x2c: {  	s7 =	sld [smem:$0x3FB1]  }
0x2d: {  	s3 =	simm.s32 $0x108;
	s8 =	sld [smem:$0x3FB2]  }
0x2e: {  	s3 =	simm.s32 @!p0 $0x1082;
	s9 =	sld [smem:$0x3FB3]  }
0x2f: {  	lr =	sadd.s32 s0, s3;
	s0 =	sld [smem:$0x3FAA]  }
0x30: {  	s3 =	sld [smem:$0x3FAD]  }
0x31: {  	[smem:$0x3FB6] =	sst s10  }
0x32: {  	s10 =	sld [smem:$0x3FB4];
	_ =	sdelay $0x3  }
0x33: {  	p0 =	seq.s32 s10, $0x1;
	s10 =	sld [smem:$0x3FB6];
	_ =	sdelay $0x3  }
0x34: {  	[smem:$0x3FB6] =	sst s10  }
0x35: {  	s10 =	sld [smem:$0x3FB5];
	_ =	sdelay $0x3  }
0x36: {  	p1 =	seq.s32 s10, $0x1;
	s10 =	sld [smem:$0x3FB6];
	_ =	sdelay $0x3  }
0x37: {  	[smem:$0x3FB6] =	sst s10  }
0x38: {  	s10 =	sld [smem:$0x3FB7]  }
0x39: {  	_ = 	snop;
	(pc) =	sbr.ind lr, $3  }
0x3a: {  	_ = 	snop  }
0x3b: {  	_ = 	snop  }
0x3c: {  	p2 =	seq.s32 s10, $0x1;
	s10 =	sld [smem:$0x3FB6]  }
0x3d: {  	_ =	shalt  }
0x3e: {  	_ =	shalt  }
0x3f: {  	_ =	shalt  }
0x40: {  	_ =	shalt  }
0x41: {  	_ =	shalt  }
0x42: {  	_ =	shalt  }
0x43: {  	_ =	shalt  }
0x44: {  	_ =	shalt  }
0x45: {  	_ =	shalt  }
0x46: {  	_ =	shalt  }
0x47: {  	_ =	shalt  }
0x48: {  	_ =	shalt  }
0x49: {  	_ =	shalt  }
0x4a: {  	_ =	shalt  }
0x4b: {  	_ =	shalt  }
0x4c: {  	_ =	shalt  }
0x4d: {  	_ =	shalt  }
0x4e: {  	_ =	shalt  }
0x4f: {  	_ =	shalt  }
0x50: {  	_ =	shalt  }
0x51: {  	_ =	shalt  }
0x52: {  	_ =	shalt  }
0x53: {  	_ =	shalt  }
0x54: {  	_ =	shalt  }
0x55: {  	_ =	shalt  }
0x56: {  	_ =	shalt  }
0x57: {  	_ =	shalt  }
0x58: {  	_ =	shalt  }
0x59: {  	_ =	shalt  }
0x5a: {  	_ =	shalt  }
0x5b: {  	_ =	shalt  }
0x5c: {  	_ =	shalt  }
0x5d: {  	_ =	shalt  }
0x5e: {  	_ =	shalt  }
0x5f: {  	_ =	shalt  }
0x60: {  	_ =	shalt  }
0x61: {  	_ =	shalt  }
0x62: {  	_ =	shalt  }
0x63: {  	_ =	shalt  }
0x64: {  	_ =	shalt  }
0x65: {  	_ =	shalt  }
0x66: {  	_ =	shalt  }
0x67: {  	_ =	shalt  }
0x68: {  	_ =	shalt  }
0x69: {  	_ =	shalt  }
0x6a: {  	_ =	shalt  }
0x6b: {  	_ =	shalt  }
0x6c: {  	_ =	shalt  }
0x6d: {  	_ =	shalt  }
0x6e: {  	_ =	shalt  }
0x6f: {  	_ =	shalt  }
0x70: {  	_ =	shalt  }
0x71: {  	_ =	shalt  }
0x72: {  	_ =	shalt  }
0x73: {  	_ =	shalt  }
0x74: {  	_ =	shalt  }
0x75: {  	_ =	shalt  }
0x76: {  	_ =	shalt  }
0x77: {  	_ =	shalt  }
0x78: {  	_ =	shalt  }
0x79: {  	_ =	shalt  }
0x7a: {  	_ =	shalt  }
0x7b: {  	_ =	shalt  }
0x7c: {  	_ =	shalt  }
0x7d: {  	_ =	shalt  }
0x7e: {  	_ =	shalt  }
0x7f: {  	_ =	shalt  }
0x80: {  	_ =	shalt  }
0x81: {  	_ =	shalt  }
0x82: {  	_ =	shalt  }
0x83: {  	_ =	shalt  }
0x84: {  	_ =	shalt  }
0x85: {  	_ =	shalt  }
0x86: {  	_ =	shalt  }
0x87: {  	_ =	shalt  }
.Lfunc_end0:
.L_simem_size_0:
called_computation.2_lowered:
.L_overlay_start_0:
0x88: {  	s2 =	sld [smem:$0x3FD9]  }
0x89: {  	s3 =	sld [smem:$0x3FFE];
	_ =	sdelay $0x1  }
0x8a: {  	s1 =	srdreg.scid  }
0x8b: {  	s0 =	sand.u32 $0x1, s1  }
0x8c: {  	s17 =	sshll.u32 s0, $0xA;
	s2 =	sadd.s32 s3, s2  }
0x8d: {  	s2 =	sadd.s32 s2, s17  }
0x8e: {  	[smem:$0x3FC2] =	sst s2  }
0x8f: {  	_ = 	snop  }
0x90: {  	s2 =	sld [smem:$0x3FD0];
	(tm) =	ssettm $0x1  }
0x91: {  	s18 =	sld [smem:$0x3FFB];
	_ =	sdelay $0x3  }
0x92: {  	_ =	strace s18  }
0x93: {  	s3 =	sld [smem:$0x3FFC];
	_ =	sdelay $0x3  }
0x94: {  	_ =	strace s3  }
0x95: {  	s3 =	sld [smem:$0x3FFD];
	_ =	sdelay $0x3  }
0x96: {  	_ =	strace s3  }
0x97: {  	_ =	strace $0x8FFFFFFF  }
0x98: {  	s19 =	sld [smem:$0x3FDB];
	_ =	sdelay $0x1  }
0x99: {  	s4 =	simm.s32 $_scs_section_size  }
0x9a: {  	s5 =	simm.s32 $_size__tile_overlayer_lowered;
	s6 =	simm.s32 $_tile_overlayer_lowered  }
0x9b: {  	s22 =	simm.s32 $0x1BFF;
	s21 =	sshll.u32 s6, $0x1;
	s3 =	sadd.s32 s4, s19  }
0x9c: {  	s7 =	simm.s32 $0x0;
	s20 =	sshll.u32 s5, $0x1;
	s5 =	sadd.s32 s21, s3  }
0x9d: {  	[timem:s7], [sflag:s22] =	dma.local [hbm:s5], s20  }
0x9e: {  	_ =	swait.ge [sflag:s22], s20  }
0x9f: {  	s4 =	ssub.s32 $0x0, s20;
	[sflag:s22] =	ssyncset.done $0x0  }
0xa0: {  	[sflag:s22] =	ssyncadd.s32 s4;
	_ =	sdelay $0x1  }
0xa1: {  	s23 =	simm.s32 $0x1B8B  }
0xa2: {  	_ =	swait.ge [sflag:s23], $0x1  }
0xa3: {  	[sflag:s23] =	ssyncset.done $0x0  }
0xa4: {  	s25 =	simm.s32 $0x1B8E;
	s24 =	sld [smem:$0x3FFE];
	[sflag:s23] =	ssyncadd.s32 $0xFFFFFFFF  }
0xa5: {  	s26 =	simm.s32 $execute0_lowered;
	[smem:$0x3FD2] =	sst s25  }
0xa6: {  	s5 =	sshll.u32 s26, $0x1;
	_ =	strace $0x8000004C;
	[dreg:$0x1] =	wrdreg $0xFFFFFFFF  }
0xa7: {  	s28 =	simm.s32 $_size_execute0_lowered;
	s3 =	sadd.s32 s3, s5;
	[dreg:$0x0] =	wrdreg $0x0  }
0xa8: {  	s5 =	sshll.u32 s28, $0x1;
	[dreg:$0x2] =	wrdreg s3  }
0xa9: {  	[dreg:$0x3] =	wrdreg s5  }
0xaa: {  	[dreg:$0x4] =	wrdreg $0xC0  }
0xab: {  	_ =	task [dreg:s7], $0x5FFFF  }
0xac: {  	[dreg:$0x1] =	wrdreg $0xFFFFFFFF  }
0xad: {  	[dreg:$0x0] =	wrdreg $0x60  }
0xae: {  	[dreg:$0x2] =	wrdreg s24  }
0xaf: {  	[dreg:$0x3] =	wrdreg s2  }
0xb0: {  	[dreg:$0x4] =	wrdreg $0x82000  }
0xb1: {  	[dreg:$0x5] =	wrdreg $0x9  }
0xb2: {  	_ =	task.clear_ibuf [dreg:s7], $0x6FFFF;
	_ =	strace $0x9000004C  }
0xb3: {  	s29 =	simm.s32 $0x9;
	_ =	strace $0x8000004E  }
0xb4: {  	_ =	swait.ge [sflag:s29], $0x1  }
0xb5: {  	[sflag:s29] =	ssyncadd.s32 $0xFFFFFFFF  }
0xb6: {  	_ =	strace $0x9000004E  }
0xb7: {  	_ =	sfence  }
0xb8: {  	s30 =	sld [smem:$0x0];
	_ =	sdelay $0x2  }
0xb9: {  	s31 =	sshll.u32 s1, $0xD;
	s1 =	sshrl.u32 s1, $0x2  }
0xba: {  	s3 =	sand.u32 $0x4000, s31;
	s1 =	sadd.s32 s1, s30  }
0xbb: {  	s0 =	sor.u32 s3, s0;
	s1 =	sshll.u32 s1, $0x11  }
0xbc: {  	s0 =	sor.u32 s1, s0  }
0xbd: {  	s0 =	sadd.s32 $0x8F2B, s0  }
0xbe: {  	[sflag:s0] =	ssyncadd.remote.s32 $0x1  }
0xbf: {  	_ =	sfence.sel $0xFFFF  }
0xc0: {  	[dreg:$0x0] =	wrdreg $0xFFFFFFFF;
	(pc) =	sbr.abs _section_cstart, $3  }
0xc1: {  	[dreg:$0x1] =	wrdreg $0xFFFFFFFF  }
0xc2: {  	_ =	task.clear_ibuf [dreg:s7], $0x2FFFF;
	_ =	strace $0x9FFFFFFF  }
0xc3: {  	(tm) =	ssettm $0x7FFFFFFF  }
tec
execute0_lowered:
.L_overlay_start_1:
0x0: {  	(tag) =	ssettag $0x1  }
0x1: {  	s0 =	rddreg [dreg:$0x0]  }
0x2: {  	s3 =	rddreg [dreg:$0x1]  }
0x3: {  	s1 =	rddreg [dreg:$0x2];
	s2 =	simm.s32 $0x0;
	s4 =	srdreg.scid  }
0x4: {  	s14 =	stileid.u32;
	[smem:$0x7FF] =	sst s2  }
0x5: {  	s20 =	sadd.s32 $0x5F200, s0;
	s30 =	sadd.s32 $0x87200, s0;
	s4 =	sand.u32 $0x1, s4  }
0x6: {  	s5 =	sadd.s32 $0x5A200, s0;
	s7 =	sadd.s32 $0x9200, s0;
	s11 =	smul.u32 $0x2800, s14  }
0x7: {  	s9 =	sadd.s32 $0xAF200, s0;
	s0 =	sadd.s32 $0xD7200, s0;
	s13 =	smul.u32 $0x50000, s14  }
0x8: {  	s17 =	smul.u32 $0x1400, s14;
	_ =	strace $0x8000004D;
	s6 =	sshll.u32 s4, $0x4  }
0x9: {  	s8 =	ssub.s32 $0x2, s4;
	p0 =	seq.s32 s4, $0x0;
	s16 =	smul.u32 $0x14000, s4  }
0xa: {  	p1 =	sne.s32 s4, $0x0;
	s6 =	sor.u32 s14, s6;
	s10 =	sshrl.u32 s8, $0x1  }
0xb: {  	s19 =	sadd.s32 s20, s11;
	s18 =	sshrl.u32 s13, $0x2;
	s6 =	smul.u32 $0x1400, s6  }
0xc: {  	s8 =	ssub.s32 s8, s10;
	s10 =	smul.u32 $0x280, s14;
	s19 =	smov.u32 @p1 s7  }
0xd: {  	s0 =	smov.u32 @p0 s9;
	s8 =	smax.u32 s8, $0x1;
	[dreg:$0x9] =	wrdreg s19  }
0xe: {  	s6 =	sshrl.u32 s6, $0x3;
	[dreg:$0x8] =	wrdreg s8;
	s21 =	sadd.s32 $0x80, s10  }
0xf: {  	s9 =	sadd.s32 $0x200, s10;
	s8 =	simm.s32 $0x4200;
	s12 =	sadd.s32 s5, s6  }
0x10: {  	s26 =	sor.u32 $0x10, s6;
	s6 =	sadd.s32 s3, s6;
	[dreg:$0x4] =	wrdreg s12  }
0x11: {  	s22 =	sshll.u32 s21, $0x7;
	s23 =	sshll.u32 s21, $0x4;
	[dreg:$0x5] =	wrdreg s6  }
0x12: {  	s15 =	sadd.s32 s5, s26;
	s12 =	sadd.s32 s3, s26;
	s6 =	sadd.s32 s17, s16  }
0x13: {  	s13 =	sadd.s32 s22, s1;
	s26 =	sadd.s32 $0x180, s10;
	[dreg:$0x6] =	wrdreg s15  }
0x14: {  	s21 =	sadd.s32 s0, s23;
	[dreg:$0x7] =	wrdreg s12;
	s12 =	sadd.s32 s18, s1  }
0x15: {  	s24 =	sor.u32 $0x180, s6;
	s18 =	sadd.s32 $0x100, s10;
	s6 =	sor.u32 $0x100, s6  }
0x16: {  	s7 =	sshll.u32 s26, $0x7;
	s4 =	sshll.u32 s26, $0x4;
	s10 =	sadd.s32 s0, s11  }
0x17: {  	s11 =	sadd.s32 s20, s23;
	[dreg:$0xc] =	wrdreg s21;
	s26 =	sshll.u32 s9, $0x7  }
0x18: {  	s15 =	sshrl.u32 s24, $0x3;
	s6 =	sshrl.u32 s6, $0x3;
	[dreg:$0xa] =	wrdreg s10  }
0x19: {  	s25 =	sshll.u32 s18, $0x4;
	s19 =	sadd.s32 s7, s1;
	[dreg:$0xb] =	wrdreg s11  }
0x1a: {  	s23 =	sadd.s32 s20, s4;
	s24 =	sadd.s32 s0, s4;
	s31 =	sadd.s32 s26, s1  }
0x1b: {  	s7 =	simm.s32 $0x180;
	s10 =	simm.s32 $0x2;
	s11 =	simm.s32 $0x4  }
0x1c: {  	s14 =	sadd.s32 s15, s3;
	s15 =	sadd.s32 s15, s5;
	s16 =	sadd.s32 s6, s3  }
0x1d: {  	s17 =	sadd.s32 s6, s5;
	s6 =	sshll.u32 s18, $0x7;
	[dreg:$0xf] =	wrdreg s23  }
0x1e: {  	s22 =	sadd.s32 s20, s25;
	s3 =	sadd.s32 s0, s25;
	[dreg:$0x10] =	wrdreg s24  }
0x1f: {  	s25 =	sshll.u32 s9, $0x4;
	s24 =	smov.u32 s20;
	s5 =	simm.s32 $0x100  }
0x20: {  	s9 =	simm.s32 $0x1;
	s18 =	sadd.s32 s6, s1;
	[dreg:$0xd] =	wrdreg s22  }
0x21: {  	[dreg:$0xe] =	wrdreg s3;
	s28 =	sadd.s32 s0, s25;
	s29 =	sadd.s32 s20, s25  }
0x22: {  	s25 =	smov.u32 s30;
	s30 =	smov.u32 @p0 s20;
	s0 =	simm.s32 $0x200  }
0x23: {  	s3 =	simm.s32 $0x3;
	s6 =	simm.s32 $0x80;
	s20 =	simm.s32 $0x0  }
.LBB2_1:
0x24: {  	s4 =	rddreg [dreg:$0x9]  }
0x25: {  	[tilespmem:s0], [sflag:$0x3] =	stream.linear.gather [hbm4b:s4+s2], $0x4000, $0x38;
	[tilespmem:$0x1C200] =	vst v63  }
0x26: {  	_ =	swait.ge [sflag:s3], $0x4000  }
0x27: {  	[sflag:s3] =	ssyncset.done $0x0  }
0x28: {  	[sflag:s3] =	ssyncadd.s32 $0xFFFFC000  }
0x29: {  	[spmem:s12] =	stream.linear.scatter [tilespmem:s0], [sflag:$0x3], $0x4000, $0x38;
	[tilespmem:$0x1C200] =	vst v63  }
0x2a: {  	_ =	swait.ge [sflag:s3], $0x4000  }
0x2b: {  	[sflag:s3] =	ssyncset.done $0x0  }
0x2c: {  	s4 =	simm.s32 @p1 $0x200;
	[sflag:s3] =	ssyncadd.s32 $0xFFFFC000  }
0x2d: {  	[spmem:s13] =	stream.linear.scatter @p1 [tilespmem:s4], [sflag:$0x3], $0x4000, $0x38;
	[tilespmem:$0x1C200] =	vst v63  }
0x2e: {  	s21 =	simm.s32 @!p1 $0x0;
	s22 =	simm.s32 @!p1 $0x200;
	s23 =	rddreg [dreg:$0xb]  }
0x2f: {  	[tilespmem:s22], [sflag:$0x3] =	stream.linear.gather @!p1 [hbm4b:s23+s21], $0x4000, $0x38;
	[tilespmem:$0x1C200] =	vst v63  }
0x30: {  	s23 =	simm.s32 @!p1 $0x3  }
0x31: {  	_ =	swait.ge @!p1 [sflag:s23], $0x4000  }
0x32: {  	[sflag:s23] =	ssyncset.done @!p1 $0x0  }
0x33: {  	[sflag:s23] =	ssyncadd.s32 @!p1 $0xFFFFC000  }
0x34: {  	[spmem:s13] =	stream.linear.scatter @!p1 [tilespmem:s22], [sflag:$0x3], $0x4000, $0x38;
	[tilespmem:$0x1C200] =	vst v63  }
0x35: {  	_ =	swait.ge @!p1 [sflag:s23], $0x4000  }
0x36: {  	[sflag:s23] =	ssyncset.done @!p1 $0x0  }
0x37: {  	s26 =	rddreg [dreg:$0xd];
	[sflag:s23] =	ssyncadd.s32 @!p1 $0xFFFFC000  }
0x38: {  	[tilespmem:s22], [sflag:$0x3] =	stream.linear.gather @!p1 [hbm4b:s26+s21], $0x4000, $0x38;
	[tilespmem:$0x1C200] =	vst v63  }
0x39: {  	_ =	swait.ge [sflag:s3], $0x4000  }
0x3a: {  	[sflag:s3] =	ssyncset.done $0x0  }
0x3b: {  	[sflag:s3] =	ssyncadd.s32 $0xFFFFC000  }
0x3c: {  	[spmem:s18] =	stream.linear.scatter [tilespmem:s0], [sflag:$0x3], $0x4000, $0x38;
	[tilespmem:$0x1C200] =	vst v63  }
0x3d: {  	_ =	swait.ge [sflag:s3], $0x4000  }
0x3e: {  	[sflag:s3] =	ssyncset.done $0x0  }
0x3f: {  	[sflag:s3] =	ssyncadd.s32 $0xFFFFC000  }
0x40: {  	[spmem:s19] =	stream.linear.scatter @p1 [tilespmem:s4], [sflag:$0x3], $0x4000, $0x38;
	[tilespmem:$0x1C200] =	vst v63  }
0x41: {  	s4 =	rddreg [dreg:$0xf]  }
0x42: {  	[tilespmem:s22], [sflag:$0x3] =	stream.linear.gather @!p1 [hbm4b:s4+s21], $0x4000, $0x38;
	[tilespmem:$0x1C200] =	vst v63  }
0x43: {  	_ =	swait.ge @!p1 [sflag:s23], $0x4000  }
0x44: {  	[sflag:s23] =	ssyncset.done @!p1 $0x0  }
0x45: {  	[sflag:s23] =	ssyncadd.s32 @!p1 $0xFFFFC000  }
0x46: {  	[spmem:s19] =	stream.linear.scatter @!p1 [tilespmem:s22], [sflag:$0x3], $0x4000, $0x38;
	[tilespmem:$0x1C200] =	vst v63  }
0x47: {  	_ =	swait.ge @!p1 [sflag:s23], $0x4000  }
0x48: {  	[sflag:s23] =	ssyncset.done @!p1 $0x0  }
0x49: {  	[sflag:s23] =	ssyncadd.s32 @!p1 $0xFFFFC000  }
0x4a: {  	[tilespmem:s22], [sflag:$0x3] =	stream.linear.gather @!p1 [hbm4b:s29+s21], $0x4000, $0x38;
	[tilespmem:$0x1C200] =	vst v63  }
0x4b: {  	_ =	swait.ge [sflag:s3], $0x4000  }
0x4c: {  	[sflag:s3] =	ssyncset.done $0x0  }
0x4d: {  	[sflag:s3] =	ssyncadd.s32 $0xFFFFC000  }
0x4e: {  	[spmem:s31] =	stream.linear.scatter [tilespmem:s0], [sflag:$0x3], $0x4000, $0x38;
	[tilespmem:$0x1C200] =	vst v63  }
0x4f: {  	_ =	swait.ge [sflag:s3], $0x4000  }
0x50: {  	[sflag:s3] =	ssyncset.done $0x0  }
0x51: {  	[sflag:s3] =	ssyncadd.s32 $0xFFFFC000  }
0x52: {  	[bflag:$0x0] =	sbarrier.arrive $0xFFFF  }
0x53: {  	s21 =	rddreg [dreg:$0x4]  }
0x54: {  	[tilespmem:s2], [sflag:$0x3] =	stream.linear.gather [hbm4b:s21+s2], $0x80, $0x38;
	[tilespmem:$0x1C200] =	vst v63  }
0x55: {  	_ =	swait.ge [sflag:s3], $0x80  }
0x56: {  	[sflag:s3] =	ssyncset.done $0x0  }
0x57: {  	s22 =	rddreg [dreg:$0x5];
	[sflag:s3] =	ssyncadd.s32 $0xFFFFFF80  }
0x58: {  	[tilespmem:s5], [sflag:$0x3] =	stream.linear.gather [hbm4b:s22+s2], $0x80, $0x38;
	[tilespmem:$0x1C200] =	vst v63  }
0x59: {  	_ =	swait.ge [sflag:s3], $0x80  }
0x5a: {  	s4 =	smov.u32 s24;
	[sflag:s3] =	ssyncset.done $0x0  }
0x5b: {  	s4 =	smov.u32 @p1 s25;
	[sflag:s3] =	ssyncadd.s32 $0xFFFFFF80  }
0x5c: {  	[tilespmem:s0], [sflag:$0x1] =	stream.indirect.gather [hbm4b:s4+s6], $0x80, s2, s6, $0xb8;
	[tilespmem:$0x1C200] =	vst v63  }
0x5d: {  	s23 =	rddreg [dreg:$0x6]  }
0x5e: {  	[tilespmem:s6], [sflag:$0x3] =	stream.linear.gather [hbm4b:s23+s2], $0x80, $0x38;
	[tilespmem:$0x1C200] =	vst v63  }
0x5f: {  	_ =	swait.ge [sflag:s3], $0x80  }
0x60: {  	[sflag:s3] =	ssyncset.done $0x0  }
0x61: {  	s26 =	rddreg [dreg:$0x7];
	[sflag:s3] =	ssyncadd.s32 $0xFFFFFF80  }
0x62: {  	[tilespmem:s7], [sflag:$0x3] =	stream.linear.gather [hbm4b:s26+s2], $0x80, $0x38;
	[tilespmem:$0x1C200] =	vst v63  }
0x63: {  	_ =	swait.ge [sflag:s3], $0x80  }
0x64: {  	[sflag:s3] =	ssyncset.done $0x0  }
0x65: {  	[sflag:s3] =	ssyncadd.s32 $0xFFFFFF80  }
0x66: {  	[tilespmem:s8], [sflag:$0x2] =	stream.indirect.gather [hbm4b:s4+s6], $0x80, s6, s6, $0xb8;
	[tilespmem:$0x1C200] =	vst v63  }
0x67: {  	_ =	swait.ge [sflag:s9], $0x4000  }
0x68: {  	[sflag:s9] =	ssyncset.done $0x0  }
0x69: {  	[sflag:s9] =	ssyncadd.s32 $0xFFFFC000  }
0x6a: {  	[spmem:s1] =	stream.indirect.scatter.add.f32 [tilespmem:s0], [sflag:$0x3], $0x80, s5, s6, $0xb8;
	[tilespmem:$0x1C200] =	vst v63  }
0x6b: {  	_ =	swait.ge [sflag:s3], $0x4000  }
0x6c: {  	[sflag:s3] =	ssyncset.done $0x0  }
0x6d: {  	s21 =	sadd.s32 $0x0, s17;
	[sflag:s3] =	ssyncadd.s32 $0xFFFFC000  }
0x6e: {  	[tilespmem:s2], [sflag:$0x3] =	stream.linear.gather [hbm4b:s21+s2], $0x80, $0x38;
	[tilespmem:$0x1C200] =	vst v63  }
0x6f: {  	_ =	swait.ge [sflag:s3], $0x80  }
0x70: {  	[sflag:s3] =	ssyncset.done $0x0  }
0x71: {  	s22 =	sadd.s32 $0x0, s16;
	[sflag:s3] =	ssyncadd.s32 $0xFFFFFF80  }
0x72: {  	[tilespmem:s5], [sflag:$0x3] =	stream.linear.gather [hbm4b:s22+s2], $0x80, $0x38;
	[tilespmem:$0x1C200] =	vst v63  }
0x73: {  	_ =	swait.ge [sflag:s3], $0x80  }
0x74: {  	[sflag:s3] =	ssyncset.done $0x0  }
0x75: {  	[sflag:s3] =	ssyncadd.s32 $0xFFFFFF80  }
0x76: {  	[tilespmem:s0], [sflag:$0x1] =	stream.indirect.gather [hbm4b:s30+s6], $0x80, s2, s6, $0xb8;
	[tilespmem:$0x1C200] =	vst v63  }
0x77: {  	_ =	swait.ge [sflag:s10], $0x4000  }
0x78: {  	[sflag:s10] =	ssyncset.done $0x0  }
0x79: {  	[sflag:s10] =	ssyncadd.s32 $0xFFFFC000  }
0x7a: {  	[spmem:s1] =	stream.indirect.scatter.add.f32 [tilespmem:s8], [sflag:$0x3], $0x80, s7, s6, $0xb8;
	[tilespmem:$0x1C200] =	vst v63  }
0x7b: {  	_ =	swait.ge [sflag:s3], $0x4000  }
0x7c: {  	[sflag:s3] =	ssyncset.done $0x0  }
0x7d: {  	s23 =	sadd.s32 $0x0, s15;
	[sflag:s3] =	ssyncadd.s32 $0xFFFFC000  }
0x7e: {  	[tilespmem:s6], [sflag:$0x3] =	stream.linear.gather [hbm4b:s23+s2], $0x80, $0x38;
	[tilespmem:$0x1C200] =	vst v63  }
0x7f: {  	_ =	swait.ge [sflag:s3], $0x80  }
0x80: {  	[sflag:s3] =	ssyncset.done $0x0  }
0x81: {  	s26 =	sadd.s32 $0x0, s14;
	[sflag:s3] =	ssyncadd.s32 $0xFFFFFF80  }
0x82: {  	[tilespmem:s7], [sflag:$0x3] =	stream.linear.gather [hbm4b:s26+s2], $0x80, $0x38;
	[tilespmem:$0x1C200] =	vst v63  }
0x83: {  	_ =	swait.ge [sflag:s3], $0x80  }
0x84: {  	[sflag:s3] =	ssyncset.done $0x0  }
0x85: {  	s4 =	simm.s32 $0x20;
	[sflag:s3] =	ssyncadd.s32 $0xFFFFFF80  }
.LBB2_2:
0x86: {  	[tilespmem:s8], [sflag:$0x2] =	stream.indirect.gather [hbm4b:s30+s6], $0x80, s6, s6, $0xb8;
	[tilespmem:$0x1C200] =	vst v63  }
0x87: {  	s21 =	smov.u32 s4  }
0x88: {  	p2 =	sne.s32 s4, $0x240;
	s4 =	sadd.s32 $0x20, s4;
	_ =	swait.ge [sflag:s9], $0x4000  }
0x89: {  	[sflag:s9] =	ssyncset.done $0x0  }
0x8a: {  	[sflag:s9] =	ssyncadd.s32 $0xFFFFC000  }
0x8b: {  	[spmem:s1] =	stream.indirect.scatter.add.f32 [tilespmem:s0], [sflag:$0x3], $0x80, s5, s6, $0xb8;
	[tilespmem:$0x1C200] =	vst v63  }
0x8c: {  	_ =	swait.ge [sflag:s3], $0x4000  }
0x8d: {  	[sflag:s3] =	ssyncset.done $0x0  }
0x8e: {  	s22 =	sadd.s32 s21, s17;
	[sflag:s3] =	ssyncadd.s32 $0xFFFFC000  }
0x8f: {  	[tilespmem:s2], [sflag:$0x3] =	stream.linear.gather [hbm4b:s22+s2], $0x80, $0x38;
	[tilespmem:$0x1C200] =	vst v63  }
0x90: {  	_ =	swait.ge [sflag:s3], $0x80  }
0x91: {  	[sflag:s3] =	ssyncset.done $0x0  }
0x92: {  	s22 =	sadd.s32 s21, s16;
	[sflag:s3] =	ssyncadd.s32 $0xFFFFFF80  }
0x93: {  	[tilespmem:s5], [sflag:$0x3] =	stream.linear.gather [hbm4b:s22+s2], $0x80, $0x38;
	[tilespmem:$0x1C200] =	vst v63  }
0x94: {  	_ =	swait.ge [sflag:s3], $0x80  }
0x95: {  	[sflag:s3] =	ssyncset.done $0x0  }
0x96: {  	[sflag:s3] =	ssyncadd.s32 $0xFFFFFF80  }
0x97: {  	[tilespmem:s0], [sflag:$0x1] =	stream.indirect.gather [hbm4b:s30+s6], $0x80, s2, s6, $0xb8;
	[tilespmem:$0x1C200] =	vst v63  }
0x98: {  	_ =	swait.ge [sflag:s10], $0x4000  }
0x99: {  	[sflag:s10] =	ssyncset.done $0x0  }
0x9a: {  	[sflag:s10] =	ssyncadd.s32 $0xFFFFC000  }
0x9b: {  	[spmem:s1] =	stream.indirect.scatter.add.f32 [tilespmem:s8], [sflag:$0x3], $0x80, s7, s6, $0xb8;
	[tilespmem:$0x1C200] =	vst v63  }
0x9c: {  	_ =	swait.ge [sflag:s3], $0x4000  }
0x9d: {  	[sflag:s3] =	ssyncset.done $0x0  }
0x9e: {  	s22 =	sadd.s32 s21, s15;
	[sflag:s3] =	ssyncadd.s32 $0xFFFFC000  }
0x9f: {  	[tilespmem:s6], [sflag:$0x3] =	stream.linear.gather [hbm4b:s22+s2], $0x80, $0x38;
	[tilespmem:$0x1C200] =	vst v63  }
0xa0: {  	_ =	swait.ge [sflag:s3], $0x80  }
0xa1: {  	[sflag:s3] =	ssyncset.done $0x0  }
.Ltmp0:
0xa2: {  	s21 =	sadd.s32 s21, s14;
	[sflag:s3] =	ssyncadd.s32 $0xFFFFFF80;
	(pc) =	sbr.rel @p2 .LBB2_2-.Ltmp0, $4  }
0xa3: {  	[tilespmem:s7], [sflag:$0x3] =	stream.linear.gather [hbm4b:s21+s2], $0x80, $0x38;
	[tilespmem:$0x1C200] =	vst v63  }
0xa4: {  	_ =	swait.ge [sflag:s3], $0x80  }
0xa5: {  	[sflag:s3] =	ssyncset.done $0x0  }
0xa6: {  	[sflag:s3] =	ssyncadd.s32 $0xFFFFFF80  }
0xa7: {  	[tilespmem:s8], [sflag:$0x2] =	stream.indirect.gather [hbm4b:s30+s6], $0x80, s6, s6, $0xb8;
	[tilespmem:$0x1C200] =	vst v63  }
0xa8: {  	_ =	swait.ge [sflag:s9], $0x4000  }
0xa9: {  	[sflag:s9] =	ssyncset.done $0x0  }
0xaa: {  	[sflag:s9] =	ssyncadd.s32 $0xFFFFC000  }
0xab: {  	[spmem:s1] =	stream.indirect.scatter.add.f32 [tilespmem:s0], [sflag:$0x3], $0x80, s5, s6, $0xb8;
	[tilespmem:$0x1C200] =	vst v63  }
0xac: {  	_ =	swait.ge [sflag:s3], $0x4000  }
0xad: {  	[sflag:s3] =	ssyncset.done $0x0  }
0xae: {  	[sflag:s3] =	ssyncadd.s32 $0xFFFFC000  }
0xaf: {  	_ =	swait.ge [sflag:s10], $0x4000  }
0xb0: {  	[sflag:s10] =	ssyncset.done $0x0  }
0xb1: {  	[sflag:s10] =	ssyncadd.s32 $0xFFFFC000  }
0xb2: {  	[spmem:s1] =	stream.indirect.scatter.add.f32 [tilespmem:s8], [sflag:$0x3], $0x80, s7, s6, $0xb8;
	[tilespmem:$0x1C200] =	vst v63  }
0xb3: {  	_ =	swait.ge [sflag:s3], $0x4000  }
0xb4: {  	[sflag:s3] =	ssyncset.done $0x0  }
0xb5: {  	[sflag:s3] =	ssyncadd.s32 $0xFFFFC000  }
0xb6: {  	[bflag:$0x0] =	sbarrier.arrive $0xFFFF  }
0xb7: {  	[tilespmem:s0], [sflag:$0x4] =	stream.linear.gather [spmem:s12], $0x4000, $0x38;
	[tilespmem:$0x1C200] =	vst v63  }
0xb8: {  	_ =	swait.ge [sflag:s11], $0x4000  }
0xb9: {  	s4 =	simm.s32 $0x4;
	[sflag:s11] =	ssyncset.done $0x0  }
0xba: {  	s4 =	simm.s32 @!p0 $0x3;
	s21 =	rddreg [dreg:$0xa];
	[sflag:s11] =	ssyncadd.s32 $0xFFFFC000  }
0xbb: {  	[hbm4b:s21+s2] =	stream.linear.scatter [tilespmem:s0], [sflag:s4], $0x4000, $0x38;
	[tilespmem:$0x1C200] =	vst v63  }
0xbc: {  	_ =	swait.ge [sflag:s4], $0x4000  }
0xbd: {  	[sflag:s4] =	ssyncset.done $0x0  }
0xbe: {  	[sflag:s4] =	ssyncadd.s32 $0xFFFFC000  }
0xbf: {  	[tilespmem:s0], [sflag:$0x4] =	stream.linear.gather [spmem:s13], $0x4000, $0x38;
	[tilespmem:$0x1C200] =	vst v63  }
0xc0: {  	_ =	swait.ge [sflag:s11], $0x4000  }
0xc1: {  	[sflag:s11] =	ssyncset.done $0x0  }
0xc2: {  	s26 =	rddreg [dreg:$0xc];
	[sflag:s11] =	ssyncadd.s32 $0xFFFFC000  }
0xc3: {  	[hbm4b:s26+s2] =	stream.linear.scatter [tilespmem:s0], [sflag:s4], $0x4000, $0x38;
	[tilespmem:$0x1C200] =	vst v63  }
0xc4: {  	_ =	swait.ge [sflag:s4], $0x4000  }
0xc5: {  	[sflag:s4] =	ssyncset.done $0x0  }
0xc6: {  	[sflag:s4] =	ssyncadd.s32 $0xFFFFC000  }
0xc7: {  	[tilespmem:s0], [sflag:$0x4] =	stream.linear.gather [spmem:s18], $0x4000, $0x38;
	[tilespmem:$0x1C200] =	vst v63  }
0xc8: {  	_ =	swait.ge [sflag:s11], $0x4000  }
0xc9: {  	[sflag:s11] =	ssyncset.done $0x0  }
0xca: {  	s22 =	rddreg [dreg:$0xe];
	[sflag:s11] =	ssyncadd.s32 $0xFFFFC000  }
0xcb: {  	[hbm4b:s22+s2] =	stream.linear.scatter [tilespmem:s0], [sflag:s4], $0x4000, $0x38;
	[tilespmem:$0x1C200] =	vst v63  }
0xcc: {  	_ =	swait.ge [sflag:s4], $0x4000  }
0xcd: {  	[sflag:s4] =	ssyncset.done $0x0  }
0xce: {  	[sflag:s4] =	ssyncadd.s32 $0xFFFFC000  }
0xcf: {  	[tilespmem:s0], [sflag:$0x4] =	stream.linear.gather [spmem:s19], $0x4000, $0x38;
	[tilespmem:$0x1C200] =	vst v63  }
0xd0: {  	_ =	swait.ge [sflag:s11], $0x4000  }
0xd1: {  	[sflag:s11] =	ssyncset.done $0x0  }
0xd2: {  	s23 =	rddreg [dreg:$0x10];
	[sflag:s11] =	ssyncadd.s32 $0xFFFFC000  }
0xd3: {  	[hbm4b:s23+s2] =	stream.linear.scatter [tilespmem:s0], [sflag:s4], $0x4000, $0x38;
	[tilespmem:$0x1C200] =	vst v63  }
0xd4: {  	_ =	swait.ge [sflag:s4], $0x4000  }
0xd5: {  	[sflag:s4] =	ssyncset.done $0x0  }
0xd6: {  	[sflag:s4] =	ssyncadd.s32 $0xFFFFC000  }
0xd7: {  	[tilespmem:s0], [sflag:$0x4] =	stream.linear.gather [spmem:s31], $0x4000, $0x38;
	[tilespmem:$0x1C200] =	vst v63  }
0xd8: {  	_ =	swait.ge [sflag:s11], $0x4000  }
0xd9: {  	[sflag:s11] =	ssyncset.done $0x0  }
0xda: {  	[sflag:s11] =	ssyncadd.s32 $0xFFFFC000  }
0xdb: {  	[hbm4b:s28+s2] =	stream.linear.scatter [tilespmem:s0], [sflag:s4], $0x4000, $0x38;
	[tilespmem:$0x1C200] =	vst v63  }
0xdc: {  	_ =	swait.ge [sflag:s4], $0x4000  }
0xdd: {  	s20 =	sadd.s32 $0x1, s20;
	s26 =	rddreg [dreg:$0x8]  }
0xde: {  	p2 =	sne.s32 s20, s26  }
.Ltmp1:
0xdf: {  	_ = 	snop;
	(pc) =	sbr.rel @p2 .LBB2_1-.Ltmp1, $3  }
0xe0: {  	_ =	sdelay $0x1  }
0xe1: {  	[sflag:s4] =	ssyncset.done $0x0  }
0xe2: {  	[sflag:s4] =	ssyncadd.s32 $0xFFFFC000  }
0xe3: {  	_ =	sfence.sel $0x180000  }
0xe4: {  	[bflag:$0x0] =	sbarrier.arrive $0xFFFF  }
0xe5: {  	_ =	strace $0x9000004D  }
0xe6: {  	s0 =	stileid.u32;
	[bflag:$0x2] =	sbarrier.arrive $0xFFFF  }
0xe7: {  	p0 =	sne.s32 s0, $0x0;
	s0 =	rddreg [dreg:$0x3]  }
0xe8: {  	s0 =	sadd.s32 @!p0 $0x100000, s0  }
0xe9: {  	[sflag:s0] =	ssyncadd.tile.s32 @!p0 $0x1;
	_ =	shalt  }
.Lfunc_end2:
_tile_overlayer_lowered:
.L_overlay_start_2:
0xea: {  	(tag) =	ssettag $0x2  }
0xeb: {  	s0 =	rddreg [dreg:$0x0];
	s2 =	stileid.u32  }
0xec: {  	s1 =	rddreg [dreg:$0x1];
	p0 =	sne.s32 s2, $0x0  }
0xed: {  	s3 =	rddreg [dreg:$0x2];
	[bflag:$0x3] =	sbarrier.arrive $0xFFFF;
	s2 =	simm.s32 @!p0 $0x1C03  }
0xee: {  	[timem:s3], [sflag:s2] =	dma.local @!p0 [hbm:s0], s1  }
0xef: {  	s0 =	simm.s32 @!p0 $0x3  }
0xf0: {  	_ =	swait.ge @!p0 [sflag:s0], s1  }
0xf1: {  	s1 =	ssub.s32 @!p0 $0x0, s1;
	[sflag:s0] =	ssyncset.done @!p0 $0x0  }
0xf2: {  	[sflag:s0] =	ssyncadd.s32 @!p0 s1  }
0xf3: {  	[bflag:$0x3] =	sbarrier.arrive $0xFFFF  }
0xf4: {  	_ =	shalt  }

// kernel: kernel.8.cloned.1.call-start
scs
__scs_entry_jumppad:
0x0: {  	(pc) =	sbr.rel $0x88, $3  }
0x1: {  	(tag) =	ssettag $0x0;
	lr =	simm.s32 $0x1  }
0x2: {  	[smem:$0x3F9B] =	sst lr;
	_ =	strace $0xD0000000  }
0x3: {  	_ = 	snop  }
0x4: {  	_ = 	snop  }
0x5: {  	_ = 	snop  }
0x6: {  	_ = 	snop  }
0x7: {  	_ = 	snop  }
__scs_overlays_trampoline_lowered:
0x8: {  	[smem:$0x3FAA] =	sst s0  }
0x9: {  	[smem:$0x3FAB] =	sst s1  }
0xa: {  	[smem:$0x3FAC] =	sst s2  }
0xb: {  	[smem:$0x3FAD] =	sst s3  }
0xc: {  	[smem:$0x3FAE] =	sst s4  }
0xd: {  	[smem:$0x3FAF] =	sst s5  }
0xe: {  	[smem:$0x3FB0] =	sst s6  }
0xf: {  	[smem:$0x3FB1] =	sst s7  }
0x10: {  	[smem:$0x3FB2] =	sst s8  }
0x11: {  	[smem:$0x3FB3] =	sst s9;
	s0 =	simm.s32 @!p0 $0x0  }
0x12: {  	s1 =	sld [smem:$0x3F99];
	s0 =	simm.s32 @p0 $0x1  }
0x13: {  	[smem:$0x3FB4] =	sst s0;
	s0 =	simm.s32 @!p1 $0x0  }
0x14: {  	s2 =	sld [smem:$0x3F98];
	s0 =	simm.s32 @p1 $0x1  }
0x15: {  	[smem:$0x3FB5] =	sst s0;
	s0 =	simm.s32 @!p2 $0x0  }
0x16: {  	s3 =	sld [smem:$0x3FDB];
	s0 =	simm.s32 @p2 $0x1  }
0x17: {  	s4 =	simm.s32 $0x1BF5;
	[smem:$0x3FB7] =	sst s0  }
0x18: {  	s0 =	sld [smem:$0x3F9A];
	_ =	swait.ge [sflag:s4], $0x0  }
0x19: {  	s7 =	sld [smem:$0x3F9B]  }
0x1a: {  	s8 =	sadd.s32 $0xFFFFE003, lr  }
0x1b: {  	s9 =	sadd.s32 $0xFFFFFEF7, lr;
	s5 =	simm.s32 $0xFFFFFFFF;
	p2 =	slt.u32 s8, $0xFFFFF086  }
0x1c: {  	p1 =	slt.u32 s9, $0xF7A;
	s5 =	simm.s32 @!p2 $0x0  }
0x1d: {  	s5 =	simm.s32 @p1 $0x1;
	p0 =	seq.s32 s7, s2  }
0x1e: {  	s7 =	smul.u32 @!p0 $0xF7A, s2;
	p2 =	seq.s32 @!p0 s5, $0x0  }
0x1f: {  	s9 =	smul.u32 $0xF7A, s1;
	s8 =	simm.s32 @!p0 $0x1BF5;
	p2 =	por !p2, p0  }
0x20: {  	[sflag:s8] =	ssyncset.s32 @!p0 $0xFFFFF086;
	s6 =	sadd.s32 @!p0 s3, s7;
	s7 =	simm.s32 @!p0 $0x108  }
0x21: {  	s3 =	sadd.s32 s3, s9;
	s6 =	sadd.s32 @!p0 $0x88, s6;
	s7 =	simm.s32 @p2 $0x1082  }
0x22: {  	[simem:s7], [sflag:s8] =	dma.local @!p0 [hbm:s6], $0xF7A  }
0x23: {  	s9 =	sor.u32 $0xD0000000, s2;
	s6 =	simm.s32 $0x108;
	_ =	swait.ge @!p0 [sflag:s8], $0x0  }
0x24: {  	s3 =	sadd.s32 $0x88, s3;
	s6 =	simm.s32 @!p1 $0x1082;
	[sflag:s4] =	ssyncset.s32 $0xFFFFF086  }
0x25: {  	[simem:s6], [sflag:s4] =	dma.local [hbm:s3], $0xF7A  }
0x26: {  	[smem:$0x3F9B] =	sst s1;
	(tag) =	ssettag s2;
	_ =	strace s9  }
0x27: {  	s1 =	sld [smem:$0x3FAB]  }
0x28: {  	s2 =	sld [smem:$0x3FAC]  }
0x29: {  	s4 =	sld [smem:$0x3FAE]  }
0x2a: {  	p0 =	seq.s32 s5, $0x0;
	s5 =	sld [smem:$0x3FAF]  }
0x2b: {  	s6 =	sld [smem:$0x3FB0]  }
0x2c: {  	s7 =	sld [smem:$0x3FB1]  }
0x2d: {  	s3 =	simm.s32 $0x108;
	s8 =	sld [smem:$0x3FB2]  }
0x2e: {  	s3 =	simm.s32 @!p0 $0x1082;
	s9 =	sld [smem:$0x3FB3]  }
0x2f: {  	lr =	sadd.s32 s0, s3;
	s0 =	sld [smem:$0x3FAA]  }
0x30: {  	s3 =	sld [smem:$0x3FAD]  }
0x31: {  	[smem:$0x3FB6] =	sst s10  }
0x32: {  	s10 =	sld [smem:$0x3FB4];
	_ =	sdelay $0x3  }
0x33: {  	p0 =	seq.s32 s10, $0x1;
	s10 =	sld [smem:$0x3FB6];
	_ =	sdelay $0x3  }
0x34: {  	[smem:$0x3FB6] =	sst s10  }
0x35: {  	s10 =	sld [smem:$0x3FB5];
	_ =	sdelay $0x3  }
0x36: {  	p1 =	seq.s32 s10, $0x1;
	s10 =	sld [smem:$0x3FB6];
	_ =	sdelay $0x3  }
0x37: {  	[smem:$0x3FB6] =	sst s10  }
0x38: {  	s10 =	sld [smem:$0x3FB7]  }
0x39: {  	_ = 	snop;
	(pc) =	sbr.ind lr, $3  }
0x3a: {  	_ = 	snop  }
0x3b: {  	_ = 	snop  }
0x3c: {  	p2 =	seq.s32 s10, $0x1;
	s10 =	sld [smem:$0x3FB6]  }
0x3d: {  	_ =	shalt  }
0x3e: {  	_ =	shalt  }
0x3f: {  	_ =	shalt  }
0x40: {  	_ =	shalt  }
0x41: {  	_ =	shalt  }
0x42: {  	_ =	shalt  }
0x43: {  	_ =	shalt  }
0x44: {  	_ =	shalt  }
0x45: {  	_ =	shalt  }
0x46: {  	_ =	shalt  }
0x47: {  	_ =	shalt  }
0x48: {  	_ =	shalt  }
0x49: {  	_ =	shalt  }
0x4a: {  	_ =	shalt  }
0x4b: {  	_ =	shalt  }
0x4c: {  	_ =	shalt  }
0x4d: {  	_ =	shalt  }
0x4e: {  	_ =	shalt  }
0x4f: {  	_ =	shalt  }
0x50: {  	_ =	shalt  }
0x51: {  	_ =	shalt  }
0x52: {  	_ =	shalt  }
0x53: {  	_ =	shalt  }
0x54: {  	_ =	shalt  }
0x55: {  	_ =	shalt  }
0x56: {  	_ =	shalt  }
0x57: {  	_ =	shalt  }
0x58: {  	_ =	shalt  }
0x59: {  	_ =	shalt  }
0x5a: {  	_ =	shalt  }
0x5b: {  	_ =	shalt  }
0x5c: {  	_ =	shalt  }
0x5d: {  	_ =	shalt  }
0x5e: {  	_ =	shalt  }
0x5f: {  	_ =	shalt  }
0x60: {  	_ =	shalt  }
0x61: {  	_ =	shalt  }
0x62: {  	_ =	shalt  }
0x63: {  	_ =	shalt  }
0x64: {  	_ =	shalt  }
0x65: {  	_ =	shalt  }
0x66: {  	_ =	shalt  }
0x67: {  	_ =	shalt  }
0x68: {  	_ =	shalt  }
0x69: {  	_ =	shalt  }
0x6a: {  	_ =	shalt  }
0x6b: {  	_ =	shalt  }
0x6c: {  	_ =	shalt  }
0x6d: {  	_ =	shalt  }
0x6e: {  	_ =	shalt  }
0x6f: {  	_ =	shalt  }
0x70: {  	_ =	shalt  }
0x71: {  	_ =	shalt  }
0x72: {  	_ =	shalt  }
0x73: {  	_ =	shalt  }
0x74: {  	_ =	shalt  }
0x75: {  	_ =	shalt  }
0x76: {  	_ =	shalt  }
0x77: {  	_ =	shalt  }
0x78: {  	_ =	shalt  }
0x79: {  	_ =	shalt  }
0x7a: {  	_ =	shalt  }
0x7b: {  	_ =	shalt  }
0x7c: {  	_ =	shalt  }
0x7d: {  	_ =	shalt  }
0x7e: {  	_ =	shalt  }
0x7f: {  	_ =	shalt  }
0x80: {  	_ =	shalt  }
0x81: {  	_ =	shalt  }
0x82: {  	_ =	shalt  }
0x83: {  	_ =	shalt  }
0x84: {  	_ =	shalt  }
0x85: {  	_ =	shalt  }
0x86: {  	_ =	shalt  }
0x87: {  	_ =	shalt  }
.Lfunc_end0:
.L_simem_size_0:
called_computation_lowered:
.L_overlay_start_0:
0x88: {  	s2 =	sld [smem:$0x3FD9]  }
0x89: {  	s3 =	sld [smem:$0x3FFE];
	_ =	sdelay $0x1  }
0x8a: {  	s1 =	srdreg.scid  }
0x8b: {  	s0 =	sand.u32 $0x1, s1  }
0x8c: {  	s16 =	sshll.u32 s0, $0xA;
	s2 =	sadd.s32 s3, s2  }
0x8d: {  	s2 =	sadd.s32 s2, s16  }
0x8e: {  	[smem:$0x3FC2] =	sst s2  }
0x8f: {  	_ = 	snop  }
0x90: {  	(tm) =	ssettm $0x1  }
0x91: {  	s17 =	sld [smem:$0x3FFB];
	_ =	sdelay $0x3  }
0x92: {  	_ =	strace s17  }
0x93: {  	s2 =	sld [smem:$0x3FFC];
	_ =	sdelay $0x3  }
0x94: {  	_ =	strace s2  }
0x95: {  	s2 =	sld [smem:$0x3FFD];
	_ =	sdelay $0x3  }
0x96: {  	_ =	strace s2  }
0x97: {  	_ =	strace $0x8FFFFFFF  }
0x98: {  	s18 =	sld [smem:$0x3FDB];
	_ =	sdelay $0x1  }
0x99: {  	s19 =	simm.s32 $_scs_section_size  }
0x9a: {  	s4 =	simm.s32 $_size__tile_overlayer_lowered;
	s5 =	simm.s32 $_tile_overlayer_lowered  }
0x9b: {  	s22 =	simm.s32 $0x1BFF;
	s21 =	sshll.u32 s5, $0x1;
	s2 =	sadd.s32 s19, s18  }
0x9c: {  	s6 =	simm.s32 $0x0;
	s20 =	sshll.u32 s4, $0x1;
	s4 =	sadd.s32 s21, s2  }
0x9d: {  	[timem:s6], [sflag:s22] =	dma.local [hbm:s4], s20  }
0x9e: {  	_ =	swait.ge [sflag:s22], s20  }
0x9f: {  	s3 =	ssub.s32 $0x0, s20;
	[sflag:s22] =	ssyncset.done $0x0  }
0xa0: {  	[sflag:s22] =	ssyncadd.s32 s3;
	_ =	sdelay $0x1  }
0xa1: {  	s23 =	simm.s32 $0x1B8B  }
0xa2: {  	_ =	swait.ge [sflag:s23], $0x1  }
0xa3: {  	[sflag:s23] =	ssyncset.done $0x0  }
0xa4: {  	s25 =	simm.s32 $0x1B8E;
	s24 =	sld [smem:$0x3FFE];
	[sflag:s23] =	ssyncadd.s32 $0xFFFFFFFF  }
0xa5: {  	s26 =	simm.s32 $execute0_lowered;
	[smem:$0x3FD2] =	sst s25  }
0xa6: {  	s4 =	sshll.u32 s26, $0x1;
	_ =	strace $0x80000046;
	[dreg:$0x1] =	wrdreg $0xFFFFFFFF  }
0xa7: {  	s28 =	simm.s32 $_size_execute0_lowered;
	s2 =	sadd.s32 s2, s4;
	[dreg:$0x0] =	wrdreg $0x0  }
0xa8: {  	s4 =	sshll.u32 s28, $0x1;
	[dreg:$0x2] =	wrdreg s2  }
0xa9: {  	[dreg:$0x3] =	wrdreg s4  }
0xaa: {  	[dreg:$0x4] =	wrdreg $0xC0  }
0xab: {  	_ =	task [dreg:s6], $0x5FFFF  }
0xac: {  	[dreg:$0x1] =	wrdreg $0xFFFFFFFF  }
0xad: {  	[dreg:$0x0] =	wrdreg $0x60  }
0xae: {  	[dreg:$0x2] =	wrdreg s24  }
0xaf: {  	[dreg:$0x3] =	wrdreg $0x54000  }
0xb0: {  	[dreg:$0x4] =	wrdreg $0x9  }
0xb1: {  	_ =	task.clear_ibuf [dreg:s6], $0x5FFFF;
	_ =	strace $0x90000046  }
0xb2: {  	s29 =	simm.s32 $0x9;
	_ =	strace $0x80000048  }
0xb3: {  	_ =	swait.ge [sflag:s29], $0x1  }
0xb4: {  	[sflag:s29] =	ssyncadd.s32 $0xFFFFFFFF  }
0xb5: {  	_ =	strace $0x90000048  }
0xb6: {  	_ =	sfence  }
0xb7: {  	s30 =	sld [smem:$0x0];
	_ =	sdelay $0x2  }
0xb8: {  	s31 =	sshll.u32 s1, $0xD;
	s1 =	sshrl.u32 s1, $0x2  }
0xb9: {  	s3 =	sand.u32 $0x4000, s31;
	s1 =	sadd.s32 s1, s30  }
0xba: {  	s0 =	sor.u32 s3, s0;
	s1 =	sshll.u32 s1, $0x11  }
0xbb: {  	s0 =	sor.u32 s1, s0  }
0xbc: {  	s0 =	sadd.s32 $0x8F2B, s0  }
0xbd: {  	[sflag:s0] =	ssyncadd.remote.s32 $0x1  }
0xbe: {  	_ =	sfence.sel $0xFFFF  }
0xbf: {  	[dreg:$0x0] =	wrdreg $0xFFFFFFFF;
	(pc) =	sbr.abs _section_cstart, $3  }
0xc0: {  	[dreg:$0x1] =	wrdreg $0xFFFFFFFF  }
0xc1: {  	_ =	task.clear_ibuf [dreg:s6], $0x2FFFF;
	_ =	strace $0x9FFFFFFF  }
0xc2: {  	(tm) =	ssettm $0x7FFFFFFF  }
0xc3: {  	_ =	shalt  }
tec
execute0_lowered:
.L_overlay_start_1:
0x0: {  	(tag) =	ssettag $0x1  }
0x1: {  	s0 =	srdreg.scid;
	s16 =	rddreg [dreg:$0x0]  }
0x2: {  	s2 =	rddreg [dreg:$0x1];
	s1 =	stileid.u32;
	s3 =	simm.s32 $0x0  }
0x3: {  	s22 =	simm.s32 $0xA200;
	s25 =	simm.s32 $0x2;
	s26 =	simm.s32 $0x0  }
0x4: {  	s8 =	sand.u32 $0x1, s0;
	s0 =	rddreg [dreg:$0x2];
	s7 =	smul.u32 $0x50000, s1  }
0x5: {  	[smem:$0x7FF] =	sst s3;
	s5 =	sadd.s32 $0x9A00, s16;
	s17 =	smul.u32 $0x280, s1  }
0x6: {  	s18 =	smul.u32 $0x2800, s1;
	s4 =	sshll.u32 s8, $0x4;
	_ =	strace $0x80000047  }
0x7: {  	s6 =	ssub.s32 $0x2, s8;
	p0 =	seq.s32 s8, $0x0;
	s4 =	sor.u32 s1, s4  }
0x8: {  	s10 =	sshrl.u32 s6, $0x1;
	s28 =	sshrl.u32 s7, $0x2;
	s14 =	sadd.s32 $0x80, s17  }
0x9: {  	s15 =	sadd.s32 $0x100, s17;
	s29 =	sadd.s32 $0x180, s17;
	s17 =	sadd.s32 $0x200, s17  }
0xa: {  	s22 =	simm.s32 @!p0 $0x32200;
	s4 =	smul.u32 $0x280, s4;
	s10 =	ssub.s32 s6, s10  }
0xb: {  	s6 =	sadd.s32 s28, s2;
	s13 =	sshll.u32 s14, $0x7;
	s19 =	sshll.u32 s15, $0x7  }
0xc: {  	s20 =	sshll.u32 s14, $0x4;
	s21 =	sshll.u32 s15, $0x4;
	s30 =	sshll.u32 s29, $0x7  }
0xd: {  	s23 =	sshll.u32 s29, $0x4;
	s31 =	sshll.u32 s17, $0x7;
	s22 =	sadd.s32 s22, s16  }
0xe: {  	s24 =	sshll.u32 s17, $0x4;
	s8 =	smax.u32 s10, $0x1;
	s10 =	sadd.s32 $0x8000, s6  }
0xf: {  	s11 =	sadd.s32 $0xC000, s6;
	s12 =	sadd.s32 $0x10000, s6;
	s13 =	sadd.s32 s13, s2  }
0x10: {  	s14 =	sadd.s32 s19, s2;
	s15 =	sadd.s32 s30, s2;
	s17 =	sadd.s32 s22, s18  }
0x11: {  	s18 =	sadd.s32 s22, s20;
	s19 =	sadd.s32 s22, s21;
	s20 =	sadd.s32 s22, s23  }
0x12: {  	s21 =	sadd.s32 s22, s24;
	s22 =	simm.s32 $0x1400;
	s23 =	simm.s32 $0x1  }
0x13: {  	s24 =	simm.s32 $0x80;
	s9 =	sadd.s32 s4, s16;
	s4 =	sadd.s32 $0x9200, s16  }
0x14: {  	s16 =	sadd.s32 s31, s2;
	s7 =	sadd.s32 $0x4200, s9;
	s9 =	sadd.s32 $0x4000, s6  }
.LBB2_1:
0x15: {  	[tilespmem:s22], [sflag:$0x1] =	stream.linear.gather [hbm4b:s4+s3], $0x4000, $0x38;
	[tilespmem:$0x19400] =	vst v63  }
0x16: {  	_ =	swait.ge [sflag:s23], $0x4000  }
0x17: {  	[sflag:s23] =	ssyncset.done $0x0  }
0x18: {  	[sflag:s23] =	ssyncadd.s32 $0xFFFFC000  }
0x19: {  	[spmem:s6] =	stream.linear.scatter [tilespmem:s22], [sflag:$0x1], $0x4000, $0x38;
	[tilespmem:$0x19400] =	vst v63  }
0x1a: {  	_ =	swait.ge [sflag:s23], $0x4000  }
0x1b: {  	[sflag:s23] =	ssyncset.done $0x0  }
0x1c: {  	[sflag:s23] =	ssyncadd.s32 $0xFFFFC000  }
0x1d: {  	[spmem:s9] =	stream.linear.scatter [tilespmem:s22], [sflag:$0x1], $0x4000, $0x38;
	[tilespmem:$0x19400] =	vst v63  }
0x1e: {  	_ =	swait.ge [sflag:s23], $0x4000  }
0x1f: {  	[sflag:s23] =	ssyncset.done $0x0  }
0x20: {  	[sflag:s23] =	ssyncadd.s32 $0xFFFFC000  }
0x21: {  	[spmem:s10] =	stream.linear.scatter [tilespmem:s22], [sflag:$0x1], $0x4000, $0x38;
	[tilespmem:$0x19400] =	vst v63  }
0x22: {  	_ =	swait.ge [sflag:s23], $0x4000  }
0x23: {  	[sflag:s23] =	ssyncset.done $0x0  }
0x24: {  	[sflag:s23] =	ssyncadd.s32 $0xFFFFC000  }
0x25: {  	[spmem:s11] =	stream.linear.scatter [tilespmem:s22], [sflag:$0x1], $0x4000, $0x38;
	[tilespmem:$0x19400] =	vst v63  }
0x26: {  	_ =	swait.ge [sflag:s23], $0x4000  }
0x27: {  	[sflag:s23] =	ssyncset.done $0x0  }
0x28: {  	[sflag:s23] =	ssyncadd.s32 $0xFFFFC000  }
0x29: {  	[spmem:s12] =	stream.linear.scatter [tilespmem:s22], [sflag:$0x1], $0x4000, $0x38;
	[tilespmem:$0x19400] =	vst v63  }
0x2a: {  	_ =	swait.ge [sflag:s23], $0x4000  }
0x2b: {  	[sflag:s23] =	ssyncset.done $0x0  }
0x2c: {  	[sflag:s23] =	ssyncadd.s32 $0xFFFFC000  }
0x2d: {  	[tilespmem:s22], [sflag:$0x1] =	stream.linear.gather [hbm4b:s5+s3], $0x4000, $0x38;
	[tilespmem:$0x19400] =	vst v63  }
0x2e: {  	_ =	swait.ge [sflag:s23], $0x4000  }
0x2f: {  	[sflag:s23] =	ssyncset.done $0x0  }
0x30: {  	[sflag:s23] =	ssyncadd.s32 $0xFFFFC000  }
0x31: {  	[tilespmem:s3], [sflag:$0x1] =	stream.linear.gather [hbm4b:s7+s3], $0x1400, $0x38;
	[tilespmem:$0x19400] =	vst v63  }
0x32: {  	_ =	swait.ge [sflag:s23], $0x1400  }
0x33: {  	[sflag:s23] =	ssyncset.done $0x0  }
0x34: {  	[sflag:s23] =	ssyncadd.s32 $0xFFFFEC00  }
0x35: {  	s28 =	simm.s32 $0x0;
	[bflag:$0x0] =	sbarrier.arrive $0xFFFF  }
0x36: {  	[spmem:s2] =	stream.indirect.scatter.add.f32 [tilespmem:s22], [sflag:$0x1], $0x80, s28, s24, $0xb8;
	[tilespmem:$0x19400] =	vst v63  }
0x37: {  	_ =	swait.ge [sflag:s23], $0x4000  }
0x38: {  	s28 =	simm.s32 $0x200;
	[sflag:s23] =	ssyncset.done $0x0  }
.LBB2_2:
0x39: {  	s29 =	sshra.s32 s28, $0x2;
	[sflag:s23] =	ssyncadd.s32 $0xFFFFC000;
	p1 =	sne.s32 s28, $0x4E00  }
0x3a: {  	[spmem:s2] =	stream.indirect.scatter.add.f32 [tilespmem:s22], [sflag:$0x1], $0x80, s29, s24, $0xb8;
	[tilespmem:$0x19400] =	vst v63  }
.Ltmp0:
0x3b: {  	_ = 	snop;
	(pc) =	sbr.rel @p1 .LBB2_2-.Ltmp0, $4  }
0x3c: {  	_ = 	snop  }
0x3d: {  	s28 =	sadd.s32 $0x200, s28  }
0x3e: {  	_ =	swait.ge [sflag:s23], $0x4000  }
0x3f: {  	[sflag:s23] =	ssyncset.done $0x0  }
0x40: {  	[sflag:s23] =	ssyncadd.s32 $0xFFFFC000  }
0x41: {  	[bflag:$0x0] =	sbarrier.arrive $0xFFFF  }
0x42: {  	[tilespmem:s22], [sflag:$0x2] =	stream.linear.gather [spmem:s6], $0x4000, $0x38;
	[tilespmem:$0x19400] =	vst v63  }
0x43: {  	_ =	swait.ge [sflag:s25], $0x4000  }
0x44: {  	s28 =	simm.s32 $0x2;
	[sflag:s25] =	ssyncset.done $0x0  }
0x45: {  	s28 =	simm.s32 @!p0 $0x1;
	[sflag:s25] =	ssyncadd.s32 $0xFFFFC000  }
0x46: {  	[hbm4b:s17+s3] =	stream.linear.scatter [tilespmem:s22], [sflag:s28], $0x4000, $0x38;
	[tilespmem:$0x19400] =	vst v63  }
0x47: {  	_ =	swait.ge [sflag:s28], $0x4000  }
0x48: {  	[sflag:s28] =	ssyncset.done $0x0  }
0x49: {  	[sflag:s28] =	ssyncadd.s32 $0xFFFFC000  }
0x4a: {  	[tilespmem:s22], [sflag:$0x2] =	stream.linear.gather [spmem:s13], $0x4000, $0x38;
	[tilespmem:$0x19400] =	vst v63  }
0x4b: {  	_ =	swait.ge [sflag:s25], $0x4000  }
0x4c: {  	[sflag:s25] =	ssyncset.done $0x0  }
0x4d: {  	[sflag:s25] =	ssyncadd.s32 $0xFFFFC000  }
0x4e: {  	[hbm4b:s18+s3] =	stream.linear.scatter [tilespmem:s22], [sflag:s28], $0x4000, $0x38;
	[tilespmem:$0x19400] =	vst v63  }
0x4f: {  	_ =	swait.ge [sflag:s28], $0x4000  }
0x50: {  	[sflag:s28] =	ssyncset.done $0x0  }
0x51: {  	[sflag:s28] =	ssyncadd.s32 $0xFFFFC000  }
0x52: {  	[tilespmem:s22], [sflag:$0x2] =	stream.linear.gather [spmem:s14], $0x4000, $0x38;
	[tilespmem:$0x19400] =	vst v63  }
0x53: {  	_ =	swait.ge [sflag:s25], $0x4000  }
0x54: {  	[sflag:s25] =	ssyncset.done $0x0  }
0x55: {  	[sflag:s25] =	ssyncadd.s32 $0xFFFFC000  }
0x56: {  	[hbm4b:s19+s3] =	stream.linear.scatter [tilespmem:s22], [sflag:s28], $0x4000, $0x38;
	[tilespmem:$0x19400] =	vst v63  }
0x57: {  	_ =	swait.ge [sflag:s28], $0x4000  }
0x58: {  	[sflag:s28] =	ssyncset.done $0x0  }
0x59: {  	[sflag:s28] =	ssyncadd.s32 $0xFFFFC000  }
0x5a: {  	[tilespmem:s22], [sflag:$0x2] =	stream.linear.gather [spmem:s15], $0x4000, $0x38;
	[tilespmem:$0x19400] =	vst v63  }
0x5b: {  	_ =	swait.ge [sflag:s25], $0x4000  }
0x5c: {  	[sflag:s25] =	ssyncset.done $0x0  }
0x5d: {  	[sflag:s25] =	ssyncadd.s32 $0xFFFFC000  }
0x5e: {  	[hbm4b:s20+s3] =	stream.linear.scatter [tilespmem:s22], [sflag:s28], $0x4000, $0x38;
	[tilespmem:$0x19400] =	vst v63  }
0x5f: {  	_ =	swait.ge [sflag:s28], $0x4000  }
0x60: {  	[sflag:s28] =	ssyncset.done $0x0  }
0x61: {  	[sflag:s28] =	ssyncadd.s32 $0xFFFFC000  }
0x62: {  	[tilespmem:s22], [sflag:$0x2] =	stream.linear.gather [spmem:s16], $0x4000, $0x38;
	[tilespmem:$0x19400] =	vst v63  }
0x63: {  	s26 =	sadd.s32 $0x1, s26;
	_ =	swait.ge [sflag:s25], $0x4000  }
0x64: {  	p1 =	sne.s32 s26, s8;
	[sflag:s25] =	ssyncset.done $0x0  }
.Ltmp1:
0x65: {  	[sflag:s25] =	ssyncadd.s32 $0xFFFFC000;
	(pc) =	sbr.rel @p1 .LBB2_1-.Ltmp1, $4  }
0x66: {  	[hbm4b:s21+s3] =	stream.linear.scatter [tilespmem:s22], [sflag:s28], $0x4000, $0x38;
	[tilespmem:$0x19400] =	vst v63  }
0x67: {  	_ =	swait.ge [sflag:s28], $0x4000  }
0x68: {  	[sflag:s28] =	ssyncset.done $0x0  }
0x69: {  	[sflag:s28] =	ssyncadd.s32 $0xFFFFC000  }
0x6a: {  	_ =	sfence.sel $0x180000  }
0x6b: {  	[bflag:$0x0] =	sbarrier.arrive $0xFFFF  }
0x6c: {  	p0 =	sne.s32 s1, $0x0;
	_ =	strace $0x90000047  }
0x6d: {  	s0 =	sadd.s32 @!p0 $0x100000, s0;
	[bflag:$0x2] =	sbarrier.arrive $0xFFFF  }
0x6e: {  	[sflag:s0] =	ssyncadd.tile.s32 @!p0 $0x1;
	_ =	shalt  }
.Lfunc_end2:
_tile_overlayer_lowered:
.L_overlay_start_2:
0x6f: {  	(tag) =	ssettag $0x2  }
0x70: {  	s0 =	rddreg [dreg:$0x0];
	s2 =	stileid.u32  }
0x71: {  	s1 =	rddreg [dreg:$0x1];
	p0 =	sne.s32 s2, $0x0  }
0x72: {  	s3 =	rddreg [dreg:$0x2];
	[bflag:$0x3] =	sbarrier.arrive $0xFFFF;
	s2 =	simm.s32 @!p0 $0x1C01  }
0x73: {  	[timem:s3], [sflag:s2] =	dma.local @!p0 [hbm:s0], s1  }
0x74: {  	s0 =	simm.s32 @!p0 $0x1  }
0x75: {  	_ =	swait.ge @!p0 [sflag:s0], s1  }
0x76: {  	s1 =	ssub.s32 @!p0 $0x0, s1;
	[sflag:s0] =	ssyncset.done @!p0 $0x0  }
0x77: {  	[sflag:s0] =	ssyncadd.s32 @!p0 s1  }
0x78: {  	[bflag:$0x3] =	sbarrier.arrive $0xFFFF  }
0x79: {  	_ =	shalt  }

</sc_bundles>
